<compile_context>
chip_gen: v7x
topology: tpu7x:2x2x1
jax: 0.10.2.dev20260603
libtpu: 0.0.44.dev20260713+nightly
codegen_flags: <defaults>
</compile_context>

<pallas_src>
import functools

import jax
import jax.numpy as jnp
from jax import lax
from jax.experimental import pallas as pl
from jax.experimental.pallas import tpu as pltpu
from jax.experimental.pallas import tpu_sc as plsc

N = 10000
E = 320000
G = 16
NC, NS, L = 2, 16, 16
NW = NC * NS
C = 128
CPT = 80
CPT0 = 155
CPT1 = 5
N_CHUNKS = NS * (CPT0 + CPT1)
E_PAD = C * N_CHUNKS
IDX_ROWS = N_CHUNKS
ROWS_PT = 640
N_ACC = ROWS_PT * NS
BLK = 1000
GRID = N // BLK


def _sc_mesh():
    return plsc.VectorSubcoreMesh(
        core_axis_name="c", subcore_axis_name="s",
        num_cores=NC, num_subcores=NS)


def _fill(ref, rows, cols, val):
    def row_body(r, _):
        def col_body(j, __):
            ref[r, pl.ds(j * L, L)] = jnp.full((L,), val, jnp.float32)
            return 0
        return lax.fori_loop(0, cols // L, col_body, 0)
    lax.fori_loop(0, rows, row_body, 0)


NB = 5
LA = 3


def _make_seg_sum(D):

    def body(y_hbm, src_hbm, dst_hbm, out_hbm, src_v, dst_v, acc, *rest):
        rows = rest[:NB]
        sem_g = rest[NB:2 * NB]
        sem_s = rest[2 * NB:]
        cid = lax.axis_index("c")
        sid = lax.axis_index("s")
        cpt = jnp.where(cid == 0, CPT0, CPT1)
        base = cid * (NS * CPT0) + sid * cpt
        @pl.when(cid == 0)
        def _():
            pltpu.sync_copy(src_hbm.at[pl.ds(base, CPT0)],
                            src_v.at[pl.ds(0, CPT0)])
            pltpu.sync_copy(dst_hbm.at[pl.ds(base, CPT0)],
                            dst_v.at[pl.ds(0, CPT0)])
        @pl.when(cid == 1)
        def _():
            pltpu.sync_copy(src_hbm.at[pl.ds(base, CPT1)],
                            src_v.at[pl.ds(0, CPT1)])
            pltpu.sync_copy(dst_hbm.at[pl.ds(base, CPT1)],
                            dst_v.at[pl.ds(0, CPT1)])
        _fill(rows[0], C, D, 0.0)
        def zero_stripe(j, _):
            pltpu.sync_copy(rows[0], acc.at[pl.ds(sid * ROWS_PT + j * C, C)])
            return 0
        lax.fori_loop(0, ROWS_PT // C, zero_stripe, 0)
        plsc.subcore_barrier()
        for c0 in range(LA):
            pltpu.async_copy(y_hbm.at[src_v.at[c0]], rows[c0], sem_g[c0])
        def round_body(t, _):
            for b in range(NB):
                ci = t * NB + b
                bg = (b + LA) % NB
                cg = ci + LA
                @pl.when(jnp.logical_and(cg < cpt, cg >= NB))
                def _():
                    pltpu.make_async_copy(
                        rows[bg], acc.at[dst_v.at[cg - NB]], sem_s[bg]).wait()
                @pl.when(cg < cpt)
                def _():
                    pltpu.async_copy(
                        y_hbm.at[src_v.at[cg]], rows[bg], sem_g[bg])
                pltpu.make_async_copy(
                    y_hbm.at[src_v.at[ci]], rows[b], sem_g[b]).wait()
                pltpu.async_copy(
                    rows[b], acc.at[dst_v.at[ci]], sem_s[b], add=True)
            return 0
        lax.fori_loop(0, cpt // NB, round_body, 0)
        for b in range(NB):
            pltpu.make_async_copy(
                rows[b], acc.at[dst_v.at[cpt - NB + b]], sem_s[b]).wait()
        plsc.subcore_barrier()
        def copy_out(j, _):
            r0 = sid * ROWS_PT + j * C
            pltpu.sync_copy(acc.at[pl.ds(r0, C)], rows[0])
            pltpu.sync_copy(rows[0], out_hbm.at[cid, pl.ds(r0, C)])
            return 0
        lax.fori_loop(0, ROWS_PT // C, copy_out, 0)

    return pl.kernel(
        body,
        out_type=jax.ShapeDtypeStruct((NC, N_ACC, D), jnp.float32),
        mesh=_sc_mesh(),
        compiler_params=pltpu.CompilerParams(use_tc_tiling_on_sc=False),
        scratch_types=[
            pltpu.VMEM((CPT0, C), jnp.int32),
            pltpu.VMEM((CPT0, C), jnp.int32),
            pltpu.VMEM_SHARED((N_ACC, D), jnp.float32),
        ] + [pltpu.VMEM((C, D), jnp.float32)] * NB
          + [pltpu.SemaphoreType.DMA] * (2 * NB),
    )


def _make_deg():

    def body(dst_hbm, out_hbm, dst_v, rows_v, acc):
        cid = lax.axis_index("c")
        sid = lax.axis_index("s")
        wid = cid * NS + sid
        pltpu.sync_copy(dst_hbm.at[pl.ds(wid * CPT, CPT)], dst_v)
        _fill(rows_v, C, L, 0.0)
        def zero_stripe(j, _):
            pltpu.sync_copy(rows_v, acc.at[pl.ds(sid * ROWS_PT + j * C, C)])
            return 0
        lax.fori_loop(0, ROWS_PT // C, zero_stripe, 0)
        _fill(rows_v, C, L, 1.0)
        plsc.subcore_barrier()
        def chunk(ci, _):
            pltpu.sync_copy(rows_v, acc.at[dst_v.at[ci]], add=True)
            return 0
        lax.fori_loop(0, CPT, chunk, 0)
        plsc.subcore_barrier()
        def copy_out(j, _):
            r0 = sid * ROWS_PT + j * C
            pltpu.sync_copy(acc.at[pl.ds(r0, C)], rows_v)
            pltpu.sync_copy(rows_v, out_hbm.at[cid, pl.ds(r0, C)])
            return 0
        lax.fori_loop(0, ROWS_PT // C, copy_out, 0)

    return pl.kernel(
        body,
        out_type=jax.ShapeDtypeStruct((NC, N_ACC, L), jnp.float32),
        mesh=_sc_mesh(),
        compiler_params=pltpu.CompilerParams(use_tc_tiling_on_sc=False),
        scratch_types=[
            pltpu.VMEM((CPT, C), jnp.int32),
            pltpu.VMEM((C, L), jnp.float32),
            pltpu.VMEM_SHARED((N_ACC, L), jnp.float32),
        ],
    )




def _tc_pre(x_ref, w1_ref, deg_ref, y1_ref, dis_ref):
    deg = deg_ref[0, :, 0:1] + deg_ref[1, :, 0:1] + 1.0
    dis = lax.rsqrt(deg)
    xw = jnp.dot(x_ref[...], w1_ref[...], preferred_element_type=jnp.float32)
    y1_ref[...] = xw * dis
    dis_ref[...] = dis


def _tc_mid(s1_ref, y1_ref, dis_ref, b1_ref, z_ref):
    s = s1_ref[0] + s1_ref[1]
    dis = dis_ref[...]
    h1 = jnp.maximum(dis * (s + y1_ref[...]) + b1_ref[...], 0.0)
    z_ref[...] = h1 * dis


def _tc_post(sz_ref, z_ref, dis_ref, w2_ref, b2_ref, batch_ref,
             wf1_ref, bf1_ref, wf2_ref, bf2_ref, wf3_ref, bf3_ref,
             wf4_ref, bf4_ref, out_ref, pooled, cnt):
    i = pl.program_id(0)
    dis = dis_ref[...]
    u = jnp.dot(sz_ref[0] + sz_ref[1] + z_ref[...], w2_ref[...],
                preferred_element_type=jnp.float32)
    h2 = jnp.maximum(dis * u + b2_ref[...], 0.0)
    gid = lax.broadcasted_iota(jnp.int32, (BLK, G), 1)
    oh = (batch_ref[...] == gid).astype(jnp.float32)
    dn = (((0,), (0,)), ((), ()))
    pc = lax.dot_general(oh, h2, dn, preferred_element_type=jnp.float32)
    cc = lax.dot_general(oh, jnp.ones_like(h2), dn,
                         preferred_element_type=jnp.float32)

    @pl.when(i == 0)
    def _():
        pooled[...] = pc
        cnt[...] = cc

    @pl.when(i > 0)
    def _():
        pooled[...] += pc
        cnt[...] += cc

    @pl.when(i == GRID - 1)
    def _():
        m = pooled[...] / jnp.maximum(cnt[...], 1.0)
        a = jnp.maximum(jnp.dot(m, wf1_ref[...],
                                preferred_element_type=jnp.float32)
                        + bf1_ref[...], 0.0)
        a = jnp.maximum(jnp.dot(a, wf2_ref[...],
                                preferred_element_type=jnp.float32)
                        + bf2_ref[...], 0.0)
        a = jnp.maximum(jnp.dot(a, wf3_ref[...],
                                preferred_element_type=jnp.float32)
                        + bf3_ref[...], 0.0)
        out_ref[...] = jnp.dot(a, wf4_ref[...],
                               preferred_element_type=jnp.float32) + bf4_ref[...]


def _full(shape):
    return pl.BlockSpec(shape, lambda i: (0,) * len(shape))


def kernel(x, edge_index, batch, W1, b1, W2, b2,
           Wf1, bf1, Wf2, bf2, Wf3, bf3, Wf4, bf4):
    pad = E_PAD - E
    junk = N + jnp.arange(pad, dtype=jnp.int32) % (N_ACC - N)
    src_p = jnp.concatenate(
        [edge_index[0], jnp.zeros((pad,), jnp.int32)]
    ).reshape(IDX_ROWS, C)
    dst_p = jnp.concatenate(
        [edge_index[1], junk]).reshape(IDX_ROWS, C)

    deg2 = _make_deg()(dst_p)

    y1, dis = pl.pallas_call(
        _tc_pre,
        grid=(GRID,),
        in_specs=[
            pl.BlockSpec((BLK, 128), lambda i: (i, 0)),
            _full((128, 64)),
            pl.BlockSpec((NC, BLK, L), lambda i: (0, i, 0)),
        ],
        out_specs=[
            pl.BlockSpec((BLK, 64), lambda i: (i, 0)),
            pl.BlockSpec((BLK, 1), lambda i: (i, 0)),
        ],
        out_shape=[
            jax.ShapeDtypeStruct((N, 64), jnp.float32),
            jax.ShapeDtypeStruct((N, 1), jnp.float32),
        ],
    )(x, W1, deg2)

    seg64 = _make_seg_sum(64)
    s1 = seg64(y1, src_p, dst_p)

    z = pl.pallas_call(
        _tc_mid,
        grid=(GRID,),
        in_specs=[
            pl.BlockSpec((NC, BLK, 64), lambda i: (0, i, 0)),
            pl.BlockSpec((BLK, 64), lambda i: (i, 0)),
            pl.BlockSpec((BLK, 1), lambda i: (i, 0)),
            _full((1, 64)),
        ],
        out_specs=pl.BlockSpec((BLK, 64), lambda i: (i, 0)),
        out_shape=jax.ShapeDtypeStruct((N, 64), jnp.float32),
    )(s1, y1, dis, b1.reshape(1, 64))

    sz = seg64(z, src_p, dst_p)

    Wf4p = jnp.pad(Wf4, ((0, 0), (0, 28)))
    bf4p = jnp.pad(bf4, (0, 28)).reshape(1, 128)

    out128 = pl.pallas_call(
        _tc_post,
        grid=(GRID,),
        in_specs=[
            pl.BlockSpec((NC, BLK, 64), lambda i: (0, i, 0)),
            pl.BlockSpec((BLK, 64), lambda i: (i, 0)),
            pl.BlockSpec((BLK, 1), lambda i: (i, 0)),
            _full((64, 128)),
            _full((1, 128)),
            pl.BlockSpec((BLK, 1), lambda i: (i, 0)),
            _full((128, 256)), _full((1, 256)),
            _full((256, 512)), _full((1, 512)),
            _full((512, 512)), _full((1, 512)),
            _full((512, 128)), _full((1, 128)),
        ],
        out_specs=pl.BlockSpec((G, 128), lambda i: (0, 0)),
        out_shape=jax.ShapeDtypeStruct((G, 128), jnp.float32),
        scratch_shapes=[
            pltpu.VMEM((G, 128), jnp.float32),
            pltpu.VMEM((G, 128), jnp.float32),
        ],
    )(sz, z, dis, W2, b2.reshape(1, 128), batch.reshape(N, 1),
      Wf1, bf1.reshape(1, 256), Wf2, bf2.reshape(1, 512),
      Wf3, bf3.reshape(1, 512), Wf4p, bf4p)

    return out128[:, :100].reshape(G, 10, 10)

# --- scband reference (transcript-rebuilt; emitter-appended) ---
"""Pipeline reference for scband-graph2-mesh-59889023975748 (READ-ONLY COPY).

The authoritative reference and input builder live on the scoring server;
editing this copy changes nothing except your own understanding.
"""

import jax, jax.numpy as jnp
import numpy as np

N = 10000
E = 320000
G = 16
D_IN = 128


def _glorot(key, shape):
    fan_in = shape[0]
    return jax.random.normal(key, shape, dtype=jnp.float32) * (1.0 / np.sqrt(fan_in))


def setup_inputs(seed: int = 0) -> dict:
    key = jax.random.key(seed)
    ks = jax.random.split(key, 16)
    inp = {}
    inp["x"] = jax.random.normal(ks[0], (N, D_IN), dtype=jnp.float32)
    inp["edge_index"] = jax.random.randint(ks[1], (2, E), 0, N, dtype=jnp.int32)
    inp["batch"] = jnp.sort(jax.random.randint(ks[2], (N,), 0, G, dtype=jnp.int32))
    inp["W1"] = _glorot(ks[3], (D_IN, 64)); inp["b1"] = jnp.zeros((64,), jnp.float32)
    inp["W2"] = _glorot(ks[4], (64, 128)); inp["b2"] = jnp.zeros((128,), jnp.float32)
    inp["Wf1"] = _glorot(ks[5], (128, 256)); inp["bf1"] = jnp.zeros((256,), jnp.float32)
    inp["Wf2"] = _glorot(ks[6], (256, 512)); inp["bf2"] = jnp.zeros((512,), jnp.float32)
    inp["Wf3"] = _glorot(ks[7], (512, 512)); inp["bf3"] = jnp.zeros((512,), jnp.float32)
    inp["Wf4"] = _glorot(ks[8], (512, 100)); inp["bf4"] = jnp.zeros((100,), jnp.float32)
    return inp


def _gcn_conv(x, edge_index, W, b):
    n = x.shape[0]
    loops = jnp.arange(n, dtype=edge_index.dtype)
    src = jnp.concatenate([edge_index[0], loops])
    dst = jnp.concatenate([edge_index[1], loops])
    deg = jnp.zeros((n,), x.dtype).at[dst].add(1.0)
    dis = jnp.where(deg > 0, 1.0 / jnp.sqrt(deg), 0.0)
    norm = dis[src] * dis[dst]
    xw = x @ W
    msg = jnp.take(xw, src, axis=0) * norm[:, None]
    out = jnp.zeros((n, W.shape[1]), x.dtype).at[dst].add(msg)
    return out + b


def reference(x, edge_index, batch, W1, b1, W2, b2, Wf1, bf1, Wf2, bf2, Wf3, bf3, Wf4, bf4):
    h = jax.nn.relu(_gcn_conv(x, edge_index, W1, b1))
    h = jax.nn.relu(_gcn_conv(h, edge_index, W2, b2))
    # global_mean_pool over graph ids
    counts = jax.ops.segment_sum(jnp.ones((h.shape[0],), h.dtype), batch, num_segments=G)
    pooled = jax.ops.segment_sum(h, batch, num_segments=G)
    pooled = pooled / jnp.maximum(counts, 1.0)[:, None]
    h = jax.nn.relu(pooled @ Wf1 + bf1)
    h = jax.nn.relu(h @ Wf2 + bf2)
    h = jax.nn.relu(h @ Wf3 + bf3)
    h = h @ Wf4 + bf4
    return h.reshape(-1, 10, 10)

if __name__ == "__main__":
    import jax
    _d = setup_inputs()
    print(jax.jit(kernel)(*tuple(_d.values())))

</pallas_src>

<mosaic_0001>
#map = affine_map<(d0, d1) -> (0, 0)>
#map1 = affine_map<(d0, d1) -> (0, 0, 0)>
module attributes {stable_mosaic.version = 14 : i64} {
  func.func @body(%arg0: i32, %arg1: i32, %arg2: memref<2560x128xi32, #tpu.memory_space<hbm>>, %arg3: memref<2x10240x16xf32, #tpu.memory_space<hbm>>, %arg4: memref<80x128xi32, #tpu.memory_space<vmem>>, %arg5: memref<128x16xf32, #tpu.memory_space<vmem>>, %arg6: memref<10240x16xf32, #tpu.memory_space<vmem_shared>>) attributes {dimension_semantics = [#tpu.dimension_semantics<core_parallel>, #tpu.dimension_semantics<subcore_parallel>], iteration_bounds = array<i64: 2, 16>, scalar_prefetch = 0 : i64, scratch_operands = 3 : i64, tpu.core_type = #tpu.core_type<sc_vector_subcore>, window_params = [{transform_indices = #map}, {transform_indices = #map1}]} {
    %mul3A = arith.constant 16 : i32
    %mul3A_0 = arith.muli %arg0, %mul3A : i32
    %add3A = arith.addi %mul3A_0, %arg1 : i32
    %mul3A_1 = arith.constant 80 : i32
    %mul3A_2 = arith.muli %add3A, %mul3A_1 : i32
    "tpu.region"() ({
      %run_scoped3A = tpu.sem_alloc : memref<!tpu.dma_semaphore, #tpu.memory_space<semaphore_mem>>
      %dma_start3A = arith.constant 0 : i32
      %dma_start3A_38 = tpu.memref_slice %arg2[%mul3A_2, %dma_start3A] : memref<2560x128xi32, #tpu.memory_space<hbm>> -> memref<80x128xi32, #tpu.memory_space<hbm>>
      %dma_start3A_39 = arith.constant 0 : i32
      %dma_start3A_40 = tpu.memref_slice %arg2[%mul3A_2, %dma_start3A_39] : memref<2560x128xi32, #tpu.memory_space<hbm>> -> memref<80x128xi32, #tpu.memory_space<hbm>>
      tpu.enqueue_dma source(%dma_start3A_40 : memref<80x128xi32, #tpu.memory_space<hbm>>) target(%arg4 : memref<80x128xi32, #tpu.memory_space<vmem>>) target_semaphore(%run_scoped3A : memref<!tpu.dma_semaphore, #tpu.memory_space<semaphore_mem>>)
      %dma_wait3A = arith.constant 0 : i32
      %dma_wait3A_41 = tpu.memref_slice %arg2[%mul3A_2, %dma_wait3A] : memref<2560x128xi32, #tpu.memory_space<hbm>> -> memref<80x128xi32, #tpu.memory_space<hbm>>
      %dma_wait3A_42 = arith.constant 0 : i32
      %dma_wait3A_43 = tpu.memref_slice %arg2[%mul3A_2, %dma_wait3A_42] : memref<2560x128xi32, #tpu.memory_space<hbm>> -> memref<80x128xi32, #tpu.memory_space<hbm>>
      tpu.wait_dma2 semaphore(%run_scoped3A : memref<!tpu.dma_semaphore, #tpu.memory_space<semaphore_mem>>) src(%dma_wait3A_43 : memref<80x128xi32, #tpu.memory_space<hbm>>) dst(%arg4 : memref<80x128xi32, #tpu.memory_space<vmem>>)
      tpu.yield
    }) : () -> ()
    %scan3A = arith.constant 0 : i32
    %scan3A_3 = arith.constant 0 : i32
    %scan3A_4 = arith.constant 128 : i32
    %scan3A_5 = arith.addi %scan3A_3, %scan3A_4 : i32
    %scan3A_6 = arith.constant 1 : i32
    %scan3A_7 = scf.for %scan3A_38 = %scan3A_3 to %scan3A_5 step %scan3A_6 iter_args(%scan3A_39 = %scan3A) -> (i32)  : i32 {
      %scan3A_40 = arith.constant 0 : i32
      %scan3A_41 = arith.constant 0 : i32
      %broadcast_in_dim3A = arith.constant 0.000000e+00 : f32
      %broadcast_in_dim3A_42 = vector.broadcast %broadcast_in_dim3A : f32 to vector<16xf32>
      %mul3A_43 = arith.constant 16 : i32
      %mul3A_44 = arith.muli %scan3A_41, %mul3A_43 : i32
      %swap3A = arith.index_cast %scan3A_38 : i32 to index
      %swap3A_45 = arith.index_cast %mul3A_44 : i32 to index
      %swap3A_46 = tpu.vector_load %arg5[%swap3A, %swap3A_45] {strides = array<i32>} : memref<128x16xf32, #tpu.memory_space<vmem>>, vector<1x16xf32>,
      %swap3A_47 = vector.shape_cast %swap3A_46 : vector<1x16xf32> to vector<16xf32>
      %swap3A_48 = vector.shape_cast %broadcast_in_dim3A_42 : vector<16xf32> to vector<1x16xf32>
      tpu.vector_store %arg5[%swap3A, %swap3A_45], %swap3A_48 {strides = array<i32>} : memref<128x16xf32, #tpu.memory_space<vmem>>, vector<1x16xf32>,
      %scan3A_49 = arith.constant 0 : i32
      %scan3A_50 = arith.constant 1 : i32
      scf.yield %scan3A_49 : i32
    }
    %scan3A_8 = arith.constant 128 : i32
    %scan3A_9 = arith.constant 0 : i32
    %scan3A_10 = arith.constant 0 : i32
    %scan3A_11 = arith.constant 5 : i32
    %scan3A_12 = arith.addi %scan3A_10, %scan3A_11 : i32
    %scan3A_13 = arith.constant 1 : i32
    %scan3A_14 = scf.for %scan3A_38 = %scan3A_10 to %scan3A_12 step %scan3A_13 iter_args(%scan3A_39 = %scan3A_9) -> (i32)  : i32 {
      %mul3A_40 = arith.constant 640 : i32
      %mul3A_41 = arith.muli %arg1, %mul3A_40 : i32
      %mul3A_42 = arith.constant 128 : i32
      %mul3A_43 = arith.muli %scan3A_38, %mul3A_42 : i32
      %add3A_44 = arith.addi %mul3A_41, %mul3A_43 : i32
      "tpu.region"() ({
        %run_scoped3A = tpu.sem_alloc : memref<!tpu.dma_semaphore, #tpu.memory_space<semaphore_mem>>
        %dma_start3A = arith.constant 0 : i32
        %dma_start3A_46 = tpu.memref_slice %arg6[%add3A_44, %dma_start3A] : memref<10240x16xf32, #tpu.memory_space<vmem_shared>> -> memref<128x16xf32, #tpu.memory_space<vmem_shared>>
        %dma_start3A_47 = arith.constant 0 : i32
        %dma_start3A_48 = tpu.memref_slice %arg6[%add3A_44, %dma_start3A_47] : memref<10240x16xf32, #tpu.memory_space<vmem_shared>> -> memref<128x16xf32, #tpu.memory_space<vmem_shared>>
        tpu.enqueue_dma source(%arg5 : memref<128x16xf32, #tpu.memory_space<vmem>>) target(%dma_start3A_48 : memref<128x16xf32, #tpu.memory_space<vmem_shared>>) target_semaphore(%run_scoped3A : memref<!tpu.dma_semaphore, #tpu.memory_space<semaphore_mem>>)
        %dma_wait3A = arith.constant 0 : i32
        %dma_wait3A_49 = tpu.memref_slice %arg6[%add3A_44, %dma_wait3A] : memref<10240x16xf32, #tpu.memory_space<vmem_shared>> -> memref<128x16xf32, #tpu.memory_space<vmem_shared>>
        %dma_wait3A_50 = arith.constant 0 : i32
        %dma_wait3A_51 = tpu.memref_slice %arg6[%add3A_44, %dma_wait3A_50] : memref<10240x16xf32, #tpu.memory_space<vmem_shared>> -> memref<128x16xf32, #tpu.memory_space<vmem_shared>>
        tpu.wait_dma2 semaphore(%run_scoped3A : memref<!tpu.dma_semaphore, #tpu.memory_space<semaphore_mem>>) src(%arg5 : memref<128x16xf32, #tpu.memory_space<vmem>>) dst(%dma_wait3A_51 : memref<128x16xf32, #tpu.memory_space<vmem_shared>>)
        tpu.yield
      }) : () -> ()
      %scan3A_45 = arith.constant 0 : i32
      scf.yield %scan3A_45 : i32
    }
    %scan3A_15 = arith.constant 5 : i32
    %scan3A_16 = arith.constant 0 : i32
    %scan3A_17 = arith.constant 0 : i32
    %scan3A_18 = arith.constant 128 : i32
    %scan3A_19 = arith.addi %scan3A_17, %scan3A_18 : i32
    %scan3A_20 = arith.constant 1 : i32
    %scan3A_21 = scf.for %scan3A_38 = %scan3A_17 to %scan3A_19 step %scan3A_20 iter_args(%scan3A_39 = %scan3A_16) -> (i32)  : i32 {
      %scan3A_40 = arith.constant 0 : i32
      %scan3A_41 = arith.constant 0 : i32
      %broadcast_in_dim3A = arith.constant 1.000000e+00 : f32
      %broadcast_in_dim3A_42 = vector.broadcast %broadcast_in_dim3A : f32 to vector<16xf32>
      %mul3A_43 = arith.constant 16 : i32
      %mul3A_44 = arith.muli %scan3A_41, %mul3A_43 : i32
      %swap3A = arith.index_cast %scan3A_38 : i32 to index
      %swap3A_45 = arith.index_cast %mul3A_44 : i32 to index
      %swap3A_46 = tpu.vector_load %arg5[%swap3A, %swap3A_45] {strides = array<i32>} : memref<128x16xf32, #tpu.memory_space<vmem>>, vector<1x16xf32>,
      %swap3A_47 = vector.shape_cast %swap3A_46 : vector<1x16xf32> to vector<16xf32>
      %swap3A_48 = vector.shape_cast %broadcast_in_dim3A_42 : vector<16xf32> to vector<1x16xf32>
      tpu.vector_store %arg5[%swap3A, %swap3A_45], %swap3A_48 {strides = array<i32>} : memref<128x16xf32, #tpu.memory_space<vmem>>, vector<1x16xf32>,
      %scan3A_49 = arith.constant 0 : i32
      %scan3A_50 = arith.constant 1 : i32
      scf.yield %scan3A_49 : i32
    }
    %scan3A_22 = arith.constant 128 : i32
    %barrier3A = arith.constant 0 : index
    tpu.barrier barrier_id(%barrier3A)
    %scan3A_23 = arith.constant 0 : i32
    %scan3A_24 = arith.constant 0 : i32
    %scan3A_25 = arith.constant 80 : i32
    %scan3A_26 = arith.addi %scan3A_24, %scan3A_25 : i32
    %scan3A_27 = arith.constant 1 : i32
    %scan3A_28 = scf.for %scan3A_38 = %scan3A_24 to %scan3A_26 step %scan3A_27 iter_args(%scan3A_39 = %scan3A_23) -> (i32)  : i32 {
      "tpu.region"() ({
        %run_scoped3A = tpu.sem_alloc : memref<!tpu.dma_semaphore, #tpu.memory_space<semaphore_mem>>
        %dma_start3A = arith.constant 0 : i32
        %dma_start3A_41 = tpu.memref_slice %arg4[%scan3A_38, %dma_start3A] : memref<80x128xi32, #tpu.memory_space<vmem>> -> memref<1x128xi32, #tpu.memory_space<vmem>>
        %dma_start3A_42 = tpu.memref_squeeze %dma_start3A_41 : memref<1x128xi32, #tpu.memory_space<vmem>> -> memref<128xi32, #tpu.memory_space<vmem>>
        %dma_start3A_43 = arith.constant 0 : i32
        %dma_start3A_44 = arith.constant 0 : i32
        %dma_start3A_45 = tpu.memref_slice %arg6[%dma_start3A_43, %dma_start3A_44] : memref<10240x16xf32, #tpu.memory_space<vmem_shared>> -> memref<10240x16xf32, #tpu.memory_space<vmem_shared>>
        tpu.enqueue_indirect_dma source(%arg5 : memref<128x16xf32, #tpu.memory_space<vmem>>) target(%dma_start3A_45 : memref<10240x16xf32, #tpu.memory_space<vmem_shared>>) offsets(%dma_start3A_42 : memref<128xi32, #tpu.memory_space<vmem>>) semaphore(%run_scoped3A : memref<!tpu.dma_semaphore, #tpu.memory_space<semaphore_mem>>) {add = true}
        %dma_wait3A = arith.constant 0 : i32
        %dma_wait3A_46 = tpu.memref_slice %arg4[%scan3A_38, %dma_wait3A] : memref<80x128xi32, #tpu.memory_space<vmem>> -> memref<1x128xi32, #tpu.memory_space<vmem>>
        %dma_wait3A_47 = tpu.memref_squeeze %dma_wait3A_46 : memref<1x128xi32, #tpu.memory_space<vmem>> -> memref<128xi32, #tpu.memory_space<vmem>>
        %dma_wait3A_48 = arith.constant 0 : i32
        %dma_wait3A_49 = arith.constant 0 : i32
        %dma_wait3A_50 = tpu.memref_slice %arg6[%dma_wait3A_48, %dma_wait3A_49] : memref<10240x16xf32, #tpu.memory_space<vmem_shared>> -> memref<10240x16xf32, #tpu.memory_space<vmem_shared>>
        tpu.wait_indirect_dma semaphore(%run_scoped3A : memref<!tpu.dma_semaphore, #tpu.memory_space<semaphore_mem>>) src(%arg5 : memref<128x16xf32, #tpu.memory_space<vmem>>) dst(%dma_wait3A_50 : memref<10240x16xf32, #tpu.memory_space<vmem_shared>>)
        tpu.yield
      }) : () -> ()
      %scan3A_40 = arith.constant 0 : i32
      scf.yield %scan3A_40 : i32
    }
    %scan3A_29 = arith.constant 80 : i32
    %barrier3A_30 = arith.constant 0 : index
    tpu.barrier barrier_id(%barrier3A_30)
    %scan3A_31 = arith.constant 0 : i32
    %scan3A_32 = arith.constant 0 : i32
    %scan3A_33 = arith.constant 5 : i32
    %scan3A_34 = arith.addi %scan3A_32, %scan3A_33 : i32
    %scan3A_35 = arith.constant 1 : i32
    %scan3A_36 = scf.for %scan3A_38 = %scan3A_32 to %scan3A_34 step %scan3A_35 iter_args(%scan3A_39 = %scan3A_31) -> (i32)  : i32 {
      %mul3A_40 = arith.constant 640 : i32
      %mul3A_41 = arith.muli %arg1, %mul3A_40 : i32
      %mul3A_42 = arith.constant 128 : i32
      %mul3A_43 = arith.muli %scan3A_38, %mul3A_42 : i32
      %add3A_44 = arith.addi %mul3A_41, %mul3A_43 : i32
      "tpu.region"() ({
        %run_scoped3A = tpu.sem_alloc : memref<!tpu.dma_semaphore, #tpu.memory_space<semaphore_mem>>
        %dma_start3A = arith.constant 0 : i32
        %dma_start3A_46 = tpu.memref_slice %arg6[%add3A_44, %dma_start3A] : memref<10240x16xf32, #tpu.memory_space<vmem_shared>> -> memref<128x16xf32, #tpu.memory_space<vmem_shared>>
        %dma_start3A_47 = arith.constant 0 : i32
        %dma_start3A_48 = tpu.memref_slice %arg6[%add3A_44, %dma_start3A_47] : memref<10240x16xf32, #tpu.memory_space<vmem_shared>> -> memref<128x16xf32, #tpu.memory_space<vmem_shared>>
        tpu.enqueue_dma source(%dma_start3A_48 : memref<128x16xf32, #tpu.memory_space<vmem_shared>>) target(%arg5 : memref<128x16xf32, #tpu.memory_space<vmem>>) target_semaphore(%run_scoped3A : memref<!tpu.dma_semaphore, #tpu.memory_space<semaphore_mem>>)
        %dma_wait3A = arith.constant 0 : i32
        %dma_wait3A_49 = tpu.memref_slice %arg6[%add3A_44, %dma_wait3A] : memref<10240x16xf32, #tpu.memory_space<vmem_shared>> -> memref<128x16xf32, #tpu.memory_space<vmem_shared>>
        %dma_wait3A_50 = arith.constant 0 : i32
        %dma_wait3A_51 = tpu.memref_slice %arg6[%add3A_44, %dma_wait3A_50] : memref<10240x16xf32, #tpu.memory_space<vmem_shared>> -> memref<128x16xf32, #tpu.memory_space<vmem_shared>>
        tpu.wait_dma2 semaphore(%run_scoped3A : memref<!tpu.dma_semaphore, #tpu.memory_space<semaphore_mem>>) src(%dma_wait3A_51 : memref<128x16xf32, #tpu.memory_space<vmem_shared>>) dst(%arg5 : memref<128x16xf32, #tpu.memory_space<vmem>>)
        tpu.yield
      }) : () -> ()
      "tpu.region"() ({
        %run_scoped3A = tpu.sem_alloc : memref<!tpu.dma_semaphore, #tpu.memory_space<semaphore_mem>>
        %dma_start3A = arith.constant 0 : i32
        %dma_start3A_46 = tpu.memref_slice %arg3[%arg0, %add3A_44, %dma_start3A] : memref<2x10240x16xf32, #tpu.memory_space<hbm>> -> memref<1x128x16xf32, #tpu.memory_space<hbm>>
        %dma_start3A_47 = tpu.memref_squeeze %dma_start3A_46 : memref<1x128x16xf32, #tpu.memory_space<hbm>> -> memref<128x16xf32, #tpu.memory_space<hbm>>
        %dma_start3A_48 = arith.constant 0 : i32
        %dma_start3A_49 = tpu.memref_slice %arg3[%arg0, %add3A_44, %dma_start3A_48] : memref<2x10240x16xf32, #tpu.memory_space<hbm>> -> memref<1x128x16xf32, #tpu.memory_space<hbm>>
        %dma_start3A_50 = tpu.memref_squeeze %dma_start3A_49 : memref<1x128x16xf32, #tpu.memory_space<hbm>> -> memref<128x16xf32, #tpu.memory_space<hbm>>
        tpu.enqueue_dma source(%arg5 : memref<128x16xf32, #tpu.memory_space<vmem>>) target(%dma_start3A_50 : memref<128x16xf32, #tpu.memory_space<hbm>>) target_semaphore(%run_scoped3A : memref<!tpu.dma_semaphore, #tpu.memory_space<semaphore_mem>>)
        %dma_wait3A = arith.constant 0 : i32
        %dma_wait3A_51 = tpu.memref_slice %arg3[%arg0, %add3A_44, %dma_wait3A] : memref<2x10240x16xf32, #tpu.memory_space<hbm>> -> memref<1x128x16xf32, #tpu.memory_space<hbm>>
        %dma_wait3A_52 = tpu.memref_squeeze %dma_wait3A_51 : memref<1x128x16xf32, #tpu.memory_space<hbm>> -> memref<128x16xf32, #tpu.memory_space<hbm>>
        %dma_wait3A_53 = arith.constant 0 : i32
        %dma_wait3A_54 = tpu.memref_slice %arg3[%arg0, %add3A_44, %dma_wait3A_53] : memref<2x10240x16xf32, #tpu.memory_space<hbm>> -> memref<1x128x16xf32, #tpu.memory_space<hbm>>
        %dma_wait3A_55 = tpu.memref_squeeze %dma_wait3A_54 : memref<1x128x16xf32, #tpu.memory_space<hbm>> -> memref<128x16xf32, #tpu.memory_space<hbm>>
        tpu.wait_dma2 semaphore(%run_scoped3A : memref<!tpu.dma_semaphore, #tpu.memory_space<semaphore_mem>>) src(%arg5 : memref<128x16xf32, #tpu.memory_space<vmem>>) dst(%dma_wait3A_55 : memref<128x16xf32, #tpu.memory_space<hbm>>)
        tpu.yield
      }) : () -> ()
      %scan3A_45 = arith.constant 0 : i32
      scf.yield %scan3A_45 : i32
    }
    %scan3A_37 = arith.constant 5 : i32
    return
  }
}

#map = affine_map<(d0, d1) -> (0, 0)>
#map1 = affine_map<(d0, d1) -> (0, 0, 0)>
module attributes {stable_mosaic.version = 14 : i64} {
  func.func @body(%arg0: i32, %arg1: i32, %arg2: memref<10000x64xf32, #tpu.memory_space<hbm>>, %arg3: memref<2560x128xi32, #tpu.memory_space<hbm>>, %arg4: memref<2560x128xi32, #tpu.memory_space<hbm>>, %arg5: memref<2x10240x64xf32, #tpu.memory_space<hbm>>, %arg6: memref<155x128xi32, #tpu.memory_space<vmem>>, %arg7: memref<155x128xi32, #tpu.memory_space<vmem>>, %arg8: memref<10240x64xf32, #tpu.memory_space<vmem_shared>>, %arg9: memref<128x64xf32, #tpu.memory_space<vmem>>, %arg10: memref<128x64xf32, #tpu.memory_space<vmem>>, %arg11: memref<128x64xf32, #tpu.memory_space<vmem>>, %arg12: memref<128x64xf32, #tpu.memory_space<vmem>>, %arg13: memref<128x64xf32, #tpu.memory_space<vmem>>, %arg14: memref<!tpu.dma_semaphore, #tpu.memory_space<semaphore_mem>>, %arg15: memref<!tpu.dma_semaphore, #tpu.memory_space<semaphore_mem>>, %arg16: memref<!tpu.dma_semaphore, #tpu.memory_space<semaphore_mem>>, %arg17: memref<!tpu.dma_semaphore, #tpu.memory_space<semaphore_mem>>, %arg18: memref<!tpu.dma_semaphore, #tpu.memory_space<semaphore_mem>>, %arg19: memref<!tpu.dma_semaphore, #tpu.memory_space<semaphore_mem>>, %arg20: memref<!tpu.dma_semaphore, #tpu.memory_space<semaphore_mem>>, %arg21: memref<!tpu.dma_semaphore, #tpu.memory_space<semaphore_mem>>, %arg22: memref<!tpu.dma_semaphore, #tpu.memory_space<semaphore_mem>>, %arg23: memref<!tpu.dma_semaphore, #tpu.memory_space<semaphore_mem>>) attributes {dimension_semantics = [#tpu.dimension_semantics<core_parallel>, #tpu.dimension_semantics<subcore_parallel>], iteration_bounds = array<i64: 2, 16>, scalar_prefetch = 0 : i64, scratch_operands = 18 : i64, tpu.core_type = #tpu.core_type<sc_vector_subcore>, window_params = [{transform_indices = #map}, {transform_indices = #map}, {transform_indices = #map}, {transform_indices = #map1}]} {
    %eq3A = arith.constant 0 : i32
    %eq3A_0 = arith.cmpi eq, %arg0, %eq3A : i32
    %jit3A = arith.constant 155 : i32
    %jit3A_1 = arith.constant 5 : i32
    %select_n3A = arith.select %eq3A_0, %jit3A, %jit3A_1 : i32
    %mul3A = arith.constant 2480 : i32
    %mul3A_2 = arith.muli %arg0, %mul3A : i32
    %mul3A_3 = arith.muli %arg1, %select_n3A : i32
    %add3A = arith.addi %mul3A_2, %mul3A_3 : i32
    %eq3A_4 = arith.constant 0 : i32
    %eq3A_5 = arith.cmpi eq, %arg0, %eq3A_4 : i32
    %convert_element_type3A = arith.extui %eq3A_5 : i1 to i32
    %cond3A = arith.constant 0 : i32
    %cond3A_6 = arith.cmpi ne, %convert_element_type3A, %cond3A : i32
    scf.if %cond3A_6 {
      "tpu.region"() ({
        %run_scoped3A = tpu.sem_alloc : memref<!tpu.dma_semaphore, #tpu.memory_space<semaphore_mem>>
        %dma_start3A_131 = arith.constant 0 : i32
        %dma_start3A_132 = arith.constant 0 : i32
        %dma_start3A_133 = tpu.memref_slice %arg6[%dma_start3A_131, %dma_start3A_132] : memref<155x128xi32, #tpu.memory_space<vmem>> -> memref<155x128xi32, #tpu.memory_space<vmem>>
        %dma_start3A_134 = arith.constant 0 : i32
        %dma_start3A_135 = tpu.memref_slice %arg3[%add3A, %dma_start3A_134] : memref<2560x128xi32, #tpu.memory_space<hbm>> -> memref<155x128xi32, #tpu.memory_space<hbm>>
        %dma_start3A_136 = arith.constant 0 : i32
        %dma_start3A_137 = arith.constant 0 : i32
        %dma_start3A_138 = tpu.memref_slice %arg6[%dma_start3A_136, %dma_start3A_137] : memref<155x128xi32, #tpu.memory_space<vmem>> -> memref<155x128xi32, #tpu.memory_space<vmem>>
        %dma_start3A_139 = arith.constant 0 : i32
        %dma_start3A_140 = tpu.memref_slice %arg3[%add3A, %dma_start3A_139] : memref<2560x128xi32, #tpu.memory_space<hbm>> -> memref<155x128xi32, #tpu.memory_space<hbm>>
        tpu.enqueue_dma source(%dma_start3A_140 : memref<155x128xi32, #tpu.memory_space<hbm>>) target(%dma_start3A_138 : memref<155x128xi32, #tpu.memory_space<vmem>>) target_semaphore(%run_scoped3A : memref<!tpu.dma_semaphore, #tpu.memory_space<semaphore_mem>>)
        %dma_wait3A_141 = arith.constant 0 : i32
        %dma_wait3A_142 = arith.constant 0 : i32
        %dma_wait3A_143 = tpu.memref_slice %arg6[%dma_wait3A_141, %dma_wait3A_142] : memref<155x128xi32, #tpu.memory_space<vmem>> -> memref<155x128xi32, #tpu.memory_space<vmem>>
        %dma_wait3A_144 = arith.constant 0 : i32
        %dma_wait3A_145 = tpu.memref_slice %arg3[%add3A, %dma_wait3A_144] : memref<2560x128xi32, #tpu.memory_space<hbm>> -> memref<155x128xi32, #tpu.memory_space<hbm>>
        %dma_wait3A_146 = arith.constant 0 : i32
        %dma_wait3A_147 = arith.constant 0 : i32
        %dma_wait3A_148 = tpu.memref_slice %arg6[%dma_wait3A_146, %dma_wait3A_147] : memref<155x128xi32, #tpu.memory_space<vmem>> -> memref<155x128xi32, #tpu.memory_space<vmem>>
        %dma_wait3A_149 = arith.constant 0 : i32
        %dma_wait3A_150 = tpu.memref_slice %arg3[%add3A, %dma_wait3A_149] : memref<2560x128xi32, #tpu.memory_space<hbm>> -> memref<155x128xi32, #tpu.memory_space<hbm>>
        tpu.wait_dma2 semaphore(%run_scoped3A : memref<!tpu.dma_semaphore, #tpu.memory_space<semaphore_mem>>) src(%dma_wait3A_150 : memref<155x128xi32, #tpu.memory_space<hbm>>) dst(%dma_wait3A_148 : memref<155x128xi32, #tpu.memory_space<vmem>>)
        tpu.yield
      }) : () -> ()
      "tpu.region"() ({
        %run_scoped3A = tpu.sem_alloc : memref<!tpu.dma_semaphore, #tpu.memory_space<semaphore_mem>>
        %dma_start3A_131 = arith.constant 0 : i32
        %dma_start3A_132 = arith.constant 0 : i32
        %dma_start3A_133 = tpu.memref_slice %arg7[%dma_start3A_131, %dma_start3A_132] : memref<155x128xi32, #tpu.memory_space<vmem>> -> memref<155x128xi32, #tpu.memory_space<vmem>>
        %dma_start3A_134 = arith.constant 0 : i32
        %dma_start3A_135 = tpu.memref_slice %arg4[%add3A, %dma_start3A_134] : memref<2560x128xi32, #tpu.memory_space<hbm>> -> memref<155x128xi32, #tpu.memory_space<hbm>>
        %dma_start3A_136 = arith.constant 0 : i32
        %dma_start3A_137 = arith.constant 0 : i32
        %dma_start3A_138 = tpu.memref_slice %arg7[%dma_start3A_136, %dma_start3A_137] : memref<155x128xi32, #tpu.memory_space<vmem>> -> memref<155x128xi32, #tpu.memory_space<vmem>>
        %dma_start3A_139 = arith.constant 0 : i32
        %dma_start3A_140 = tpu.memref_slice %arg4[%add3A, %dma_start3A_139] : memref<2560x128xi32, #tpu.memory_space<hbm>> -> memref<155x128xi32, #tpu.memory_space<hbm>>
        tpu.enqueue_dma source(%dma_start3A_140 : memref<155x128xi32, #tpu.memory_space<hbm>>) target(%dma_start3A_138 : memref<155x128xi32, #tpu.memory_space<vmem>>) target_semaphore(%run_scoped3A : memref<!tpu.dma_semaphore, #tpu.memory_space<semaphore_mem>>)
        %dma_wait3A_141 = arith.constant 0 : i32
        %dma_wait3A_142 = arith.constant 0 : i32
        %dma_wait3A_143 = tpu.memref_slice %arg7[%dma_wait3A_141, %dma_wait3A_142] : memref<155x128xi32, #tpu.memory_space<vmem>> -> memref<155x128xi32, #tpu.memory_space<vmem>>
        %dma_wait3A_144 = arith.constant 0 : i32
        %dma_wait3A_145 = tpu.memref_slice %arg4[%add3A, %dma_wait3A_144] : memref<2560x128xi32, #tpu.memory_space<hbm>> -> memref<155x128xi32, #tpu.memory_space<hbm>>
        %dma_wait3A_146 = arith.constant 0 : i32
        %dma_wait3A_147 = arith.constant 0 : i32
        %dma_wait3A_148 = tpu.memref_slice %arg7[%dma_wait3A_146, %dma_wait3A_147] : memref<155x128xi32, #tpu.memory_space<vmem>> -> memref<155x128xi32, #tpu.memory_space<vmem>>
        %dma_wait3A_149 = arith.constant 0 : i32
        %dma_wait3A_150 = tpu.memref_slice %arg4[%add3A, %dma_wait3A_149] : memref<2560x128xi32, #tpu.memory_space<hbm>> -> memref<155x128xi32, #tpu.memory_space<hbm>>
        tpu.wait_dma2 semaphore(%run_scoped3A : memref<!tpu.dma_semaphore, #tpu.memory_space<semaphore_mem>>) src(%dma_wait3A_150 : memref<155x128xi32, #tpu.memory_space<hbm>>) dst(%dma_wait3A_148 : memref<155x128xi32, #tpu.memory_space<vmem>>)
        tpu.yield
      }) : () -> ()
    } else {
    }
    %eq3A_7 = arith.constant 1 : i32
    %eq3A_8 = arith.cmpi eq, %arg0, %eq3A_7 : i32
    %convert_element_type3A_9 = arith.extui %eq3A_8 : i1 to i32
    %cond3A_10 = arith.constant 0 : i32
    %cond3A_11 = arith.cmpi ne, %convert_element_type3A_9, %cond3A_10 : i32
    scf.if %cond3A_11 {
      "tpu.region"() ({
        %run_scoped3A = tpu.sem_alloc : memref<!tpu.dma_semaphore, #tpu.memory_space<semaphore_mem>>
        %dma_start3A_131 = arith.constant 0 : i32
        %dma_start3A_132 = arith.constant 0 : i32
        %dma_start3A_133 = tpu.memref_slice %arg6[%dma_start3A_131, %dma_start3A_132] : memref<155x128xi32, #tpu.memory_space<vmem>> -> memref<5x128xi32, #tpu.memory_space<vmem>>
        %dma_start3A_134 = arith.constant 0 : i32
        %dma_start3A_135 = tpu.memref_slice %arg3[%add3A, %dma_start3A_134] : memref<2560x128xi32, #tpu.memory_space<hbm>> -> memref<5x128xi32, #tpu.memory_space<hbm>>
        %dma_start3A_136 = arith.constant 0 : i32
        %dma_start3A_137 = arith.constant 0 : i32
        %dma_start3A_138 = tpu.memref_slice %arg6[%dma_start3A_136, %dma_start3A_137] : memref<155x128xi32, #tpu.memory_space<vmem>> -> memref<5x128xi32, #tpu.memory_space<vmem>>
        %dma_start3A_139 = arith.constant 0 : i32
        %dma_start3A_140 = tpu.memref_slice %arg3[%add3A, %dma_start3A_139] : memref<2560x128xi32, #tpu.memory_space<hbm>> -> memref<5x128xi32, #tpu.memory_space<hbm>>
        tpu.enqueue_dma source(%dma_start3A_140 : memref<5x128xi32, #tpu.memory_space<hbm>>) target(%dma_start3A_138 : memref<5x128xi32, #tpu.memory_space<vmem>>) target_semaphore(%run_scoped3A : memref<!tpu.dma_semaphore, #tpu.memory_space<semaphore_mem>>)
        %dma_wait3A_141 = arith.constant 0 : i32
        %dma_wait3A_142 = arith.constant 0 : i32
        %dma_wait3A_143 = tpu.memref_slice %arg6[%dma_wait3A_141, %dma_wait3A_142] : memref<155x128xi32, #tpu.memory_space<vmem>> -> memref<5x128xi32, #tpu.memory_space<vmem>>
        %dma_wait3A_144 = arith.constant 0 : i32
        %dma_wait3A_145 = tpu.memref_slice %arg3[%add3A, %dma_wait3A_144] : memref<2560x128xi32, #tpu.memory_space<hbm>> -> memref<5x128xi32, #tpu.memory_space<hbm>>
        %dma_wait3A_146 = arith.constant 0 : i32
        %dma_wait3A_147 = arith.constant 0 : i32
        %dma_wait3A_148 = tpu.memref_slice %arg6[%dma_wait3A_146, %dma_wait3A_147] : memref<155x128xi32, #tpu.memory_space<vmem>> -> memref<5x128xi32, #tpu.memory_space<vmem>>
        %dma_wait3A_149 = arith.constant 0 : i32
        %dma_wait3A_150 = tpu.memref_slice %arg3[%add3A, %dma_wait3A_149] : memref<2560x128xi32, #tpu.memory_space<hbm>> -> memref<5x128xi32, #tpu.memory_space<hbm>>
        tpu.wait_dma2 semaphore(%run_scoped3A : memref<!tpu.dma_semaphore, #tpu.memory_space<semaphore_mem>>) src(%dma_wait3A_150 : memref<5x128xi32, #tpu.memory_space<hbm>>) dst(%dma_wait3A_148 : memref<5x128xi32, #tpu.memory_space<vmem>>)
        tpu.yield
      }) : () -> ()
      "tpu.region"() ({
        %run_scoped3A = tpu.sem_alloc : memref<!tpu.dma_semaphore, #tpu.memory_space<semaphore_mem>>
        %dma_start3A_131 = arith.constant 0 : i32
        %dma_start3A_132 = arith.constant 0 : i32
        %dma_start3A_133 = tpu.memref_slice %arg7[%dma_start3A_131, %dma_start3A_132] : memref<155x128xi32, #tpu.memory_space<vmem>> -> memref<5x128xi32, #tpu.memory_space<vmem>>
        %dma_start3A_134 = arith.constant 0 : i32
        %dma_start3A_135 = tpu.memref_slice %arg4[%add3A, %dma_start3A_134] : memref<2560x128xi32, #tpu.memory_space<hbm>> -> memref<5x128xi32, #tpu.memory_space<hbm>>
        %dma_start3A_136 = arith.constant 0 : i32
        %dma_start3A_137 = arith.constant 0 : i32
        %dma_start3A_138 = tpu.memref_slice %arg7[%dma_start3A_136, %dma_start3A_137] : memref<155x128xi32, #tpu.memory_space<vmem>> -> memref<5x128xi32, #tpu.memory_space<vmem>>
        %dma_start3A_139 = arith.constant 0 : i32
        %dma_start3A_140 = tpu.memref_slice %arg4[%add3A, %dma_start3A_139] : memref<2560x128xi32, #tpu.memory_space<hbm>> -> memref<5x128xi32, #tpu.memory_space<hbm>>
        tpu.enqueue_dma source(%dma_start3A_140 : memref<5x128xi32, #tpu.memory_space<hbm>>) target(%dma_start3A_138 : memref<5x128xi32, #tpu.memory_space<vmem>>) target_semaphore(%run_scoped3A : memref<!tpu.dma_semaphore, #tpu.memory_space<semaphore_mem>>)
        %dma_wait3A_141 = arith.constant 0 : i32
        %dma_wait3A_142 = arith.constant 0 : i32
        %dma_wait3A_143 = tpu.memref_slice %arg7[%dma_wait3A_141, %dma_wait3A_142] : memref<155x128xi32, #tpu.memory_space<vmem>> -> memref<5x128xi32, #tpu.memory_space<vmem>>
        %dma_wait3A_144 = arith.constant 0 : i32
        %dma_wait3A_145 = tpu.memref_slice %arg4[%add3A, %dma_wait3A_144] : memref<2560x128xi32, #tpu.memory_space<hbm>> -> memref<5x128xi32, #tpu.memory_space<hbm>>
        %dma_wait3A_146 = arith.constant 0 : i32
        %dma_wait3A_147 = arith.constant 0 : i32
        %dma_wait3A_148 = tpu.memref_slice %arg7[%dma_wait3A_146, %dma_wait3A_147] : memref<155x128xi32, #tpu.memory_space<vmem>> -> memref<5x128xi32, #tpu.memory_space<vmem>>
        %dma_wait3A_149 = arith.constant 0 : i32
        %dma_wait3A_150 = tpu.memref_slice %arg4[%add3A, %dma_wait3A_149] : memref<2560x128xi32, #tpu.memory_space<hbm>> -> memref<5x128xi32, #tpu.memory_space<hbm>>
        tpu.wait_dma2 semaphore(%run_scoped3A : memref<!tpu.dma_semaphore, #tpu.memory_space<semaphore_mem>>) src(%dma_wait3A_150 : memref<5x128xi32, #tpu.memory_space<hbm>>) dst(%dma_wait3A_148 : memref<5x128xi32, #tpu.memory_space<vmem>>)
        tpu.yield
      }) : () -> ()
    } else {
    }
    %scan3A = arith.constant 0 : i32
    %scan3A_12 = arith.constant 0 : i32
    %scan3A_13 = arith.constant 128 : i32
    %scan3A_14 = arith.addi %scan3A_12, %scan3A_13 : i32
    %scan3A_15 = arith.constant 1 : i32
    %scan3A_16 = scf.for %scan3A_131 = %scan3A_12 to %scan3A_14 step %scan3A_15 iter_args(%scan3A_132 = %scan3A) -> (i32)  : i32 {
      %scan3A_133 = arith.constant 0 : i32
      %scan3A_134 = arith.constant 0 : i32
      %scan3A_135 = arith.constant 4 : i32
      %scan3A_136 = arith.addi %scan3A_134, %scan3A_135 : i32
      %scan3A_137 = arith.constant 1 : i32
      %scan3A_138 = scf.for %scan3A_140 = %scan3A_134 to %scan3A_136 step %scan3A_137 iter_args(%scan3A_141 = %scan3A_133) -> (i32)  : i32 {
        %broadcast_in_dim3A = arith.constant 0.000000e+00 : f32
        %broadcast_in_dim3A_142 = vector.broadcast %broadcast_in_dim3A : f32 to vector<16xf32>
        %mul3A_143 = arith.constant 16 : i32
        %mul3A_144 = arith.muli %scan3A_140, %mul3A_143 : i32
        %swap3A = arith.index_cast %scan3A_131 : i32 to index
        %swap3A_145 = arith.index_cast %mul3A_144 : i32 to index
        %swap3A_146 = tpu.vector_load %arg9[%swap3A, %swap3A_145] {strides = array<i32>} : memref<128x64xf32, #tpu.memory_space<vmem>>, vector<1x16xf32>,
        %swap3A_147 = vector.shape_cast %swap3A_146 : vector<1x16xf32> to vector<16xf32>
        %swap3A_148 = vector.shape_cast %broadcast_in_dim3A_142 : vector<16xf32> to vector<1x16xf32>
        tpu.vector_store %arg9[%swap3A, %swap3A_145], %swap3A_148 {strides = array<i32>} : memref<128x64xf32, #tpu.memory_space<vmem>>, vector<1x16xf32>,
        %scan3A_149 = arith.constant 0 : i32
        scf.yield %scan3A_149 : i32
      }
      %scan3A_139 = arith.constant 4 : i32
      scf.yield %scan3A_138 : i32
    }
    %scan3A_17 = arith.constant 128 : i32
    %scan3A_18 = arith.constant 0 : i32
    %scan3A_19 = arith.constant 0 : i32
    %scan3A_20 = arith.constant 5 : i32
    %scan3A_21 = arith.addi %scan3A_19, %scan3A_20 : i32
    %scan3A_22 = arith.constant 1 : i32
    %scan3A_23 = scf.for %scan3A_131 = %scan3A_19 to %scan3A_21 step %scan3A_22 iter_args(%scan3A_132 = %scan3A_18) -> (i32)  : i32 {
      %mul3A_133 = arith.constant 640 : i32
      %mul3A_134 = arith.muli %arg1, %mul3A_133 : i32
      %mul3A_135 = arith.constant 128 : i32
      %mul3A_136 = arith.muli %scan3A_131, %mul3A_135 : i32
      %add3A_137 = arith.addi %mul3A_134, %mul3A_136 : i32
      "tpu.region"() ({
        %run_scoped3A = tpu.sem_alloc : memref<!tpu.dma_semaphore, #tpu.memory_space<semaphore_mem>>
        %dma_start3A_139 = arith.constant 0 : i32
        %dma_start3A_140 = tpu.memref_slice %arg8[%add3A_137, %dma_start3A_139] : memref<10240x64xf32, #tpu.memory_space<vmem_shared>> -> memref<128x64xf32, #tpu.memory_space<vmem_shared>>
        %dma_start3A_141 = arith.constant 0 : i32
        %dma_start3A_142 = tpu.memref_slice %arg8[%add3A_137, %dma_start3A_141] : memref<10240x64xf32, #tpu.memory_space<vmem_shared>> -> memref<128x64xf32, #tpu.memory_space<vmem_shared>>
        tpu.enqueue_dma source(%arg9 : memref<128x64xf32, #tpu.memory_space<vmem>>) target(%dma_start3A_142 : memref<128x64xf32, #tpu.memory_space<vmem_shared>>) target_semaphore(%run_scoped3A : memref<!tpu.dma_semaphore, #tpu.memory_space<semaphore_mem>>)
        %dma_wait3A_143 = arith.constant 0 : i32
        %dma_wait3A_144 = tpu.memref_slice %arg8[%add3A_137, %dma_wait3A_143] : memref<10240x64xf32, #tpu.memory_space<vmem_shared>> -> memref<128x64xf32, #tpu.memory_space<vmem_shared>>
        %dma_wait3A_145 = arith.constant 0 : i32
        %dma_wait3A_146 = tpu.memref_slice %arg8[%add3A_137, %dma_wait3A_145] : memref<10240x64xf32, #tpu.memory_space<vmem_shared>> -> memref<128x64xf32, #tpu.memory_space<vmem_shared>>
        tpu.wait_dma2 semaphore(%run_scoped3A : memref<!tpu.dma_semaphore, #tpu.memory_space<semaphore_mem>>) src(%arg9 : memref<128x64xf32, #tpu.memory_space<vmem>>) dst(%dma_wait3A_146 : memref<128x64xf32, #tpu.memory_space<vmem_shared>>)
        tpu.yield
      }) : () -> ()
      %scan3A_138 = arith.constant 0 : i32
      scf.yield %scan3A_138 : i32
    }
    %scan3A_24 = arith.constant 5 : i32
    %barrier3A = arith.constant 0 : index
    tpu.barrier barrier_id(%barrier3A)
    %dma_start3A = arith.constant 0 : i32
    %dma_start3A_25 = arith.constant 0 : i32
    %dma_start3A_26 = tpu.memref_slice %arg6[%dma_start3A, %dma_start3A_25] : memref<155x128xi32, #tpu.memory_space<vmem>> -> memref<1x128xi32, #tpu.memory_space<vmem>>
    %dma_start3A_27 = tpu.memref_squeeze %dma_start3A_26 : memref<1x128xi32, #tpu.memory_space<vmem>> -> memref<128xi32, #tpu.memory_space<vmem>>
    %dma_start3A_28 = arith.constant 0 : i32
    %dma_start3A_29 = arith.constant 0 : i32
    %dma_start3A_30 = tpu.memref_slice %arg2[%dma_start3A_28, %dma_start3A_29] : memref<10000x64xf32, #tpu.memory_space<hbm>> -> memref<10000x64xf32, #tpu.memory_space<hbm>>
    tpu.enqueue_indirect_dma source(%dma_start3A_30 : memref<10000x64xf32, #tpu.memory_space<hbm>>) target(%arg9 : memref<128x64xf32, #tpu.memory_space<vmem>>) offsets(%dma_start3A_27 : memref<128xi32, #tpu.memory_space<vmem>>) semaphore(%arg14 : memref<!tpu.dma_semaphore, #tpu.memory_space<semaphore_mem>>)
    %dma_start3A_31 = arith.constant 1 : i32
    %dma_start3A_32 = arith.constant 0 : i32
    %dma_start3A_33 = tpu.memref_slice %arg6[%dma_start3A_31, %dma_start3A_32] : memref<155x128xi32, #tpu.memory_space<vmem>> -> memref<1x128xi32, #tpu.memory_space<vmem>>
    %dma_start3A_34 = tpu.memref_squeeze %dma_start3A_33 : memref<1x128xi32, #tpu.memory_space<vmem>> -> memref<128xi32, #tpu.memory_space<vmem>>
    %dma_start3A_35 = arith.constant 0 : i32
    %dma_start3A_36 = arith.constant 0 : i32
    %dma_start3A_37 = tpu.memref_slice %arg2[%dma_start3A_35, %dma_start3A_36] : memref<10000x64xf32, #tpu.memory_space<hbm>> -> memref<10000x64xf32, #tpu.memory_space<hbm>>
    tpu.enqueue_indirect_dma source(%dma_start3A_37 : memref<10000x64xf32, #tpu.memory_space<hbm>>) target(%arg10 : memref<128x64xf32, #tpu.memory_space<vmem>>) offsets(%dma_start3A_34 : memref<128xi32, #tpu.memory_space<vmem>>) semaphore(%arg15 : memref<!tpu.dma_semaphore, #tpu.memory_space<semaphore_mem>>)
    %dma_start3A_38 = arith.constant 2 : i32
    %dma_start3A_39 = arith.constant 0 : i32
    %dma_start3A_40 = tpu.memref_slice %arg6[%dma_start3A_38, %dma_start3A_39] : memref<155x128xi32, #tpu.memory_space<vmem>> -> memref<1x128xi32, #tpu.memory_space<vmem>>
    %dma_start3A_41 = tpu.memref_squeeze %dma_start3A_40 : memref<1x128xi32, #tpu.memory_space<vmem>> -> memref<128xi32, #tpu.memory_space<vmem>>
    %dma_start3A_42 = arith.constant 0 : i32
    %dma_start3A_43 = arith.constant 0 : i32
    %dma_start3A_44 = tpu.memref_slice %arg2[%dma_start3A_42, %dma_start3A_43] : memref<10000x64xf32, #tpu.memory_space<hbm>> -> memref<10000x64xf32, #tpu.memory_space<hbm>>
    tpu.enqueue_indirect_dma source(%dma_start3A_44 : memref<10000x64xf32, #tpu.memory_space<hbm>>) target(%arg11 : memref<128x64xf32, #tpu.memory_space<vmem>>) offsets(%dma_start3A_41 : memref<128xi32, #tpu.memory_space<vmem>>) semaphore(%arg16 : memref<!tpu.dma_semaphore, #tpu.memory_space<semaphore_mem>>)
    %jit3A_45 = arith.constant 5 : i32
    %div3A = arith.divsi %select_n3A, %jit3A_45 : i32
    %sign3A = arith.constant 0 : i32
    %sign3A_46 = arith.cmpi sgt, %select_n3A, %sign3A : i32
    %sign3A_47 = arith.extui %sign3A_46 : i1 to i32
    %sign3A_48 = arith.constant 0 : i32
    %sign3A_49 = arith.cmpi slt, %select_n3A, %sign3A_48 : i32
    %sign3A_50 = arith.extui %sign3A_49 : i1 to i32
    %sign3A_51 = arith.subi %sign3A_47, %sign3A_50 : i32
    %sign3A_52 = arith.constant 0 : i32
    %sign3A_53 = arith.cmpi sgt, %jit3A_45, %sign3A_52 : i32
    %sign3A_54 = arith.extui %sign3A_53 : i1 to i32
    %sign3A_55 = arith.constant 0 : i32
    %sign3A_56 = arith.cmpi slt, %jit3A_45, %sign3A_55 : i32
    %sign3A_57 = arith.extui %sign3A_56 : i1 to i32
    %sign3A_58 = arith.subi %sign3A_54, %sign3A_57 : i32
    %ne3A = arith.cmpi ne, %sign3A_51, %sign3A_58 : i32
    %rem3A = arith.remsi %select_n3A, %jit3A_45 : i32
    %ne3A_59 = arith.constant 0 : i32
    %ne3A_60 = arith.cmpi ne, %rem3A, %ne3A_59 : i32
    %and3A = arith.andi %ne3A, %ne3A_60 : i1
    %sub3A = arith.constant 1 : i32
    %sub3A_61 = arith.subi %div3A, %sub3A : i32
    %select_n3A_62 = arith.select %and3A, %sub3A_61, %div3A : i32
    %while3A = arith.constant 0 : i32
    %while3A_63 = arith.constant 0 : i32
    %while3A_64 = arith.subi %select_n3A_62, %while3A : i32
    %while3A_65 = arith.addi %while3A, %while3A_64 : i32
    %while3A_66 = arith.constant 1 : i32
    %while3A_67 = arith.divsi %while3A_64, %while3A_66 : i32
    %while3A_68 = arith.muli %while3A_67, %while3A_66 : i32
    %while3A_69 = arith.addi %while3A, %while3A_68 : i32
    %while3A_70 = arith.constant 1 : i32
    %while3A_71 = scf.for %while3A_131 = %while3A to %while3A_69 step %while3A_70 iter_args(%while3A_132 = %while3A_63) -> (i32)  : i32 {
      %mul3A_133 = arith.constant 5 : i32
      %mul3A_134 = arith.muli %while3A_131, %mul3A_133 : i32
      %add3A_135 = arith.constant 0 : i32
      %add3A_136 = arith.addi %mul3A_134, %add3A_135 : i32
      %add3A_137 = arith.constant 3 : i32
      %add3A_138 = arith.addi %add3A_136, %add3A_137 : i32
      %lt3A = arith.cmpi slt, %add3A_138, %select_n3A : i32
      %ge3A = arith.constant 5 : i32
      %ge3A_139 = arith.cmpi sge, %add3A_138, %ge3A : i32
      %and3A_140 = arith.andi %lt3A, %ge3A_139 : i1
      %convert_element_type3A_141 = arith.extui %and3A_140 : i1 to i32
      %cond3A_142 = arith.constant 0 : i32
      %cond3A_143 = arith.cmpi ne, %convert_element_type3A_141, %cond3A_142 : i32
      scf.if %cond3A_143 {
        %sub3A_277 = arith.constant 5 : i32
        %sub3A_278 = arith.subi %add3A_138, %sub3A_277 : i32
        %dma_wait3A_279 = arith.constant 0 : i32
        %dma_wait3A_280 = tpu.memref_slice %arg7[%sub3A_278, %dma_wait3A_279] : memref<155x128xi32, #tpu.memory_space<vmem>> -> memref<1x128xi32, #tpu.memory_space<vmem>>
        %dma_wait3A_281 = tpu.memref_squeeze %dma_wait3A_280 : memref<1x128xi32, #tpu.memory_space<vmem>> -> memref<128xi32, #tpu.memory_space<vmem>>
        %dma_wait3A_282 = arith.constant 0 : i32
        %dma_wait3A_283 = arith.constant 0 : i32
        %dma_wait3A_284 = tpu.memref_slice %arg8[%dma_wait3A_282, %dma_wait3A_283] : memref<10240x64xf32, #tpu.memory_space<vmem_shared>> -> memref<10240x64xf32, #tpu.memory_space<vmem_shared>>
        tpu.wait_indirect_dma semaphore(%arg22 : memref<!tpu.dma_semaphore, #tpu.memory_space<semaphore_mem>>) src(%arg12 : memref<128x64xf32, #tpu.memory_space<vmem>>) dst(%dma_wait3A_284 : memref<10240x64xf32, #tpu.memory_space<vmem_shared>>)
      } else {
      }
      %lt3A_144 = arith.cmpi slt, %add3A_138, %select_n3A : i32
      %convert_element_type3A_145 = arith.extui %lt3A_144 : i1 to i32
      %cond3A_146 = arith.constant 0 : i32
      %cond3A_147 = arith.cmpi ne, %convert_element_type3A_145, %cond3A_146 : i32
      scf.if %cond3A_147 {
        %dma_start3A_277 = arith.constant 0 : i32
        %dma_start3A_278 = tpu.memref_slice %arg6[%add3A_138, %dma_start3A_277] : memref<155x128xi32, #tpu.memory_space<vmem>> -> memref<1x128xi32, #tpu.memory_space<vmem>>
        %dma_start3A_279 = tpu.memref_squeeze %dma_start3A_278 : memref<1x128xi32, #tpu.memory_space<vmem>> -> memref<128xi32, #tpu.memory_space<vmem>>
        %dma_start3A_280 = arith.constant 0 : i32
        %dma_start3A_281 = arith.constant 0 : i32
        %dma_start3A_282 = tpu.memref_slice %arg2[%dma_start3A_280, %dma_start3A_281] : memref<10000x64xf32, #tpu.memory_space<hbm>> -> memref<10000x64xf32, #tpu.memory_space<hbm>>
        tpu.enqueue_indirect_dma source(%dma_start3A_282 : memref<10000x64xf32, #tpu.memory_space<hbm>>) target(%arg12 : memref<128x64xf32, #tpu.memory_space<vmem>>) offsets(%dma_start3A_279 : memref<128xi32, #tpu.memory_space<vmem>>) semaphore(%arg17 : memref<!tpu.dma_semaphore, #tpu.memory_space<semaphore_mem>>)
      } else {
      }
      %dma_wait3A_148 = arith.constant 0 : i32
      %dma_wait3A_149 = tpu.memref_slice %arg6[%add3A_136, %dma_wait3A_148] : memref<155x128xi32, #tpu.memory_space<vmem>> -> memref<1x128xi32, #tpu.memory_space<vmem>>
      %dma_wait3A_150 = tpu.memref_squeeze %dma_wait3A_149 : memref<1x128xi32, #tpu.memory_space<vmem>> -> memref<128xi32, #tpu.memory_space<vmem>>
      %dma_wait3A_151 = arith.constant 0 : i32
      %dma_wait3A_152 = arith.constant 0 : i32
      %dma_wait3A_153 = tpu.memref_slice %arg2[%dma_wait3A_151, %dma_wait3A_152] : memref<10000x64xf32, #tpu.memory_space<hbm>> -> memref<10000x64xf32, #tpu.memory_space<hbm>>
      tpu.wait_indirect_dma semaphore(%arg14 : memref<!tpu.dma_semaphore, #tpu.memory_space<semaphore_mem>>) src(%dma_wait3A_153 : memref<10000x64xf32, #tpu.memory_space<hbm>>) dst(%arg9 : memref<128x64xf32, #tpu.memory_space<vmem>>)
      %dma_start3A_154 = arith.constant 0 : i32
      %dma_start3A_155 = tpu.memref_slice %arg7[%add3A_136, %dma_start3A_154] : memref<155x128xi32, #tpu.memory_space<vmem>> -> memref<1x128xi32, #tpu.memory_space<vmem>>
      %dma_start3A_156 = tpu.memref_squeeze %dma_start3A_155 : memref<1x128xi32, #tpu.memory_space<vmem>> -> memref<128xi32, #tpu.memory_space<vmem>>
      %dma_start3A_157 = arith.constant 0 : i32
      %dma_start3A_158 = arith.constant 0 : i32
      %dma_start3A_159 = tpu.memref_slice %arg8[%dma_start3A_157, %dma_start3A_158] : memref<10240x64xf32, #tpu.memory_space<vmem_shared>> -> memref<10240x64xf32, #tpu.memory_space<vmem_shared>>
      tpu.enqueue_indirect_dma source(%arg9 : memref<128x64xf32, #tpu.memory_space<vmem>>) target(%dma_start3A_159 : memref<10240x64xf32, #tpu.memory_space<vmem_shared>>) offsets(%dma_start3A_156 : memref<128xi32, #tpu.memory_space<vmem>>) semaphore(%arg19 : memref<!tpu.dma_semaphore, #tpu.memory_space<semaphore_mem>>) {add = true}
      %mul3A_160 = arith.constant 5 : i32
      %mul3A_161 = arith.muli %while3A_131, %mul3A_160 : i32
      %add3A_162 = arith.constant 1 : i32
      %add3A_163 = arith.addi %mul3A_161, %add3A_162 : i32
      %add3A_164 = arith.constant 3 : i32
      %add3A_165 = arith.addi %add3A_163, %add3A_164 : i32
      %lt3A_166 = arith.cmpi slt, %add3A_165, %select_n3A : i32
      %ge3A_167 = arith.constant 5 : i32
      %ge3A_168 = arith.cmpi sge, %add3A_165, %ge3A_167 : i32
      %and3A_169 = arith.andi %lt3A_166, %ge3A_168 : i1
      %convert_element_type3A_170 = arith.extui %and3A_169 : i1 to i32
      %cond3A_171 = arith.constant 0 : i32
      %cond3A_172 = arith.cmpi ne, %convert_element_type3A_170, %cond3A_171 : i32
      scf.if %cond3A_172 {
        %sub3A_277 = arith.constant 5 : i32
        %sub3A_278 = arith.subi %add3A_165, %sub3A_277 : i32
        %dma_wait3A_279 = arith.constant 0 : i32
        %dma_wait3A_280 = tpu.memref_slice %arg7[%sub3A_278, %dma_wait3A_279] : memref<155x128xi32, #tpu.memory_space<vmem>> -> memref<1x128xi32, #tpu.memory_space<vmem>>
        %dma_wait3A_281 = tpu.memref_squeeze %dma_wait3A_280 : memref<1x128xi32, #tpu.memory_space<vmem>> -> memref<128xi32, #tpu.memory_space<vmem>>
        %dma_wait3A_282 = arith.constant 0 : i32
        %dma_wait3A_283 = arith.constant 0 : i32
        %dma_wait3A_284 = tpu.memref_slice %arg8[%dma_wait3A_282, %dma_wait3A_283] : memref<10240x64xf32, #tpu.memory_space<vmem_shared>> -> memref<10240x64xf32, #tpu.memory_space<vmem_shared>>
        tpu.wait_indirect_dma semaphore(%arg23 : memref<!tpu.dma_semaphore, #tpu.memory_space<semaphore_mem>>) src(%arg13 : memref<128x64xf32, #tpu.memory_space<vmem>>) dst(%dma_wait3A_284 : memref<10240x64xf32, #tpu.memory_space<vmem_shared>>)
      } else {
      }
      %lt3A_173 = arith.cmpi slt, %add3A_165, %select_n3A : i32
      %convert_element_type3A_174 = arith.extui %lt3A_173 : i1 to i32
      %cond3A_175 = arith.constant 0 : i32
      %cond3A_176 = arith.cmpi ne, %convert_element_type3A_174, %cond3A_175 : i32
      scf.if %cond3A_176 {
        %dma_start3A_277 = arith.constant 0 : i32
        %dma_start3A_278 = tpu.memref_slice %arg6[%add3A_165, %dma_start3A_277] : memref<155x128xi32, #tpu.memory_space<vmem>> -> memref<1x128xi32, #tpu.memory_space<vmem>>
        %dma_start3A_279 = tpu.memref_squeeze %dma_start3A_278 : memref<1x128xi32, #tpu.memory_space<vmem>> -> memref<128xi32, #tpu.memory_space<vmem>>
        %dma_start3A_280 = arith.constant 0 : i32
        %dma_start3A_281 = arith.constant 0 : i32
        %dma_start3A_282 = tpu.memref_slice %arg2[%dma_start3A_280, %dma_start3A_281] : memref<10000x64xf32, #tpu.memory_space<hbm>> -> memref<10000x64xf32, #tpu.memory_space<hbm>>
        tpu.enqueue_indirect_dma source(%dma_start3A_282 : memref<10000x64xf32, #tpu.memory_space<hbm>>) target(%arg13 : memref<128x64xf32, #tpu.memory_space<vmem>>) offsets(%dma_start3A_279 : memref<128xi32, #tpu.memory_space<vmem>>) semaphore(%arg18 : memref<!tpu.dma_semaphore, #tpu.memory_space<semaphore_mem>>)
      } else {
      }
      %dma_wait3A_177 = arith.constant 0 : i32
      %dma_wait3A_178 = tpu.memref_slice %arg6[%add3A_163, %dma_wait3A_177] : memref<155x128xi32, #tpu.memory_space<vmem>> -> memref<1x128xi32, #tpu.memory_space<vmem>>
      %dma_wait3A_179 = tpu.memref_squeeze %dma_wait3A_178 : memref<1x128xi32, #tpu.memory_space<vmem>> -> memref<128xi32, #tpu.memory_space<vmem>>
      %dma_wait3A_180 = arith.constant 0 : i32
      %dma_wait3A_181 = arith.constant 0 : i32
      %dma_wait3A_182 = tpu.memref_slice %arg2[%dma_wait3A_180, %dma_wait3A_181] : memref<10000x64xf32, #tpu.memory_space<hbm>> -> memref<10000x64xf32, #tpu.memory_space<hbm>>
      tpu.wait_indirect_dma semaphore(%arg15 : memref<!tpu.dma_semaphore, #tpu.memory_space<semaphore_mem>>) src(%dma_wait3A_182 : memref<10000x64xf32, #tpu.memory_space<hbm>>) dst(%arg10 : memref<128x64xf32, #tpu.memory_space<vmem>>)
      %dma_start3A_183 = arith.constant 0 : i32
      %dma_start3A_184 = tpu.memref_slice %arg7[%add3A_163, %dma_start3A_183] : memref<155x128xi32, #tpu.memory_space<vmem>> -> memref<1x128xi32, #tpu.memory_space<vmem>>
      %dma_start3A_185 = tpu.memref_squeeze %dma_start3A_184 : memref<1x128xi32, #tpu.memory_space<vmem>> -> memref<128xi32, #tpu.memory_space<vmem>>
      %dma_start3A_186 = arith.constant 0 : i32
      %dma_start3A_187 = arith.constant 0 : i32
      %dma_start3A_188 = tpu.memref_slice %arg8[%dma_start3A_186, %dma_start3A_187] : memref<10240x64xf32, #tpu.memory_space<vmem_shared>> -> memref<10240x64xf32, #tpu.memory_space<vmem_shared>>
      tpu.enqueue_indirect_dma source(%arg10 : memref<128x64xf32, #tpu.memory_space<vmem>>) target(%dma_start3A_188 : memref<10240x64xf32, #tpu.memory_space<vmem_shared>>) offsets(%dma_start3A_185 : memref<128xi32, #tpu.memory_space<vmem>>) semaphore(%arg20 : memref<!tpu.dma_semaphore, #tpu.memory_space<semaphore_mem>>) {add = true}
      %mul3A_189 = arith.constant 5 : i32
      %mul3A_190 = arith.muli %while3A_131, %mul3A_189 : i32
      %add3A_191 = arith.constant 2 : i32
      %add3A_192 = arith.addi %mul3A_190, %add3A_191 : i32
      %add3A_193 = arith.constant 3 : i32
      %add3A_194 = arith.addi %add3A_192, %add3A_193 : i32
      %lt3A_195 = arith.cmpi slt, %add3A_194, %select_n3A : i32
      %ge3A_196 = arith.constant 5 : i32
      %ge3A_197 = arith.cmpi sge, %add3A_194, %ge3A_196 : i32
      %and3A_198 = arith.andi %lt3A_195, %ge3A_197 : i1
      %convert_element_type3A_199 = arith.extui %and3A_198 : i1 to i32
      %cond3A_200 = arith.constant 0 : i32
      %cond3A_201 = arith.cmpi ne, %convert_element_type3A_199, %cond3A_200 : i32
      scf.if %cond3A_201 {
        %sub3A_277 = arith.constant 5 : i32
        %sub3A_278 = arith.subi %add3A_194, %sub3A_277 : i32
        %dma_wait3A_279 = arith.constant 0 : i32
        %dma_wait3A_280 = tpu.memref_slice %arg7[%sub3A_278, %dma_wait3A_279] : memref<155x128xi32, #tpu.memory_space<vmem>> -> memref<1x128xi32, #tpu.memory_space<vmem>>
        %dma_wait3A_281 = tpu.memref_squeeze %dma_wait3A_280 : memref<1x128xi32, #tpu.memory_space<vmem>> -> memref<128xi32, #tpu.memory_space<vmem>>
        %dma_wait3A_282 = arith.constant 0 : i32
        %dma_wait3A_283 = arith.constant 0 : i32
        %dma_wait3A_284 = tpu.memref_slice %arg8[%dma_wait3A_282, %dma_wait3A_283] : memref<10240x64xf32, #tpu.memory_space<vmem_shared>> -> memref<10240x64xf32, #tpu.memory_space<vmem_shared>>
        tpu.wait_indirect_dma semaphore(%arg19 : memref<!tpu.dma_semaphore, #tpu.memory_space<semaphore_mem>>) src(%arg9 : memref<128x64xf32, #tpu.memory_space<vmem>>) dst(%dma_wait3A_284 : memref<10240x64xf32, #tpu.memory_space<vmem_shared>>)
      } else {
      }
      %lt3A_202 = arith.cmpi slt, %add3A_194, %select_n3A : i32
      %convert_element_type3A_203 = arith.extui %lt3A_202 : i1 to i32
      %cond3A_204 = arith.constant 0 : i32
      %cond3A_205 = arith.cmpi ne, %convert_element_type3A_203, %cond3A_204 : i32
      scf.if %cond3A_205 {
        %dma_start3A_277 = arith.constant 0 : i32
        %dma_start3A_278 = tpu.memref_slice %arg6[%add3A_194, %dma_start3A_277] : memref<155x128xi32, #tpu.memory_space<vmem>> -> memref<1x128xi32, #tpu.memory_space<vmem>>
        %dma_start3A_279 = tpu.memref_squeeze %dma_start3A_278 : memref<1x128xi32, #tpu.memory_space<vmem>> -> memref<128xi32, #tpu.memory_space<vmem>>
        %dma_start3A_280 = arith.constant 0 : i32
        %dma_start3A_281 = arith.constant 0 : i32
        %dma_start3A_282 = tpu.memref_slice %arg2[%dma_start3A_280, %dma_start3A_281] : memref<10000x64xf32, #tpu.memory_space<hbm>> -> memref<10000x64xf32, #tpu.memory_space<hbm>>
        tpu.enqueue_indirect_dma source(%dma_start3A_282 : memref<10000x64xf32, #tpu.memory_space<hbm>>) target(%arg9 : memref<128x64xf32, #tpu.memory_space<vmem>>) offsets(%dma_start3A_279 : memref<128xi32, #tpu.memory_space<vmem>>) semaphore(%arg14 : memref<!tpu.dma_semaphore, #tpu.memory_space<semaphore_mem>>)
      } else {
      }
      %dma_wait3A_206 = arith.constant 0 : i32
      %dma_wait3A_207 = tpu.memref_slice %arg6[%add3A_192, %dma_wait3A_206] : memref<155x128xi32, #tpu.memory_space<vmem>> -> memref<1x128xi32, #tpu.memory_space<vmem>>
      %dma_wait3A_208 = tpu.memref_squeeze %dma_wait3A_207 : memref<1x128xi32, #tpu.memory_space<vmem>> -> memref<128xi32, #tpu.memory_space<vmem>>
      %dma_wait3A_209 = arith.constant 0 : i32
      %dma_wait3A_210 = arith.constant 0 : i32
      %dma_wait3A_211 = tpu.memref_slice %arg2[%dma_wait3A_209, %dma_wait3A_210] : memref<10000x64xf32, #tpu.memory_space<hbm>> -> memref<10000x64xf32, #tpu.memory_space<hbm>>
      tpu.wait_indirect_dma semaphore(%arg16 : memref<!tpu.dma_semaphore, #tpu.memory_space<semaphore_mem>>) src(%dma_wait3A_211 : memref<10000x64xf32, #tpu.memory_space<hbm>>) dst(%arg11 : memref<128x64xf32, #tpu.memory_space<vmem>>)
      %dma_start3A_212 = arith.constant 0 : i32
      %dma_start3A_213 = tpu.memref_slice %arg7[%add3A_192, %dma_start3A_212] : memref<155x128xi32, #tpu.memory_space<vmem>> -> memref<1x128xi32, #tpu.memory_space<vmem>>
      %dma_start3A_214 = tpu.memref_squeeze %dma_start3A_213 : memref<1x128xi32, #tpu.memory_space<vmem>> -> memref<128xi32, #tpu.memory_space<vmem>>
      %dma_start3A_215 = arith.constant 0 : i32
      %dma_start3A_216 = arith.constant 0 : i32
      %dma_start3A_217 = tpu.memref_slice %arg8[%dma_start3A_215, %dma_start3A_216] : memref<10240x64xf32, #tpu.memory_space<vmem_shared>> -> memref<10240x64xf32, #tpu.memory_space<vmem_shared>>
      tpu.enqueue_indirect_dma source(%arg11 : memref<128x64xf32, #tpu.memory_space<vmem>>) target(%dma_start3A_217 : memref<10240x64xf32, #tpu.memory_space<vmem_shared>>) offsets(%dma_start3A_214 : memref<128xi32, #tpu.memory_space<vmem>>) semaphore(%arg21 : memref<!tpu.dma_semaphore, #tpu.memory_space<semaphore_mem>>) {add = true}
      %mul3A_218 = arith.constant 5 : i32
      %mul3A_219 = arith.muli %while3A_131, %mul3A_218 : i32
      %add3A_220 = arith.constant 3 : i32
      %add3A_221 = arith.addi %mul3A_219, %add3A_220 : i32
      %add3A_222 = arith.constant 3 : i32
      %add3A_223 = arith.addi %add3A_221, %add3A_222 : i32
      %lt3A_224 = arith.cmpi slt, %add3A_223, %select_n3A : i32
      %ge3A_225 = arith.constant 5 : i32
      %ge3A_226 = arith.cmpi sge, %add3A_223, %ge3A_225 : i32
      %and3A_227 = arith.andi %lt3A_224, %ge3A_226 : i1
      %convert_element_type3A_228 = arith.extui %and3A_227 : i1 to i32
      %cond3A_229 = arith.constant 0 : i32
      %cond3A_230 = arith.cmpi ne, %convert_element_type3A_228, %cond3A_229 : i32
      scf.if %cond3A_230 {
        %sub3A_277 = arith.constant 5 : i32
        %sub3A_278 = arith.subi %add3A_223, %sub3A_277 : i32
        %dma_wait3A_279 = arith.constant 0 : i32
        %dma_wait3A_280 = tpu.memref_slice %arg7[%sub3A_278, %dma_wait3A_279] : memref<155x128xi32, #tpu.memory_space<vmem>> -> memref<1x128xi32, #tpu.memory_space<vmem>>
        %dma_wait3A_281 = tpu.memref_squeeze %dma_wait3A_280 : memref<1x128xi32, #tpu.memory_space<vmem>> -> memref<128xi32, #tpu.memory_space<vmem>>
        %dma_wait3A_282 = arith.constant 0 : i32
        %dma_wait3A_283 = arith.constant 0 : i32
        %dma_wait3A_284 = tpu.memref_slice %arg8[%dma_wait3A_282, %dma_wait3A_283] : memref<10240x64xf32, #tpu.memory_space<vmem_shared>> -> memref<10240x64xf32, #tpu.memory_space<vmem_shared>>
        tpu.wait_indirect_dma semaphore(%arg20 : memref<!tpu.dma_semaphore, #tpu.memory_space<semaphore_mem>>) src(%arg10 : memref<128x64xf32, #tpu.memory_space<vmem>>) dst(%dma_wait3A_284 : memref<10240x64xf32, #tpu.memory_space<vmem_shared>>)
      } else {
      }
      %lt3A_231 = arith.cmpi slt, %add3A_223, %select_n3A : i32
      %convert_element_type3A_232 = arith.extui %lt3A_231 : i1 to i32
      %cond3A_233 = arith.constant 0 : i32
      %cond3A_234 = arith.cmpi ne, %convert_element_type3A_232, %cond3A_233 : i32
      scf.if %cond3A_234 {
        %dma_start3A_277 = arith.constant 0 : i32
        %dma_start3A_278 = tpu.memref_slice %arg6[%add3A_223, %dma_start3A_277] : memref<155x128xi32, #tpu.memory_space<vmem>> -> memref<1x128xi32, #tpu.memory_space<vmem>>
        %dma_start3A_279 = tpu.memref_squeeze %dma_start3A_278 : memref<1x128xi32, #tpu.memory_space<vmem>> -> memref<128xi32, #tpu.memory_space<vmem>>
        %dma_start3A_280 = arith.constant 0 : i32
        %dma_start3A_281 = arith.constant 0 : i32
        %dma_start3A_282 = tpu.memref_slice %arg2[%dma_start3A_280, %dma_start3A_281] : memref<10000x64xf32, #tpu.memory_space<hbm>> -> memref<10000x64xf32, #tpu.memory_space<hbm>>
        tpu.enqueue_indirect_dma source(%dma_start3A_282 : memref<10000x64xf32, #tpu.memory_space<hbm>>) target(%arg10 : memref<128x64xf32, #tpu.memory_space<vmem>>) offsets(%dma_start3A_279 : memref<128xi32, #tpu.memory_space<vmem>>) semaphore(%arg15 : memref<!tpu.dma_semaphore, #tpu.memory_space<semaphore_mem>>)
      } else {
      }
      %dma_wait3A_235 = arith.constant 0 : i32
      %dma_wait3A_236 = tpu.memref_slice %arg6[%add3A_221, %dma_wait3A_235] : memref<155x128xi32, #tpu.memory_space<vmem>> -> memref<1x128xi32, #tpu.memory_space<vmem>>
      %dma_wait3A_237 = tpu.memref_squeeze %dma_wait3A_236 : memref<1x128xi32, #tpu.memory_space<vmem>> -> memref<128xi32, #tpu.memory_space<vmem>>
      %dma_wait3A_238 = arith.constant 0 : i32
      %dma_wait3A_239 = arith.constant 0 : i32
      %dma_wait3A_240 = tpu.memref_slice %arg2[%dma_wait3A_238, %dma_wait3A_239] : memref<10000x64xf32, #tpu.memory_space<hbm>> -> memref<10000x64xf32, #tpu.memory_space<hbm>>
      tpu.wait_indirect_dma semaphore(%arg17 : memref<!tpu.dma_semaphore, #tpu.memory_space<semaphore_mem>>) src(%dma_wait3A_240 : memref<10000x64xf32, #tpu.memory_space<hbm>>) dst(%arg12 : memref<128x64xf32, #tpu.memory_space<vmem>>)
      %dma_start3A_241 = arith.constant 0 : i32
      %dma_start3A_242 = tpu.memref_slice %arg7[%add3A_221, %dma_start3A_241] : memref<155x128xi32, #tpu.memory_space<vmem>> -> memref<1x128xi32, #tpu.memory_space<vmem>>
      %dma_start3A_243 = tpu.memref_squeeze %dma_start3A_242 : memref<1x128xi32, #tpu.memory_space<vmem>> -> memref<128xi32, #tpu.memory_space<vmem>>
      %dma_start3A_244 = arith.constant 0 : i32
      %dma_start3A_245 = arith.constant 0 : i32
      %dma_start3A_246 = tpu.memref_slice %arg8[%dma_start3A_244, %dma_start3A_245] : memref<10240x64xf32, #tpu.memory_space<vmem_shared>> -> memref<10240x64xf32, #tpu.memory_space<vmem_shared>>
      tpu.enqueue_indirect_dma source(%arg12 : memref<128x64xf32, #tpu.memory_space<vmem>>) target(%dma_start3A_246 : memref<10240x64xf32, #tpu.memory_space<vmem_shared>>) offsets(%dma_start3A_243 : memref<128xi32, #tpu.memory_space<vmem>>) semaphore(%arg22 : memref<!tpu.dma_semaphore, #tpu.memory_space<semaphore_mem>>) {add = true}
      %mul3A_247 = arith.constant 5 : i32
      %mul3A_248 = arith.muli %while3A_131, %mul3A_247 : i32
      %add3A_249 = arith.constant 4 : i32
      %add3A_250 = arith.addi %mul3A_248, %add3A_249 : i32
      %add3A_251 = arith.constant 3 : i32
      %add3A_252 = arith.addi %add3A_250, %add3A_251 : i32
      %lt3A_253 = arith.cmpi slt, %add3A_252, %select_n3A : i32
      %ge3A_254 = arith.constant 5 : i32
      %ge3A_255 = arith.cmpi sge, %add3A_252, %ge3A_254 : i32
      %and3A_256 = arith.andi %lt3A_253, %ge3A_255 : i1
      %convert_element_type3A_257 = arith.extui %and3A_256 : i1 to i32
      %cond3A_258 = arith.constant 0 : i32
      %cond3A_259 = arith.cmpi ne, %convert_element_type3A_257, %cond3A_258 : i32
      scf.if %cond3A_259 {
        %sub3A_277 = arith.constant 5 : i32
        %sub3A_278 = arith.subi %add3A_252, %sub3A_277 : i32
        %dma_wait3A_279 = arith.constant 0 : i32
        %dma_wait3A_280 = tpu.memref_slice %arg7[%sub3A_278, %dma_wait3A_279] : memref<155x128xi32, #tpu.memory_space<vmem>> -> memref<1x128xi32, #tpu.memory_space<vmem>>
        %dma_wait3A_281 = tpu.memref_squeeze %dma_wait3A_280 : memref<1x128xi32, #tpu.memory_space<vmem>> -> memref<128xi32, #tpu.memory_space<vmem>>
        %dma_wait3A_282 = arith.constant 0 : i32
        %dma_wait3A_283 = arith.constant 0 : i32
        %dma_wait3A_284 = tpu.memref_slice %arg8[%dma_wait3A_282, %dma_wait3A_283] : memref<10240x64xf32, #tpu.memory_space<vmem_shared>> -> memref<10240x64xf32, #tpu.memory_space<vmem_shared>>
        tpu.wait_indirect_dma semaphore(%arg21 : memref<!tpu.dma_semaphore, #tpu.memory_space<semaphore_mem>>) src(%arg11 : memref<128x64xf32, #tpu.memory_space<vmem>>) dst(%dma_wait3A_284 : memref<10240x64xf32, #tpu.memory_space<vmem_shared>>)
      } else {
      }
      %lt3A_260 = arith.cmpi slt, %add3A_252, %select_n3A : i32
      %convert_element_type3A_261 = arith.extui %lt3A_260 : i1 to i32
      %cond3A_262 = arith.constant 0 : i32
      %cond3A_263 = arith.cmpi ne, %convert_element_type3A_261, %cond3A_262 : i32
      scf.if %cond3A_263 {
        %dma_start3A_277 = arith.constant 0 : i32
        %dma_start3A_278 = tpu.memref_slice %arg6[%add3A_252, %dma_start3A_277] : memref<155x128xi32, #tpu.memory_space<vmem>> -> memref<1x128xi32, #tpu.memory_space<vmem>>
        %dma_start3A_279 = tpu.memref_squeeze %dma_start3A_278 : memref<1x128xi32, #tpu.memory_space<vmem>> -> memref<128xi32, #tpu.memory_space<vmem>>
        %dma_start3A_280 = arith.constant 0 : i32
        %dma_start3A_281 = arith.constant 0 : i32
        %dma_start3A_282 = tpu.memref_slice %arg2[%dma_start3A_280, %dma_start3A_281] : memref<10000x64xf32, #tpu.memory_space<hbm>> -> memref<10000x64xf32, #tpu.memory_space<hbm>>
        tpu.enqueue_indirect_dma source(%dma_start3A_282 : memref<10000x64xf32, #tpu.memory_space<hbm>>) target(%arg11 : memref<128x64xf32, #tpu.memory_space<vmem>>) offsets(%dma_start3A_279 : memref<128xi32, #tpu.memory_space<vmem>>) semaphore(%arg16 : memref<!tpu.dma_semaphore, #tpu.memory_space<semaphore_mem>>)
      } else {
      }
      %dma_wait3A_264 = arith.constant 0 : i32
      %dma_wait3A_265 = tpu.memref_slice %arg6[%add3A_250, %dma_wait3A_264] : memref<155x128xi32, #tpu.memory_space<vmem>> -> memref<1x128xi32, #tpu.memory_space<vmem>>
      %dma_wait3A_266 = tpu.memref_squeeze %dma_wait3A_265 : memref<1x128xi32, #tpu.memory_space<vmem>> -> memref<128xi32, #tpu.memory_space<vmem>>
      %dma_wait3A_267 = arith.constant 0 : i32
      %dma_wait3A_268 = arith.constant 0 : i32
      %dma_wait3A_269 = tpu.memref_slice %arg2[%dma_wait3A_267, %dma_wait3A_268] : memref<10000x64xf32, #tpu.memory_space<hbm>> -> memref<10000x64xf32, #tpu.memory_space<hbm>>
      tpu.wait_indirect_dma semaphore(%arg18 : memref<!tpu.dma_semaphore, #tpu.memory_space<semaphore_mem>>) src(%dma_wait3A_269 : memref<10000x64xf32, #tpu.memory_space<hbm>>) dst(%arg13 : memref<128x64xf32, #tpu.memory_space<vmem>>)
      %dma_start3A_270 = arith.constant 0 : i32
      %dma_start3A_271 = tpu.memref_slice %arg7[%add3A_250, %dma_start3A_270] : memref<155x128xi32, #tpu.memory_space<vmem>> -> memref<1x128xi32, #tpu.memory_space<vmem>>
      %dma_start3A_272 = tpu.memref_squeeze %dma_start3A_271 : memref<1x128xi32, #tpu.memory_space<vmem>> -> memref<128xi32, #tpu.memory_space<vmem>>
      %dma_start3A_273 = arith.constant 0 : i32
      %dma_start3A_274 = arith.constant 0 : i32
      %dma_start3A_275 = tpu.memref_slice %arg8[%dma_start3A_273, %dma_start3A_274] : memref<10240x64xf32, #tpu.memory_space<vmem_shared>> -> memref<10240x64xf32, #tpu.memory_space<vmem_shared>>
      tpu.enqueue_indirect_dma source(%arg13 : memref<128x64xf32, #tpu.memory_space<vmem>>) target(%dma_start3A_275 : memref<10240x64xf32, #tpu.memory_space<vmem_shared>>) offsets(%dma_start3A_272 : memref<128xi32, #tpu.memory_space<vmem>>) semaphore(%arg23 : memref<!tpu.dma_semaphore, #tpu.memory_space<semaphore_mem>>) {add = true}
      %while3A_276 = arith.constant 0 : i32
      scf.yield %while3A_276 : i32
    }
    %while3A_72 = arith.constant 1 : i32
    %while3A_73 = scf.for %while3A_131 = %while3A_69 to %while3A_65 step %while3A_72 iter_args(%while3A_132 = %while3A_71) -> (i32)  : i32 {
      %mul3A_133 = arith.constant 5 : i32
      %mul3A_134 = arith.muli %while3A_131, %mul3A_133 : i32
      %add3A_135 = arith.constant 0 : i32
      %add3A_136 = arith.addi %mul3A_134, %add3A_135 : i32
      %add3A_137 = arith.constant 3 : i32
      %add3A_138 = arith.addi %add3A_136, %add3A_137 : i32
      %lt3A = arith.cmpi slt, %add3A_138, %select_n3A : i32
      %ge3A = arith.constant 5 : i32
      %ge3A_139 = arith.cmpi sge, %add3A_138, %ge3A : i32
      %and3A_140 = arith.andi %lt3A, %ge3A_139 : i1
      %convert_element_type3A_141 = arith.extui %and3A_140 : i1 to i32
      %cond3A_142 = arith.constant 0 : i32
      %cond3A_143 = arith.cmpi ne, %convert_element_type3A_141, %cond3A_142 : i32
      scf.if %cond3A_143 {
        %sub3A_277 = arith.constant 5 : i32
        %sub3A_278 = arith.subi %add3A_138, %sub3A_277 : i32
        %dma_wait3A_279 = arith.constant 0 : i32
        %dma_wait3A_280 = tpu.memref_slice %arg7[%sub3A_278, %dma_wait3A_279] : memref<155x128xi32, #tpu.memory_space<vmem>> -> memref<1x128xi32, #tpu.memory_space<vmem>>
        %dma_wait3A_281 = tpu.memref_squeeze %dma_wait3A_280 : memref<1x128xi32, #tpu.memory_space<vmem>> -> memref<128xi32, #tpu.memory_space<vmem>>
        %dma_wait3A_282 = arith.constant 0 : i32
        %dma_wait3A_283 = arith.constant 0 : i32
        %dma_wait3A_284 = tpu.memref_slice %arg8[%dma_wait3A_282, %dma_wait3A_283] : memref<10240x64xf32, #tpu.memory_space<vmem_shared>> -> memref<10240x64xf32, #tpu.memory_space<vmem_shared>>
        tpu.wait_indirect_dma semaphore(%arg22 : memref<!tpu.dma_semaphore, #tpu.memory_space<semaphore_mem>>) src(%arg12 : memref<128x64xf32, #tpu.memory_space<vmem>>) dst(%dma_wait3A_284 : memref<10240x64xf32, #tpu.memory_space<vmem_shared>>)
      } else {
      }
      %lt3A_144 = arith.cmpi slt, %add3A_138, %select_n3A : i32
      %convert_element_type3A_145 = arith.extui %lt3A_144 : i1 to i32
      %cond3A_146 = arith.constant 0 : i32
      %cond3A_147 = arith.cmpi ne, %convert_element_type3A_145, %cond3A_146 : i32
      scf.if %cond3A_147 {
        %dma_start3A_277 = arith.constant 0 : i32
        %dma_start3A_278 = tpu.memref_slice %arg6[%add3A_138, %dma_start3A_277] : memref<155x128xi32, #tpu.memory_space<vmem>> -> memref<1x128xi32, #tpu.memory_space<vmem>>
        %dma_start3A_279 = tpu.memref_squeeze %dma_start3A_278 : memref<1x128xi32, #tpu.memory_space<vmem>> -> memref<128xi32, #tpu.memory_space<vmem>>
        %dma_start3A_280 = arith.constant 0 : i32
        %dma_start3A_281 = arith.constant 0 : i32
        %dma_start3A_282 = tpu.memref_slice %arg2[%dma_start3A_280, %dma_start3A_281] : memref<10000x64xf32, #tpu.memory_space<hbm>> -> memref<10000x64xf32, #tpu.memory_space<hbm>>
        tpu.enqueue_indirect_dma source(%dma_start3A_282 : memref<10000x64xf32, #tpu.memory_space<hbm>>) target(%arg12 : memref<128x64xf32, #tpu.memory_space<vmem>>) offsets(%dma_start3A_279 : memref<128xi32, #tpu.memory_space<vmem>>) semaphore(%arg17 : memref<!tpu.dma_semaphore, #tpu.memory_space<semaphore_mem>>)
      } else {
      }
      %dma_wait3A_148 = arith.constant 0 : i32
      %dma_wait3A_149 = tpu.memref_slice %arg6[%add3A_136, %dma_wait3A_148] : memref<155x128xi32, #tpu.memory_space<vmem>> -> memref<1x128xi32, #tpu.memory_space<vmem>>
      %dma_wait3A_150 = tpu.memref_squeeze %dma_wait3A_149 : memref<1x128xi32, #tpu.memory_space<vmem>> -> memref<128xi32, #tpu.memory_space<vmem>>
      %dma_wait3A_151 = arith.constant 0 : i32
      %dma_wait3A_152 = arith.constant 0 : i32
      %dma_wait3A_153 = tpu.memref_slice %arg2[%dma_wait3A_151, %dma_wait3A_152] : memref<10000x64xf32, #tpu.memory_space<hbm>> -> memref<10000x64xf32, #tpu.memory_space<hbm>>
      tpu.wait_indirect_dma semaphore(%arg14 : memref<!tpu.dma_semaphore, #tpu.memory_space<semaphore_mem>>) src(%dma_wait3A_153 : memref<10000x64xf32, #tpu.memory_space<hbm>>) dst(%arg9 : memref<128x64xf32, #tpu.memory_space<vmem>>)
      %dma_start3A_154 = arith.constant 0 : i32
      %dma_start3A_155 = tpu.memref_slice %arg7[%add3A_136, %dma_start3A_154] : memref<155x128xi32, #tpu.memory_space<vmem>> -> memref<1x128xi32, #tpu.memory_space<vmem>>
      %dma_start3A_156 = tpu.memref_squeeze %dma_start3A_155 : memref<1x128xi32, #tpu.memory_space<vmem>> -> memref<128xi32, #tpu.memory_space<vmem>>
      %dma_start3A_157 = arith.constant 0 : i32
      %dma_start3A_158 = arith.constant 0 : i32
      %dma_start3A_159 = tpu.memref_slice %arg8[%dma_start3A_157, %dma_start3A_158] : memref<10240x64xf32, #tpu.memory_space<vmem_shared>> -> memref<10240x64xf32, #tpu.memory_space<vmem_shared>>
      tpu.enqueue_indirect_dma source(%arg9 : memref<128x64xf32, #tpu.memory_space<vmem>>) target(%dma_start3A_159 : memref<10240x64xf32, #tpu.memory_space<vmem_shared>>) offsets(%dma_start3A_156 : memref<128xi32, #tpu.memory_space<vmem>>) semaphore(%arg19 : memref<!tpu.dma_semaphore, #tpu.memory_space<semaphore_mem>>) {add = true}
      %mul3A_160 = arith.constant 5 : i32
      %mul3A_161 = arith.muli %while3A_131, %mul3A_160 : i32
      %add3A_162 = arith.constant 1 : i32
      %add3A_163 = arith.addi %mul3A_161, %add3A_162 : i32
      %add3A_164 = arith.constant 3 : i32
      %add3A_165 = arith.addi %add3A_163, %add3A_164 : i32
      %lt3A_166 = arith.cmpi slt, %add3A_165, %select_n3A : i32
      %ge3A_167 = arith.constant 5 : i32
      %ge3A_168 = arith.cmpi sge, %add3A_165, %ge3A_167 : i32
      %and3A_169 = arith.andi %lt3A_166, %ge3A_168 : i1
      %convert_element_type3A_170 = arith.extui %and3A_169 : i1 to i32
      %cond3A_171 = arith.constant 0 : i32
      %cond3A_172 = arith.cmpi ne, %convert_element_type3A_170, %cond3A_171 : i32
      scf.if %cond3A_172 {
        %sub3A_277 = arith.constant 5 : i32
        %sub3A_278 = arith.subi %add3A_165, %sub3A_277 : i32
        %dma_wait3A_279 = arith.constant 0 : i32
        %dma_wait3A_280 = tpu.memref_slice %arg7[%sub3A_278, %dma_wait3A_279] : memref<155x128xi32, #tpu.memory_space<vmem>> -> memref<1x128xi32, #tpu.memory_space<vmem>>
        %dma_wait3A_281 = tpu.memref_squeeze %dma_wait3A_280 : memref<1x128xi32, #tpu.memory_space<vmem>> -> memref<128xi32, #tpu.memory_space<vmem>>
        %dma_wait3A_282 = arith.constant 0 : i32
        %dma_wait3A_283 = arith.constant 0 : i32
        %dma_wait3A_284 = tpu.memref_slice %arg8[%dma_wait3A_282, %dma_wait3A_283] : memref<10240x64xf32, #tpu.memory_space<vmem_shared>> -> memref<10240x64xf32, #tpu.memory_space<vmem_shared>>
        tpu.wait_indirect_dma semaphore(%arg23 : memref<!tpu.dma_semaphore, #tpu.memory_space<semaphore_mem>>) src(%arg13 : memref<128x64xf32, #tpu.memory_space<vmem>>) dst(%dma_wait3A_284 : memref<10240x64xf32, #tpu.memory_space<vmem_shared>>)
      } else {
      }
      %lt3A_173 = arith.cmpi slt, %add3A_165, %select_n3A : i32
      %convert_element_type3A_174 = arith.extui %lt3A_173 : i1 to i32
      %cond3A_175 = arith.constant 0 : i32
      %cond3A_176 = arith.cmpi ne, %convert_element_type3A_174, %cond3A_175 : i32
      scf.if %cond3A_176 {
        %dma_start3A_277 = arith.constant 0 : i32
        %dma_start3A_278 = tpu.memref_slice %arg6[%add3A_165, %dma_start3A_277] : memref<155x128xi32, #tpu.memory_space<vmem>> -> memref<1x128xi32, #tpu.memory_space<vmem>>
        %dma_start3A_279 = tpu.memref_squeeze %dma_start3A_278 : memref<1x128xi32, #tpu.memory_space<vmem>> -> memref<128xi32, #tpu.memory_space<vmem>>
        %dma_start3A_280 = arith.constant 0 : i32
        %dma_start3A_281 = arith.constant 0 : i32
        %dma_start3A_282 = tpu.memref_slice %arg2[%dma_start3A_280, %dma_start3A_281] : memref<10000x64xf32, #tpu.memory_space<hbm>> -> memref<10000x64xf32, #tpu.memory_space<hbm>>
        tpu.enqueue_indirect_dma source(%dma_start3A_282 : memref<10000x64xf32, #tpu.memory_space<hbm>>) target(%arg13 : memref<128x64xf32, #tpu.memory_space<vmem>>) offsets(%dma_start3A_279 : memref<128xi32, #tpu.memory_space<vmem>>) semaphore(%arg18 : memref<!tpu.dma_semaphore, #tpu.memory_space<semaphore_mem>>)
      } else {
      }
      %dma_wait3A_177 = arith.constant 0 : i32
      %dma_wait3A_178 = tpu.memref_slice %arg6[%add3A_163, %dma_wait3A_177] : memref<155x128xi32, #tpu.memory_space<vmem>> -> memref<1x128xi32, #tpu.memory_space<vmem>>
      %dma_wait3A_179 = tpu.memref_squeeze %dma_wait3A_178 : memref<1x128xi32, #tpu.memory_space<vmem>> -> memref<128xi32, #tpu.memory_space<vmem>>
      %dma_wait3A_180 = arith.constant 0 : i32
      %dma_wait3A_181 = arith.constant 0 : i32
      %dma_wait3A_182 = tpu.memref_slice %arg2[%dma_wait3A_180, %dma_wait3A_181] : memref<10000x64xf32, #tpu.memory_space<hbm>> -> memref<10000x64xf32, #tpu.memory_space<hbm>>
      tpu.wait_indirect_dma semaphore(%arg15 : memref<!tpu.dma_semaphore, #tpu.memory_space<semaphore_mem>>) src(%dma_wait3A_182 : memref<10000x64xf32, #tpu.memory_space<hbm>>) dst(%arg10 : memref<128x64xf32, #tpu.memory_space<vmem>>)
      %dma_start3A_183 = arith.constant 0 : i32
      %dma_start3A_184 = tpu.memref_slice %arg7[%add3A_163, %dma_start3A_183] : memref<155x128xi32, #tpu.memory_space<vmem>> -> memref<1x128xi32, #tpu.memory_space<vmem>>
      %dma_start3A_185 = tpu.memref_squeeze %dma_start3A_184 : memref<1x128xi32, #tpu.memory_space<vmem>> -> memref<128xi32, #tpu.memory_space<vmem>>
      %dma_start3A_186 = arith.constant 0 : i32
      %dma_start3A_187 = arith.constant 0 : i32
      %dma_start3A_188 = tpu.memref_slice %arg8[%dma_start3A_186, %dma_start3A_187] : memref<10240x64xf32, #tpu.memory_space<vmem_shared>> -> memref<10240x64xf32, #tpu.memory_space<vmem_shared>>
      tpu.enqueue_indirect_dma source(%arg10 : memref<128x64xf32, #tpu.memory_space<vmem>>) target(%dma_start3A_188 : memref<10240x64xf32, #tpu.memory_space<vmem_shared>>) offsets(%dma_start3A_185 : memref<128xi32, #tpu.memory_space<vmem>>) semaphore(%arg20 : memref<!tpu.dma_semaphore, #tpu.memory_space<semaphore_mem>>) {add = true}
      %mul3A_189 = arith.constant 5 : i32
      %mul3A_190 = arith.muli %while3A_131, %mul3A_189 : i32
      %add3A_191 = arith.constant 2 : i32
      %add3A_192 = arith.addi %mul3A_190, %add3A_191 : i32
      %add3A_193 = arith.constant 3 : i32
      %add3A_194 = arith.addi %add3A_192, %add3A_193 : i32
      %lt3A_195 = arith.cmpi slt, %add3A_194, %select_n3A : i32
      %ge3A_196 = arith.constant 5 : i32
      %ge3A_197 = arith.cmpi sge, %add3A_194, %ge3A_196 : i32
      %and3A_198 = arith.andi %lt3A_195, %ge3A_197 : i1
      %convert_element_type3A_199 = arith.extui %and3A_198 : i1 to i32
      %cond3A_200 = arith.constant 0 : i32
      %cond3A_201 = arith.cmpi ne, %convert_element_type3A_199, %cond3A_200 : i32
      scf.if %cond3A_201 {
        %sub3A_277 = arith.constant 5 : i32
        %sub3A_278 = arith.subi %add3A_194, %sub3A_277 : i32
        %dma_wait3A_279 = arith.constant 0 : i32
        %dma_wait3A_280 = tpu.memref_slice %arg7[%sub3A_278, %dma_wait3A_279] : memref<155x128xi32, #tpu.memory_space<vmem>> -> memref<1x128xi32, #tpu.memory_space<vmem>>
        %dma_wait3A_281 = tpu.memref_squeeze %dma_wait3A_280 : memref<1x128xi32, #tpu.memory_space<vmem>> -> memref<128xi32, #tpu.memory_space<vmem>>
        %dma_wait3A_282 = arith.constant 0 : i32
        %dma_wait3A_283 = arith.constant 0 : i32
        %dma_wait3A_284 = tpu.memref_slice %arg8[%dma_wait3A_282, %dma_wait3A_283] : memref<10240x64xf32, #tpu.memory_space<vmem_shared>> -> memref<10240x64xf32, #tpu.memory_space<vmem_shared>>
        tpu.wait_indirect_dma semaphore(%arg19 : memref<!tpu.dma_semaphore, #tpu.memory_space<semaphore_mem>>) src(%arg9 : memref<128x64xf32, #tpu.memory_space<vmem>>) dst(%dma_wait3A_284 : memref<10240x64xf32, #tpu.memory_space<vmem_shared>>)
      } else {
      }
      %lt3A_202 = arith.cmpi slt, %add3A_194, %select_n3A : i32
      %convert_element_type3A_203 = arith.extui %lt3A_202 : i1 to i32
      %cond3A_204 = arith.constant 0 : i32
      %cond3A_205 = arith.cmpi ne, %convert_element_type3A_203, %cond3A_204 : i32
      scf.if %cond3A_205 {
        %dma_start3A_277 = arith.constant 0 : i32
        %dma_start3A_278 = tpu.memref_slice %arg6[%add3A_194, %dma_start3A_277] : memref<155x128xi32, #tpu.memory_space<vmem>> -> memref<1x128xi32, #tpu.memory_space<vmem>>
        %dma_start3A_279 = tpu.memref_squeeze %dma_start3A_278 : memref<1x128xi32, #tpu.memory_space<vmem>> -> memref<128xi32, #tpu.memory_space<vmem>>
        %dma_start3A_280 = arith.constant 0 : i32
        %dma_start3A_281 = arith.constant 0 : i32
        %dma_start3A_282 = tpu.memref_slice %arg2[%dma_start3A_280, %dma_start3A_281] : memref<10000x64xf32, #tpu.memory_space<hbm>> -> memref<10000x64xf32, #tpu.memory_space<hbm>>
        tpu.enqueue_indirect_dma source(%dma_start3A_282 : memref<10000x64xf32, #tpu.memory_space<hbm>>) target(%arg9 : memref<128x64xf32, #tpu.memory_space<vmem>>) offsets(%dma_start3A_279 : memref<128xi32, #tpu.memory_space<vmem>>) semaphore(%arg14 : memref<!tpu.dma_semaphore, #tpu.memory_space<semaphore_mem>>)
      } else {
      }
      %dma_wait3A_206 = arith.constant 0 : i32
      %dma_wait3A_207 = tpu.memref_slice %arg6[%add3A_192, %dma_wait3A_206] : memref<155x128xi32, #tpu.memory_space<vmem>> -> memref<1x128xi32, #tpu.memory_space<vmem>>
      %dma_wait3A_208 = tpu.memref_squeeze %dma_wait3A_207 : memref<1x128xi32, #tpu.memory_space<vmem>> -> memref<128xi32, #tpu.memory_space<vmem>>
      %dma_wait3A_209 = arith.constant 0 : i32
      %dma_wait3A_210 = arith.constant 0 : i32
      %dma_wait3A_211 = tpu.memref_slice %arg2[%dma_wait3A_209, %dma_wait3A_210] : memref<10000x64xf32, #tpu.memory_space<hbm>> -> memref<10000x64xf32, #tpu.memory_space<hbm>>
      tpu.wait_indirect_dma semaphore(%arg16 : memref<!tpu.dma_semaphore, #tpu.memory_space<semaphore_mem>>) src(%dma_wait3A_211 : memref<10000x64xf32, #tpu.memory_space<hbm>>) dst(%arg11 : memref<128x64xf32, #tpu.memory_space<vmem>>)
      %dma_start3A_212 = arith.constant 0 : i32
      %dma_start3A_213 = tpu.memref_slice %arg7[%add3A_192, %dma_start3A_212] : memref<155x128xi32, #tpu.memory_space<vmem>> -> memref<1x128xi32, #tpu.memory_space<vmem>>
      %dma_start3A_214 = tpu.memref_squeeze %dma_start3A_213 : memref<1x128xi32, #tpu.memory_space<vmem>> -> memref<128xi32, #tpu.memory_space<vmem>>
      %dma_start3A_215 = arith.constant 0 : i32
      %dma_start3A_216 = arith.constant 0 : i32
      %dma_start3A_217 = tpu.memref_slice %arg8[%dma_start3A_215, %dma_start3A_216] : memref<10240x64xf32, #tpu.memory_space<vmem_shared>> -> memref<10240x64xf32, #tpu.memory_space<vmem_shared>>
      tpu.enqueue_indirect_dma source(%arg11 : memref<128x64xf32, #tpu.memory_space<vmem>>) target(%dma_start3A_217 : memref<10240x64xf32, #tpu.memory_space<vmem_shared>>) offsets(%dma_start3A_214 : memref<128xi32, #tpu.memory_space<vmem>>) semaphore(%arg21 : memref<!tpu.dma_semaphore, #tpu.memory_space<semaphore_mem>>) {add = true}
      %mul3A_218 = arith.constant 5 : i32
      %mul3A_219 = arith.muli %while3A_131, %mul3A_218 : i32
      %add3A_220 = arith.constant 3 : i32
      %add3A_221 = arith.addi %mul3A_219, %add3A_220 : i32
      %add3A_222 = arith.constant 3 : i32
      %add3A_223 = arith.addi %add3A_221, %add3A_222 : i32
      %lt3A_224 = arith.cmpi slt, %add3A_223, %select_n3A : i32
      %ge3A_225 = arith.constant 5 : i32
      %ge3A_226 = arith.cmpi sge, %add3A_223, %ge3A_225 : i32
      %and3A_227 = arith.andi %lt3A_224, %ge3A_226 : i1
      %convert_element_type3A_228 = arith.extui %and3A_227 : i1 to i32
      %cond3A_229 = arith.constant 0 : i32
      %cond3A_230 = arith.cmpi ne, %convert_element_type3A_228, %cond3A_229 : i32
      scf.if %cond3A_230 {
        %sub3A_277 = arith.constant 5 : i32
        %sub3A_278 = arith.subi %add3A_223, %sub3A_277 : i32
        %dma_wait3A_279 = arith.constant 0 : i32
        %dma_wait3A_280 = tpu.memref_slice %arg7[%sub3A_278, %dma_wait3A_279] : memref<155x128xi32, #tpu.memory_space<vmem>> -> memref<1x128xi32, #tpu.memory_space<vmem>>
        %dma_wait3A_281 = tpu.memref_squeeze %dma_wait3A_280 : memref<1x128xi32, #tpu.memory_space<vmem>> -> memref<128xi32, #tpu.memory_space<vmem>>
        %dma_wait3A_282 = arith.constant 0 : i32
        %dma_wait3A_283 = arith.constant 0 : i32
        %dma_wait3A_284 = tpu.memref_slice %arg8[%dma_wait3A_282, %dma_wait3A_283] : memref<10240x64xf32, #tpu.memory_space<vmem_shared>> -> memref<10240x64xf32, #tpu.memory_space<vmem_shared>>
        tpu.wait_indirect_dma semaphore(%arg20 : memref<!tpu.dma_semaphore, #tpu.memory_space<semaphore_mem>>) src(%arg10 : memref<128x64xf32, #tpu.memory_space<vmem>>) dst(%dma_wait3A_284 : memref<10240x64xf32, #tpu.memory_space<vmem_shared>>)
      } else {
      }
      %lt3A_231 = arith.cmpi slt, %add3A_223, %select_n3A : i32
      %convert_element_type3A_232 = arith.extui %lt3A_231 : i1 to i32
      %cond3A_233 = arith.constant 0 : i32
      %cond3A_234 = arith.cmpi ne, %convert_element_type3A_232, %cond3A_233 : i32
      scf.if %cond3A_234 {
        %dma_start3A_277 = arith.constant 0 : i32
        %dma_start3A_278 = tpu.memref_slice %arg6[%add3A_223, %dma_start3A_277] : memref<155x128xi32, #tpu.memory_space<vmem>> -> memref<1x128xi32, #tpu.memory_space<vmem>>
        %dma_start3A_279 = tpu.memref_squeeze %dma_start3A_278 : memref<1x128xi32, #tpu.memory_space<vmem>> -> memref<128xi32, #tpu.memory_space<vmem>>
        %dma_start3A_280 = arith.constant 0 : i32
        %dma_start3A_281 = arith.constant 0 : i32
        %dma_start3A_282 = tpu.memref_slice %arg2[%dma_start3A_280, %dma_start3A_281] : memref<10000x64xf32, #tpu.memory_space<hbm>> -> memref<10000x64xf32, #tpu.memory_space<hbm>>
        tpu.enqueue_indirect_dma source(%dma_start3A_282 : memref<10000x64xf32, #tpu.memory_space<hbm>>) target(%arg10 : memref<128x64xf32, #tpu.memory_space<vmem>>) offsets(%dma_start3A_279 : memref<128xi32, #tpu.memory_space<vmem>>) semaphore(%arg15 : memref<!tpu.dma_semaphore, #tpu.memory_space<semaphore_mem>>)
      } else {
      }
      %dma_wait3A_235 = arith.constant 0 : i32
      %dma_wait3A_236 = tpu.memref_slice %arg6[%add3A_221, %dma_wait3A_235] : memref<155x128xi32, #tpu.memory_space<vmem>> -> memref<1x128xi32, #tpu.memory_space<vmem>>
      %dma_wait3A_237 = tpu.memref_squeeze %dma_wait3A_236 : memref<1x128xi32, #tpu.memory_space<vmem>> -> memref<128xi32, #tpu.memory_space<vmem>>
      %dma_wait3A_238 = arith.constant 0 : i32
      %dma_wait3A_239 = arith.constant 0 : i32
      %dma_wait3A_240 = tpu.memref_slice %arg2[%dma_wait3A_238, %dma_wait3A_239] : memref<10000x64xf32, #tpu.memory_space<hbm>> -> memref<10000x64xf32, #tpu.memory_space<hbm>>
      tpu.wait_indirect_dma semaphore(%arg17 : memref<!tpu.dma_semaphore, #tpu.memory_space<semaphore_mem>>) src(%dma_wait3A_240 : memref<10000x64xf32, #tpu.memory_space<hbm>>) dst(%arg12 : memref<128x64xf32, #tpu.memory_space<vmem>>)
      %dma_start3A_241 = arith.constant 0 : i32
      %dma_start3A_242 = tpu.memref_slice %arg7[%add3A_221, %dma_start3A_241] : memref<155x128xi32, #tpu.memory_space<vmem>> -> memref<1x128xi32, #tpu.memory_space<vmem>>
      %dma_start3A_243 = tpu.memref_squeeze %dma_start3A_242 : memref<1x128xi32, #tpu.memory_space<vmem>> -> memref<128xi32, #tpu.memory_space<vmem>>
      %dma_start3A_244 = arith.constant 0 : i32
      %dma_start3A_245 = arith.constant 0 : i32
      %dma_start3A_246 = tpu.memref_slice %arg8[%dma_start3A_244, %dma_start3A_245] : memref<10240x64xf32, #tpu.memory_space<vmem_shared>> -> memref<10240x64xf32, #tpu.memory_space<vmem_shared>>
      tpu.enqueue_indirect_dma source(%arg12 : memref<128x64xf32, #tpu.memory_space<vmem>>) target(%dma_start3A_246 : memref<10240x64xf32, #tpu.memory_space<vmem_shared>>) offsets(%dma_start3A_243 : memref<128xi32, #tpu.memory_space<vmem>>) semaphore(%arg22 : memref<!tpu.dma_semaphore, #tpu.memory_space<semaphore_mem>>) {add = true}
      %mul3A_247 = arith.constant 5 : i32
      %mul3A_248 = arith.muli %while3A_131, %mul3A_247 : i32
      %add3A_249 = arith.constant 4 : i32
      %add3A_250 = arith.addi %mul3A_248, %add3A_249 : i32
      %add3A_251 = arith.constant 3 : i32
      %add3A_252 = arith.addi %add3A_250, %add3A_251 : i32
      %lt3A_253 = arith.cmpi slt, %add3A_252, %select_n3A : i32
      %ge3A_254 = arith.constant 5 : i32
      %ge3A_255 = arith.cmpi sge, %add3A_252, %ge3A_254 : i32
      %and3A_256 = arith.andi %lt3A_253, %ge3A_255 : i1
      %convert_element_type3A_257 = arith.extui %and3A_256 : i1 to i32
      %cond3A_258 = arith.constant 0 : i32
      %cond3A_259 = arith.cmpi ne, %convert_element_type3A_257, %cond3A_258 : i32
      scf.if %cond3A_259 {
        %sub3A_277 = arith.constant 5 : i32
        %sub3A_278 = arith.subi %add3A_252, %sub3A_277 : i32
        %dma_wait3A_279 = arith.constant 0 : i32
        %dma_wait3A_280 = tpu.memref_slice %arg7[%sub3A_278, %dma_wait3A_279] : memref<155x128xi32, #tpu.memory_space<vmem>> -> memref<1x128xi32, #tpu.memory_space<vmem>>
        %dma_wait3A_281 = tpu.memref_squeeze %dma_wait3A_280 : memref<1x128xi32, #tpu.memory_space<vmem>> -> memref<128xi32, #tpu.memory_space<vmem>>
        %dma_wait3A_282 = arith.constant 0 : i32
        %dma_wait3A_283 = arith.constant 0 : i32
        %dma_wait3A_284 = tpu.memref_slice %arg8[%dma_wait3A_282, %dma_wait3A_283] : memref<10240x64xf32, #tpu.memory_space<vmem_shared>> -> memref<10240x64xf32, #tpu.memory_space<vmem_shared>>
        tpu.wait_indirect_dma semaphore(%arg21 : memref<!tpu.dma_semaphore, #tpu.memory_space<semaphore_mem>>) src(%arg11 : memref<128x64xf32, #tpu.memory_space<vmem>>) dst(%dma_wait3A_284 : memref<10240x64xf32, #tpu.memory_space<vmem_shared>>)
      } else {
      }
      %lt3A_260 = arith.cmpi slt, %add3A_252, %select_n3A : i32
      %convert_element_type3A_261 = arith.extui %lt3A_260 : i1 to i32
      %cond3A_262 = arith.constant 0 : i32
      %cond3A_263 = arith.cmpi ne, %convert_element_type3A_261, %cond3A_262 : i32
      scf.if %cond3A_263 {
        %dma_start3A_277 = arith.constant 0 : i32
        %dma_start3A_278 = tpu.memref_slice %arg6[%add3A_252, %dma_start3A_277] : memref<155x128xi32, #tpu.memory_space<vmem>> -> memref<1x128xi32, #tpu.memory_space<vmem>>
        %dma_start3A_279 = tpu.memref_squeeze %dma_start3A_278 : memref<1x128xi32, #tpu.memory_space<vmem>> -> memref<128xi32, #tpu.memory_space<vmem>>
        %dma_start3A_280 = arith.constant 0 : i32
        %dma_start3A_281 = arith.constant 0 : i32
        %dma_start3A_282 = tpu.memref_slice %arg2[%dma_start3A_280, %dma_start3A_281] : memref<10000x64xf32, #tpu.memory_space<hbm>> -> memref<10000x64xf32, #tpu.memory_space<hbm>>
        tpu.enqueue_indirect_dma source(%dma_start3A_282 : memref<10000x64xf32, #tpu.memory_space<hbm>>) target(%arg11 : memref<128x64xf32, #tpu.memory_space<vmem>>) offsets(%dma_start3A_279 : memref<128xi32, #tpu.memory_space<vmem>>) semaphore(%arg16 : memref<!tpu.dma_semaphore, #tpu.memory_space<semaphore_mem>>)
      } else {
      }
      %dma_wait3A_264 = arith.constant 0 : i32
      %dma_wait3A_265 = tpu.memref_slice %arg6[%add3A_250, %dma_wait3A_264] : memref<155x128xi32, #tpu.memory_space<vmem>> -> memref<1x128xi32, #tpu.memory_space<vmem>>
      %dma_wait3A_266 = tpu.memref_squeeze %dma_wait3A_265 : memref<1x128xi32, #tpu.memory_space<vmem>> -> memref<128xi32, #tpu.memory_space<vmem>>
      %dma_wait3A_267 = arith.constant 0 : i32
      %dma_wait3A_268 = arith.constant 0 : i32
      %dma_wait3A_269 = tpu.memref_slice %arg2[%dma_wait3A_267, %dma_wait3A_268] : memref<10000x64xf32, #tpu.memory_space<hbm>> -> memref<10000x64xf32, #tpu.memory_space<hbm>>
      tpu.wait_indirect_dma semaphore(%arg18 : memref<!tpu.dma_semaphore, #tpu.memory_space<semaphore_mem>>) src(%dma_wait3A_269 : memref<10000x64xf32, #tpu.memory_space<hbm>>) dst(%arg13 : memref<128x64xf32, #tpu.memory_space<vmem>>)
      %dma_start3A_270 = arith.constant 0 : i32
      %dma_start3A_271 = tpu.memref_slice %arg7[%add3A_250, %dma_start3A_270] : memref<155x128xi32, #tpu.memory_space<vmem>> -> memref<1x128xi32, #tpu.memory_space<vmem>>
      %dma_start3A_272 = tpu.memref_squeeze %dma_start3A_271 : memref<1x128xi32, #tpu.memory_space<vmem>> -> memref<128xi32, #tpu.memory_space<vmem>>
      %dma_start3A_273 = arith.constant 0 : i32
      %dma_start3A_274 = arith.constant 0 : i32
      %dma_start3A_275 = tpu.memref_slice %arg8[%dma_start3A_273, %dma_start3A_274] : memref<10240x64xf32, #tpu.memory_space<vmem_shared>> -> memref<10240x64xf32, #tpu.memory_space<vmem_shared>>
      tpu.enqueue_indirect_dma source(%arg13 : memref<128x64xf32, #tpu.memory_space<vmem>>) target(%dma_start3A_275 : memref<10240x64xf32, #tpu.memory_space<vmem_shared>>) offsets(%dma_start3A_272 : memref<128xi32, #tpu.memory_space<vmem>>) semaphore(%arg23 : memref<!tpu.dma_semaphore, #tpu.memory_space<semaphore_mem>>) {add = true}
      %while3A_276 = arith.constant 0 : i32
      scf.yield %while3A_276 : i32
    }
    %sub3A_74 = arith.constant 5 : i32
    %sub3A_75 = arith.subi %select_n3A, %sub3A_74 : i32
    %add3A_76 = arith.constant 0 : i32
    %add3A_77 = arith.addi %sub3A_75, %add3A_76 : i32
    %dma_wait3A = arith.constant 0 : i32
    %dma_wait3A_78 = tpu.memref_slice %arg7[%add3A_77, %dma_wait3A] : memref<155x128xi32, #tpu.memory_space<vmem>> -> memref<1x128xi32, #tpu.memory_space<vmem>>
    %dma_wait3A_79 = tpu.memref_squeeze %dma_wait3A_78 : memref<1x128xi32, #tpu.memory_space<vmem>> -> memref<128xi32, #tpu.memory_space<vmem>>
    %dma_wait3A_80 = arith.constant 0 : i32
    %dma_wait3A_81 = arith.constant 0 : i32
    %dma_wait3A_82 = tpu.memref_slice %arg8[%dma_wait3A_80, %dma_wait3A_81] : memref<10240x64xf32, #tpu.memory_space<vmem_shared>> -> memref<10240x64xf32, #tpu.memory_space<vmem_shared>>
    tpu.wait_indirect_dma semaphore(%arg19 : memref<!tpu.dma_semaphore, #tpu.memory_space<semaphore_mem>>) src(%arg9 : memref<128x64xf32, #tpu.memory_space<vmem>>) dst(%dma_wait3A_82 : memref<10240x64xf32, #tpu.memory_space<vmem_shared>>)
    %sub3A_83 = arith.constant 5 : i32
    %sub3A_84 = arith.subi %select_n3A, %sub3A_83 : i32
    %add3A_85 = arith.constant 1 : i32
    %add3A_86 = arith.addi %sub3A_84, %add3A_85 : i32
    %dma_wait3A_87 = arith.constant 0 : i32
    %dma_wait3A_88 = tpu.memref_slice %arg7[%add3A_86, %dma_wait3A_87] : memref<155x128xi32, #tpu.memory_space<vmem>> -> memref<1x128xi32, #tpu.memory_space<vmem>>
    %dma_wait3A_89 = tpu.memref_squeeze %dma_wait3A_88 : memref<1x128xi32, #tpu.memory_space<vmem>> -> memref<128xi32, #tpu.memory_space<vmem>>
    %dma_wait3A_90 = arith.constant 0 : i32
    %dma_wait3A_91 = arith.constant 0 : i32
    %dma_wait3A_92 = tpu.memref_slice %arg8[%dma_wait3A_90, %dma_wait3A_91] : memref<10240x64xf32, #tpu.memory_space<vmem_shared>> -> memref<10240x64xf32, #tpu.memory_space<vmem_shared>>
    tpu.wait_indirect_dma semaphore(%arg20 : memref<!tpu.dma_semaphore, #tpu.memory_space<semaphore_mem>>) src(%arg10 : memref<128x64xf32, #tpu.memory_space<vmem>>) dst(%dma_wait3A_92 : memref<10240x64xf32, #tpu.memory_space<vmem_shared>>)
    %sub3A_93 = arith.constant 5 : i32
    %sub3A_94 = arith.subi %select_n3A, %sub3A_93 : i32
    %add3A_95 = arith.constant 2 : i32
    %add3A_96 = arith.addi %sub3A_94, %add3A_95 : i32
    %dma_wait3A_97 = arith.constant 0 : i32
    %dma_wait3A_98 = tpu.memref_slice %arg7[%add3A_96, %dma_wait3A_97] : memref<155x128xi32, #tpu.memory_space<vmem>> -> memref<1x128xi32, #tpu.memory_space<vmem>>
    %dma_wait3A_99 = tpu.memref_squeeze %dma_wait3A_98 : memref<1x128xi32, #tpu.memory_space<vmem>> -> memref<128xi32, #tpu.memory_space<vmem>>
    %dma_wait3A_100 = arith.constant 0 : i32
    %dma_wait3A_101 = arith.constant 0 : i32
    %dma_wait3A_102 = tpu.memref_slice %arg8[%dma_wait3A_100, %dma_wait3A_101] : memref<10240x64xf32, #tpu.memory_space<vmem_shared>> -> memref<10240x64xf32, #tpu.memory_space<vmem_shared>>
    tpu.wait_indirect_dma semaphore(%arg21 : memref<!tpu.dma_semaphore, #tpu.memory_space<semaphore_mem>>) src(%arg11 : memref<128x64xf32, #tpu.memory_space<vmem>>) dst(%dma_wait3A_102 : memref<10240x64xf32, #tpu.memory_space<vmem_shared>>)
    %sub3A_103 = arith.constant 5 : i32
    %sub3A_104 = arith.subi %select_n3A, %sub3A_103 : i32
    %add3A_105 = arith.constant 3 : i32
    %add3A_106 = arith.addi %sub3A_104, %add3A_105 : i32
    %dma_wait3A_107 = arith.constant 0 : i32
    %dma_wait3A_108 = tpu.memref_slice %arg7[%add3A_106, %dma_wait3A_107] : memref<155x128xi32, #tpu.memory_space<vmem>> -> memref<1x128xi32, #tpu.memory_space<vmem>>
    %dma_wait3A_109 = tpu.memref_squeeze %dma_wait3A_108 : memref<1x128xi32, #tpu.memory_space<vmem>> -> memref<128xi32, #tpu.memory_space<vmem>>
    %dma_wait3A_110 = arith.constant 0 : i32
    %dma_wait3A_111 = arith.constant 0 : i32
    %dma_wait3A_112 = tpu.memref_slice %arg8[%dma_wait3A_110, %dma_wait3A_111] : memref<10240x64xf32, #tpu.memory_space<vmem_shared>> -> memref<10240x64xf32, #tpu.memory_space<vmem_shared>>
    tpu.wait_indirect_dma semaphore(%arg22 : memref<!tpu.dma_semaphore, #tpu.memory_space<semaphore_mem>>) src(%arg12 : memref<128x64xf32, #tpu.memory_space<vmem>>) dst(%dma_wait3A_112 : memref<10240x64xf32, #tpu.memory_space<vmem_shared>>)
    %sub3A_113 = arith.constant 5 : i32
    %sub3A_114 = arith.subi %select_n3A, %sub3A_113 : i32
    %add3A_115 = arith.constant 4 : i32
    %add3A_116 = arith.addi %sub3A_114, %add3A_115 : i32
    %dma_wait3A_117 = arith.constant 0 : i32
    %dma_wait3A_118 = tpu.memref_slice %arg7[%add3A_116, %dma_wait3A_117] : memref<155x128xi32, #tpu.memory_space<vmem>> -> memref<1x128xi32, #tpu.memory_space<vmem>>
    %dma_wait3A_119 = tpu.memref_squeeze %dma_wait3A_118 : memref<1x128xi32, #tpu.memory_space<vmem>> -> memref<128xi32, #tpu.memory_space<vmem>>
    %dma_wait3A_120 = arith.constant 0 : i32
    %dma_wait3A_121 = arith.constant 0 : i32
    %dma_wait3A_122 = tpu.memref_slice %arg8[%dma_wait3A_120, %dma_wait3A_121] : memref<10240x64xf32, #tpu.memory_space<vmem_shared>> -> memref<10240x64xf32, #tpu.memory_space<vmem_shared>>
    tpu.wait_indirect_dma semaphore(%arg23 : memref<!tpu.dma_semaphore, #tpu.memory_space<semaphore_mem>>) src(%arg13 : memref<128x64xf32, #tpu.memory_space<vmem>>) dst(%dma_wait3A_122 : memref<10240x64xf32, #tpu.memory_space<vmem_shared>>)
    %barrier3A_123 = arith.constant 0 : index
    tpu.barrier barrier_id(%barrier3A_123)
    %scan3A_124 = arith.constant 0 : i32
    %scan3A_125 = arith.constant 0 : i32
    %scan3A_126 = arith.constant 5 : i32
    %scan3A_127 = arith.addi %scan3A_125, %scan3A_126 : i32
    %scan3A_128 = arith.constant 1 : i32
    %scan3A_129 = scf.for %scan3A_131 = %scan3A_125 to %scan3A_127 step %scan3A_128 iter_args(%scan3A_132 = %scan3A_124) -> (i32)  : i32 {
      %mul3A_133 = arith.constant 640 : i32
      %mul3A_134 = arith.muli %arg1, %mul3A_133 : i32
      %mul3A_135 = arith.constant 128 : i32
      %mul3A_136 = arith.muli %scan3A_131, %mul3A_135 : i32
      %add3A_137 = arith.addi %mul3A_134, %mul3A_136 : i32
      "tpu.region"() ({
        %run_scoped3A = tpu.sem_alloc : memref<!tpu.dma_semaphore, #tpu.memory_space<semaphore_mem>>
        %dma_start3A_139 = arith.constant 0 : i32
        %dma_start3A_140 = tpu.memref_slice %arg8[%add3A_137, %dma_start3A_139] : memref<10240x64xf32, #tpu.memory_space<vmem_shared>> -> memref<128x64xf32, #tpu.memory_space<vmem_shared>>
        %dma_start3A_141 = arith.constant 0 : i32
        %dma_start3A_142 = tpu.memref_slice %arg8[%add3A_137, %dma_start3A_141] : memref<10240x64xf32, #tpu.memory_space<vmem_shared>> -> memref<128x64xf32, #tpu.memory_space<vmem_shared>>
        tpu.enqueue_dma source(%dma_start3A_142 : memref<128x64xf32, #tpu.memory_space<vmem_shared>>) target(%arg9 : memref<128x64xf32, #tpu.memory_space<vmem>>) target_semaphore(%run_scoped3A : memref<!tpu.dma_semaphore, #tpu.memory_space<semaphore_mem>>)
        %dma_wait3A_143 = arith.constant 0 : i32
        %dma_wait3A_144 = tpu.memref_slice %arg8[%add3A_137, %dma_wait3A_143] : memref<10240x64xf32, #tpu.memory_space<vmem_shared>> -> memref<128x64xf32, #tpu.memory_space<vmem_shared>>
        %dma_wait3A_145 = arith.constant 0 : i32
        %dma_wait3A_146 = tpu.memref_slice %arg8[%add3A_137, %dma_wait3A_145] : memref<10240x64xf32, #tpu.memory_space<vmem_shared>> -> memref<128x64xf32, #tpu.memory_space<vmem_shared>>
        tpu.wait_dma2 semaphore(%run_scoped3A : memref<!tpu.dma_semaphore, #tpu.memory_space<semaphore_mem>>) src(%dma_wait3A_146 : memref<128x64xf32, #tpu.memory_space<vmem_shared>>) dst(%arg9 : memref<128x64xf32, #tpu.memory_space<vmem>>)
        tpu.yield
      }) : () -> ()
      "tpu.region"() ({
        %run_scoped3A = tpu.sem_alloc : memref<!tpu.dma_semaphore, #tpu.memory_space<semaphore_mem>>
        %dma_start3A_139 = arith.constant 0 : i32
        %dma_start3A_140 = tpu.memref_slice %arg5[%arg0, %add3A_137, %dma_start3A_139] : memref<2x10240x64xf32, #tpu.memory_space<hbm>> -> memref<1x128x64xf32, #tpu.memory_space<hbm>>
        %dma_start3A_141 = tpu.memref_squeeze %dma_start3A_140 : memref<1x128x64xf32, #tpu.memory_space<hbm>> -> memref<128x64xf32, #tpu.memory_space<hbm>>
        %dma_start3A_142 = arith.constant 0 : i32
        %dma_start3A_143 = tpu.memref_slice %arg5[%arg0, %add3A_137, %dma_start3A_142] : memref<2x10240x64xf32, #tpu.memory_space<hbm>> -> memref<1x128x64xf32, #tpu.memory_space<hbm>>
        %dma_start3A_144 = tpu.memref_squeeze %dma_start3A_143 : memref<1x128x64xf32, #tpu.memory_space<hbm>> -> memref<128x64xf32, #tpu.memory_space<hbm>>
        tpu.enqueue_dma source(%arg9 : memref<128x64xf32, #tpu.memory_space<vmem>>) target(%dma_start3A_144 : memref<128x64xf32, #tpu.memory_space<hbm>>) target_semaphore(%run_scoped3A : memref<!tpu.dma_semaphore, #tpu.memory_space<semaphore_mem>>)
        %dma_wait3A_145 = arith.constant 0 : i32
        %dma_wait3A_146 = tpu.memref_slice %arg5[%arg0, %add3A_137, %dma_wait3A_145] : memref<2x10240x64xf32, #tpu.memory_space<hbm>> -> memref<1x128x64xf32, #tpu.memory_space<hbm>>
        %dma_wait3A_147 = tpu.memref_squeeze %dma_wait3A_146 : memref<1x128x64xf32, #tpu.memory_space<hbm>> -> memref<128x64xf32, #tpu.memory_space<hbm>>
        %dma_wait3A_148 = arith.constant 0 : i32
        %dma_wait3A_149 = tpu.memref_slice %arg5[%arg0, %add3A_137, %dma_wait3A_148] : memref<2x10240x64xf32, #tpu.memory_space<hbm>> -> memref<1x128x64xf32, #tpu.memory_space<hbm>>
        %dma_wait3A_150 = tpu.memref_squeeze %dma_wait3A_149 : memref<1x128x64xf32, #tpu.memory_space<hbm>> -> memref<128x64xf32, #tpu.memory_space<hbm>>
        tpu.wait_dma2 semaphore(%run_scoped3A : memref<!tpu.dma_semaphore, #tpu.memory_space<semaphore_mem>>) src(%arg9 : memref<128x64xf32, #tpu.memory_space<vmem>>) dst(%dma_wait3A_150 : memref<128x64xf32, #tpu.memory_space<hbm>>)
        tpu.yield
      }) : () -> ()
      %scan3A_138 = arith.constant 0 : i32
      scf.yield %scan3A_138 : i32
    }
    %scan3A_130 = arith.constant 5 : i32
    return
  }
}

#map = affine_map<(d0, d1) -> (0, 0)>
#map1 = affine_map<(d0, d1) -> (0, 0, 0)>
module attributes {stable_mosaic.version = 14 : i64} {
  func.func @body(%arg0: i32, %arg1: i32, %arg2: memref<10000x64xf32, #tpu.memory_space<hbm>>, %arg3: memref<2560x128xi32, #tpu.memory_space<hbm>>, %arg4: memref<2560x128xi32, #tpu.memory_space<hbm>>, %arg5: memref<2x10240x64xf32, #tpu.memory_space<hbm>>, %arg6: memref<155x128xi32, #tpu.memory_space<vmem>>, %arg7: memref<155x128xi32, #tpu.memory_space<vmem>>, %arg8: memref<10240x64xf32, #tpu.memory_space<vmem_shared>>, %arg9: memref<128x64xf32, #tpu.memory_space<vmem>>, %arg10: memref<128x64xf32, #tpu.memory_space<vmem>>, %arg11: memref<128x64xf32, #tpu.memory_space<vmem>>, %arg12: memref<128x64xf32, #tpu.memory_space<vmem>>, %arg13: memref<128x64xf32, #tpu.memory_space<vmem>>, %arg14: memref<!tpu.dma_semaphore, #tpu.memory_space<semaphore_mem>>, %arg15: memref<!tpu.dma_semaphore, #tpu.memory_space<semaphore_mem>>, %arg16: memref<!tpu.dma_semaphore, #tpu.memory_space<semaphore_mem>>, %arg17: memref<!tpu.dma_semaphore, #tpu.memory_space<semaphore_mem>>, %arg18: memref<!tpu.dma_semaphore, #tpu.memory_space<semaphore_mem>>, %arg19: memref<!tpu.dma_semaphore, #tpu.memory_space<semaphore_mem>>, %arg20: memref<!tpu.dma_semaphore, #tpu.memory_space<semaphore_mem>>, %arg21: memref<!tpu.dma_semaphore, #tpu.memory_space<semaphore_mem>>, %arg22: memref<!tpu.dma_semaphore, #tpu.memory_space<semaphore_mem>>, %arg23: memref<!tpu.dma_semaphore, #tpu.memory_space<semaphore_mem>>) attributes {dimension_semantics = [#tpu.dimension_semantics<core_parallel>, #tpu.dimension_semantics<subcore_parallel>], iteration_bounds = array<i64: 2, 16>, scalar_prefetch = 0 : i64, scratch_operands = 18 : i64, tpu.core_type = #tpu.core_type<sc_vector_subcore>, window_params = [{transform_indices = #map}, {transform_indices = #map}, {transform_indices = #map}, {transform_indices = #map1}]} {
    %eq3A = arith.constant 0 : i32
    %eq3A_0 = arith.cmpi eq, %arg0, %eq3A : i32
    %jit3A = arith.constant 155 : i32
    %jit3A_1 = arith.constant 5 : i32
    %select_n3A = arith.select %eq3A_0, %jit3A, %jit3A_1 : i32
    %mul3A = arith.constant 2480 : i32
    %mul3A_2 = arith.muli %arg0, %mul3A : i32
    %mul3A_3 = arith.muli %arg1, %select_n3A : i32
    %add3A = arith.addi %mul3A_2, %mul3A_3 : i32
    %eq3A_4 = arith.constant 0 : i32
    %eq3A_5 = arith.cmpi eq, %arg0, %eq3A_4 : i32
    %convert_element_type3A = arith.extui %eq3A_5 : i1 to i32
    %cond3A = arith.constant 0 : i32
    %cond3A_6 = arith.cmpi ne, %convert_element_type3A, %cond3A : i32
    scf.if %cond3A_6 {
      "tpu.region"() ({
        %run_scoped3A = tpu.sem_alloc : memref<!tpu.dma_semaphore, #tpu.memory_space<semaphore_mem>>
        %dma_start3A_131 = arith.constant 0 : i32
        %dma_start3A_132 = arith.constant 0 : i32
        %dma_start3A_133 = tpu.memref_slice %arg6[%dma_start3A_131, %dma_start3A_132] : memref<155x128xi32, #tpu.memory_space<vmem>> -> memref<155x128xi32, #tpu.memory_space<vmem>>
        %dma_start3A_134 = arith.constant 0 : i32
        %dma_start3A_135 = tpu.memref_slice %arg3[%add3A, %dma_start3A_134] : memref<2560x128xi32, #tpu.memory_space<hbm>> -> memref<155x128xi32, #tpu.memory_space<hbm>>
        %dma_start3A_136 = arith.constant 0 : i32
        %dma_start3A_137 = arith.constant 0 : i32
        %dma_start3A_138 = tpu.memref_slice %arg6[%dma_start3A_136, %dma_start3A_137] : memref<155x128xi32, #tpu.memory_space<vmem>> -> memref<155x128xi32, #tpu.memory_space<vmem>>
        %dma_start3A_139 = arith.constant 0 : i32
        %dma_start3A_140 = tpu.memref_slice %arg3[%add3A, %dma_start3A_139] : memref<2560x128xi32, #tpu.memory_space<hbm>> -> memref<155x128xi32, #tpu.memory_space<hbm>>
        tpu.enqueue_dma source(%dma_start3A_140 : memref<155x128xi32, #tpu.memory_space<hbm>>) target(%dma_start3A_138 : memref<155x128xi32, #tpu.memory_space<vmem>>) target_semaphore(%run_scoped3A : memref<!tpu.dma_semaphore, #tpu.memory_space<semaphore_mem>>)
        %dma_wait3A_141 = arith.constant 0 : i32
        %dma_wait3A_142 = arith.constant 0 : i32
        %dma_wait3A_143 = tpu.memref_slice %arg6[%dma_wait3A_141, %dma_wait3A_142] : memref<155x128xi32, #tpu.memory_space<vmem>> -> memref<155x128xi32, #tpu.memory_space<vmem>>
        %dma_wait3A_144 = arith.constant 0 : i32
        %dma_wait3A_145 = tpu.memref_slice %arg3[%add3A, %dma_wait3A_144] : memref<2560x128xi32, #tpu.memory_space<hbm>> -> memref<155x128xi32, #tpu.memory_space<hbm>>
        %dma_wait3A_146 = arith.constant 0 : i32
        %dma_wait3A_147 = arith.constant 0 : i32
        %dma_wait3A_148 = tpu.memref_slice %arg6[%dma_wait3A_146, %dma_wait3A_147] : memref<155x128xi32, #tpu.memory_space<vmem>> -> memref<155x128xi32, #tpu.memory_space<vmem>>
        %dma_wait3A_149 = arith.constant 0 : i32
        %dma_wait3A_150 = tpu.memref_slice %arg3[%add3A, %dma_wait3A_149] : memref<2560x128xi32, #tpu.memory_space<hbm>> -> memref<155x128xi32, #tpu.memory_space<hbm>>
        tpu.wait_dma2 semaphore(%run_scoped3A : memref<!tpu.dma_semaphore, #tpu.memory_space<semaphore_mem>>) src(%dma_wait3A_150 : memref<155x128xi32, #tpu.memory_space<hbm>>) dst(%dma_wait3A_148 : memref<155x128xi32, #tpu.memory_space<vmem>>)
        tpu.yield
      }) : () -> ()
      "tpu.region"() ({
        %run_scoped3A = tpu.sem_alloc : memref<!tpu.dma_semaphore, #tpu.memory_space<semaphore_mem>>
        %dma_start3A_131 = arith.constant 0 : i32
        %dma_start3A_132 = arith.constant 0 : i32
        %dma_start3A_133 = tpu.memref_slice %arg7[%dma_start3A_131, %dma_start3A_132] : memref<155x128xi32, #tpu.memory_space<vmem>> -> memref<155x128xi32, #tpu.memory_space<vmem>>
        %dma_start3A_134 = arith.constant 0 : i32
        %dma_start3A_135 = tpu.memref_slice %arg4[%add3A, %dma_start3A_134] : memref<2560x128xi32, #tpu.memory_space<hbm>> -> memref<155x128xi32, #tpu.memory_space<hbm>>
        %dma_start3A_136 = arith.constant 0 : i32
        %dma_start3A_137 = arith.constant 0 : i32
        %dma_start3A_138 = tpu.memref_slice %arg7[%dma_start3A_136, %dma_start3A_137] : memref<155x128xi32, #tpu.memory_space<vmem>> -> memref<155x128xi32, #tpu.memory_space<vmem>>
        %dma_start3A_139 = arith.constant 0 : i32
        %dma_start3A_140 = tpu.memref_slice %arg4[%add3A, %dma_start3A_139] : memref<2560x128xi32, #tpu.memory_space<hbm>> -> memref<155x128xi32, #tpu.memory_space<hbm>>
        tpu.enqueue_dma source(%dma_start3A_140 : memref<155x128xi32, #tpu.memory_space<hbm>>) target(%dma_start3A_138 : memref<155x128xi32, #tpu.memory_space<vmem>>) target_semaphore(%run_scoped3A : memref<!tpu.dma_semaphore, #tpu.memory_space<semaphore_mem>>)
        %dma_wait3A_141 = arith.constant 0 : i32
        %dma_wait3A_142 = arith.constant 0 : i32
        %dma_wait3A_143 = tpu.memref_slice %arg7[%dma_wait3A_141, %dma_wait3A_142] : memref<155x128xi32, #tpu.memory_space<vmem>> -> memref<155x128xi32, #tpu.memory_space<vmem>>
        %dma_wait3A_144 = arith.constant 0 : i32
        %dma_wait3A_145 = tpu.memref_slice %arg4[%add3A, %dma_wait3A_144] : memref<2560x128xi32, #tpu.memory_space<hbm>> -> memref<155x128xi32, #tpu.memory_space<hbm>>
        %dma_wait3A_146 = arith.constant 0 : i32
        %dma_wait3A_147 = arith.constant 0 : i32
        %dma_wait3A_148 = tpu.memref_slice %arg7[%dma_wait3A_146, %dma_wait3A_147] : memref<155x128xi32, #tpu.memory_space<vmem>> -> memref<155x128xi32, #tpu.memory_space<vmem>>
        %dma_wait3A_149 = arith.constant 0 : i32
        %dma_wait3A_150 = tpu.memref_slice %arg4[%add3A, %dma_wait3A_149] : memref<2560x128xi32, #tpu.memory_space<hbm>> -> memref<155x128xi32, #tpu.memory_space<hbm>>
        tpu.wait_dma2 semaphore(%run_scoped3A : memref<!tpu.dma_semaphore, #tpu.memory_space<semaphore_mem>>) src(%dma_wait3A_150 : memref<155x128xi32, #tpu.memory_space<hbm>>) dst(%dma_wait3A_148 : memref<155x128xi32, #tpu.memory_space<vmem>>)
        tpu.yield
      }) : () -> ()
    } else {
    }
    %eq3A_7 = arith.constant 1 : i32
    %eq3A_8 = arith.cmpi eq, %arg0, %eq3A_7 : i32
    %convert_element_type3A_9 = arith.extui %eq3A_8 : i1 to i32
    %cond3A_10 = arith.constant 0 : i32
    %cond3A_11 = arith.cmpi ne, %convert_element_type3A_9, %cond3A_10 : i32
    scf.if %cond3A_11 {
      "tpu.region"() ({
        %run_scoped3A = tpu.sem_alloc : memref<!tpu.dma_semaphore, #tpu.memory_space<semaphore_mem>>
        %dma_start3A_131 = arith.constant 0 : i32
        %dma_start3A_132 = arith.constant 0 : i32
        %dma_start3A_133 = tpu.memref_slice %arg6[%dma_start3A_131, %dma_start3A_132] : memref<155x128xi32, #tpu.memory_space<vmem>> -> memref<5x128xi32, #tpu.memory_space<vmem>>
        %dma_start3A_134 = arith.constant 0 : i32
        %dma_start3A_135 = tpu.memref_slice %arg3[%add3A, %dma_start3A_134] : memref<2560x128xi32, #tpu.memory_space<hbm>> -> memref<5x128xi32, #tpu.memory_space<hbm>>
        %dma_start3A_136 = arith.constant 0 : i32
        %dma_start3A_137 = arith.constant 0 : i32
        %dma_start3A_138 = tpu.memref_slice %arg6[%dma_start3A_136, %dma_start3A_137] : memref<155x128xi32, #tpu.memory_space<vmem>> -> memref<5x128xi32, #tpu.memory_space<vmem>>
        %dma_start3A_139 = arith.constant 0 : i32
        %dma_start3A_140 = tpu.memref_slice %arg3[%add3A, %dma_start3A_139] : memref<2560x128xi32, #tpu.memory_space<hbm>> -> memref<5x128xi32, #tpu.memory_space<hbm>>
        tpu.enqueue_dma source(%dma_start3A_140 : memref<5x128xi32, #tpu.memory_space<hbm>>) target(%dma_start3A_138 : memref<5x128xi32, #tpu.memory_space<vmem>>) target_semaphore(%run_scoped3A : memref<!tpu.dma_semaphore, #tpu.memory_space<semaphore_mem>>)
        %dma_wait3A_141 = arith.constant 0 : i32
        %dma_wait3A_142 = arith.constant 0 : i32
        %dma_wait3A_143 = tpu.memref_slice %arg6[%dma_wait3A_141, %dma_wait3A_142] : memref<155x128xi32, #tpu.memory_space<vmem>> -> memref<5x128xi32, #tpu.memory_space<vmem>>
        %dma_wait3A_144 = arith.constant 0 : i32
        %dma_wait3A_145 = tpu.memref_slice %arg3[%add3A, %dma_wait3A_144] : memref<2560x128xi32, #tpu.memory_space<hbm>> -> memref<5x128xi32, #tpu.memory_space<hbm>>
        %dma_wait3A_146 = arith.constant 0 : i32
        %dma_wait3A_147 = arith.constant 0 : i32
        %dma_wait3A_148 = tpu.memref_slice %arg6[%dma_wait3A_146, %dma_wait3A_147] : memref<155x128xi32, #tpu.memory_space<vmem>> -> memref<5x128xi32, #tpu.memory_space<vmem>>
        %dma_wait3A_149 = arith.constant 0 : i32
        %dma_wait3A_150 = tpu.memref_slice %arg3[%add3A, %dma_wait3A_149] : memref<2560x128xi32, #tpu.memory_space<hbm>> -> memref<5x128xi32, #tpu.memory_space<hbm>>
        tpu.wait_dma2 semaphore(%run_scoped3A : memref<!tpu.dma_semaphore, #tpu.memory_space<semaphore_mem>>) src(%dma_wait3A_150 : memref<5x128xi32, #tpu.memory_space<hbm>>) dst(%dma_wait3A_148 : memref<5x128xi32, #tpu.memory_space<vmem>>)
        tpu.yield
      }) : () -> ()
      "tpu.region"() ({
        %run_scoped3A = tpu.sem_alloc : memref<!tpu.dma_semaphore, #tpu.memory_space<semaphore_mem>>
        %dma_start3A_131 = arith.constant 0 : i32
        %dma_start3A_132 = arith.constant 0 : i32
        %dma_start3A_133 = tpu.memref_slice %arg7[%dma_start3A_131, %dma_start3A_132] : memref<155x128xi32, #tpu.memory_space<vmem>> -> memref<5x128xi32, #tpu.memory_space<vmem>>
        %dma_start3A_134 = arith.constant 0 : i32
        %dma_start3A_135 = tpu.memref_slice %arg4[%add3A, %dma_start3A_134] : memref<2560x128xi32, #tpu.memory_space<hbm>> -> memref<5x128xi32, #tpu.memory_space<hbm>>
        %dma_start3A_136 = arith.constant 0 : i32
        %dma_start3A_137 = arith.constant 0 : i32
        %dma_start3A_138 = tpu.memref_slice %arg7[%dma_start3A_136, %dma_start3A_137] : memref<155x128xi32, #tpu.memory_space<vmem>> -> memref<5x128xi32, #tpu.memory_space<vmem>>
        %dma_start3A_139 = arith.constant 0 : i32
        %dma_start3A_140 = tpu.memref_slice %arg4[%add3A, %dma_start3A_139] : memref<2560x128xi32, #tpu.memory_space<hbm>> -> memref<5x128xi32, #tpu.memory_space<hbm>>
        tpu.enqueue_dma source(%dma_start3A_140 : memref<5x128xi32, #tpu.memory_space<hbm>>) target(%dma_start3A_138 : memref<5x128xi32, #tpu.memory_space<vmem>>) target_semaphore(%run_scoped3A : memref<!tpu.dma_semaphore, #tpu.memory_space<semaphore_mem>>)
        %dma_wait3A_141 = arith.constant 0 : i32
        %dma_wait3A_142 = arith.constant 0 : i32
        %dma_wait3A_143 = tpu.memref_slice %arg7[%dma_wait3A_141, %dma_wait3A_142] : memref<155x128xi32, #tpu.memory_space<vmem>> -> memref<5x128xi32, #tpu.memory_space<vmem>>
        %dma_wait3A_144 = arith.constant 0 : i32
        %dma_wait3A_145 = tpu.memref_slice %arg4[%add3A, %dma_wait3A_144] : memref<2560x128xi32, #tpu.memory_space<hbm>> -> memref<5x128xi32, #tpu.memory_space<hbm>>
        %dma_wait3A_146 = arith.constant 0 : i32
        %dma_wait3A_147 = arith.constant 0 : i32
        %dma_wait3A_148 = tpu.memref_slice %arg7[%dma_wait3A_146, %dma_wait3A_147] : memref<155x128xi32, #tpu.memory_space<vmem>> -> memref<5x128xi32, #tpu.memory_space<vmem>>
        %dma_wait3A_149 = arith.constant 0 : i32
        %dma_wait3A_150 = tpu.memref_slice %arg4[%add3A, %dma_wait3A_149] : memref<2560x128xi32, #tpu.memory_space<hbm>> -> memref<5x128xi32, #tpu.memory_space<hbm>>
        tpu.wait_dma2 semaphore(%run_scoped3A : memref<!tpu.dma_semaphore, #tpu.memory_space<semaphore_mem>>) src(%dma_wait3A_150 : memref<5x128xi32, #tpu.memory_space<hbm>>) dst(%dma_wait3A_148 : memref<5x128xi32, #tpu.memory_space<vmem>>)
        tpu.yield
      }) : () -> ()
    } else {
    }
    %scan3A = arith.constant 0 : i32
    %scan3A_12 = arith.constant 0 : i32
    %scan3A_13 = arith.constant 128 : i32
    %scan3A_14 = arith.addi %scan3A_12, %scan3A_13 : i32
    %scan3A_15 = arith.constant 1 : i32
    %scan3A_16 = scf.for %scan3A_131 = %scan3A_12 to %scan3A_14 step %scan3A_15 iter_args(%scan3A_132 = %scan3A) -> (i32)  : i32 {
      %scan3A_133 = arith.constant 0 : i32
      %scan3A_134 = arith.constant 0 : i32
      %scan3A_135 = arith.constant 4 : i32
      %scan3A_136 = arith.addi %scan3A_134, %scan3A_135 : i32
      %scan3A_137 = arith.constant 1 : i32
      %scan3A_138 = scf.for %scan3A_140 = %scan3A_134 to %scan3A_136 step %scan3A_137 iter_args(%scan3A_141 = %scan3A_133) -> (i32)  : i32 {
        %broadcast_in_dim3A = arith.constant 0.000000e+00 : f32
        %broadcast_in_dim3A_142 = vector.broadcast %broadcast_in_dim3A : f32 to vector<16xf32>
        %mul3A_143 = arith.constant 16 : i32
        %mul3A_144 = arith.muli %scan3A_140, %mul3A_143 : i32
        %swap3A = arith.index_cast %scan3A_131 : i32 to index
        %swap3A_145 = arith.index_cast %mul3A_144 : i32 to index
        %swap3A_146 = tpu.vector_load %arg9[%swap3A, %swap3A_145] {strides = array<i32>} : memref<128x64xf32, #tpu.memory_space<vmem>>, vector<1x16xf32>,
        %swap3A_147 = vector.shape_cast %swap3A_146 : vector<1x16xf32> to vector<16xf32>
        %swap3A_148 = vector.shape_cast %broadcast_in_dim3A_142 : vector<16xf32> to vector<1x16xf32>
        tpu.vector_store %arg9[%swap3A, %swap3A_145], %swap3A_148 {strides = array<i32>} : memref<128x64xf32, #tpu.memory_space<vmem>>, vector<1x16xf32>,
        %scan3A_149 = arith.constant 0 : i32
        scf.yield %scan3A_149 : i32
      }
      %scan3A_139 = arith.constant 4 : i32
      scf.yield %scan3A_138 : i32
    }
    %scan3A_17 = arith.constant 128 : i32
    %scan3A_18 = arith.constant 0 : i32
    %scan3A_19 = arith.constant 0 : i32
    %scan3A_20 = arith.constant 5 : i32
    %scan3A_21 = arith.addi %scan3A_19, %scan3A_20 : i32
    %scan3A_22 = arith.constant 1 : i32
    %scan3A_23 = scf.for %scan3A_131 = %scan3A_19 to %scan3A_21 step %scan3A_22 iter_args(%scan3A_132 = %scan3A_18) -> (i32)  : i32 {
      %mul3A_133 = arith.constant 640 : i32
      %mul3A_134 = arith.muli %arg1, %mul3A_133 : i32
      %mul3A_135 = arith.constant 128 : i32
      %mul3A_136 = arith.muli %scan3A_131, %mul3A_135 : i32
      %add3A_137 = arith.addi %mul3A_134, %mul3A_136 : i32
      "tpu.region"() ({
        %run_scoped3A = tpu.sem_alloc : memref<!tpu.dma_semaphore, #tpu.memory_space<semaphore_mem>>
        %dma_start3A_139 = arith.constant 0 : i32
        %dma_start3A_140 = tpu.memref_slice %arg8[%add3A_137, %dma_start3A_139] : memref<10240x64xf32, #tpu.memory_space<vmem_shared>> -> memref<128x64xf32, #tpu.memory_space<vmem_shared>>
        %dma_start3A_141 = arith.constant 0 : i32
        %dma_start3A_142 = tpu.memref_slice %arg8[%add3A_137, %dma_start3A_141] : memref<10240x64xf32, #tpu.memory_space<vmem_shared>> -> memref<128x64xf32, #tpu.memory_space<vmem_shared>>
        tpu.enqueue_dma source(%arg9 : memref<128x64xf32, #tpu.memory_space<vmem>>) target(%dma_start3A_142 : memref<128x64xf32, #tpu.memory_space<vmem_shared>>) target_semaphore(%run_scoped3A : memref<!tpu.dma_semaphore, #tpu.memory_space<semaphore_mem>>)
        %dma_wait3A_143 = arith.constant 0 : i32
        %dma_wait3A_144 = tpu.memref_slice %arg8[%add3A_137, %dma_wait3A_143] : memref<10240x64xf32, #tpu.memory_space<vmem_shared>> -> memref<128x64xf32, #tpu.memory_space<vmem_shared>>
        %dma_wait3A_145 = arith.constant 0 : i32
        %dma_wait3A_146 = tpu.memref_slice %arg8[%add3A_137, %dma_wait3A_145] : memref<10240x64xf32, #tpu.memory_space<vmem_shared>> -> memref<128x64xf32, #tpu.memory_space<vmem_shared>>
        tpu.wait_dma2 semaphore(%run_scoped3A : memref<!tpu.dma_semaphore, #tpu.memory_space<semaphore_mem>>) src(%arg9 : memref<128x64xf32, #tpu.memory_space<vmem>>) dst(%dma_wait3A_146 : memref<128x64xf32, #tpu.memory_space<vmem_shared>>)
        tpu.yield
      }) : () -> ()
      %scan3A_138 = arith.constant 0 : i32
      scf.yield %scan3A_138 : i32
    }
    %scan3A_24 = arith.constant 5 : i32
    %barrier3A = arith.constant 0 : index
    tpu.barrier barrier_id(%barrier3A)
    %dma_start3A = arith.constant 0 : i32
    %dma_start3A_25 = arith.constant 0 : i32
    %dma_start3A_26 = tpu.memref_slice %arg6[%dma_start3A, %dma_start3A_25] : memref<155x128xi32, #tpu.memory_space<vmem>> -> memref<1x128xi32, #tpu.memory_space<vmem>>
    %dma_start3A_27 = tpu.memref_squeeze %dma_start3A_26 : memref<1x128xi32, #tpu.memory_space<vmem>> -> memref<128xi32, #tpu.memory_space<vmem>>
    %dma_start3A_28 = arith.constant 0 : i32
    %dma_start3A_29 = arith.constant 0 : i32
    %dma_start3A_30 = tpu.memref_slice %arg2[%dma_start3A_28, %dma_start3A_29] : memref<10000x64xf32, #tpu.memory_space<hbm>> -> memref<10000x64xf32, #tpu.memory_space<hbm>>
    tpu.enqueue_indirect_dma source(%dma_start3A_30 : memref<10000x64xf32, #tpu.memory_space<hbm>>) target(%arg9 : memref<128x64xf32, #tpu.memory_space<vmem>>) offsets(%dma_start3A_27 : memref<128xi32, #tpu.memory_space<vmem>>) semaphore(%arg14 : memref<!tpu.dma_semaphore, #tpu.memory_space<semaphore_mem>>)
    %dma_start3A_31 = arith.constant 1 : i32
    %dma_start3A_32 = arith.constant 0 : i32
    %dma_start3A_33 = tpu.memref_slice %arg6[%dma_start3A_31, %dma_start3A_32] : memref<155x128xi32, #tpu.memory_space<vmem>> -> memref<1x128xi32, #tpu.memory_space<vmem>>
    %dma_start3A_34 = tpu.memref_squeeze %dma_start3A_33 : memref<1x128xi32, #tpu.memory_space<vmem>> -> memref<128xi32, #tpu.memory_space<vmem>>
    %dma_start3A_35 = arith.constant 0 : i32
    %dma_start3A_36 = arith.constant 0 : i32
    %dma_start3A_37 = tpu.memref_slice %arg2[%dma_start3A_35, %dma_start3A_36] : memref<10000x64xf32, #tpu.memory_space<hbm>> -> memref<10000x64xf32, #tpu.memory_space<hbm>>
    tpu.enqueue_indirect_dma source(%dma_start3A_37 : memref<10000x64xf32, #tpu.memory_space<hbm>>) target(%arg10 : memref<128x64xf32, #tpu.memory_space<vmem>>) offsets(%dma_start3A_34 : memref<128xi32, #tpu.memory_space<vmem>>) semaphore(%arg15 : memref<!tpu.dma_semaphore, #tpu.memory_space<semaphore_mem>>)
    %dma_start3A_38 = arith.constant 2 : i32
    %dma_start3A_39 = arith.constant 0 : i32
    %dma_start3A_40 = tpu.memref_slice %arg6[%dma_start3A_38, %dma_start3A_39] : memref<155x128xi32, #tpu.memory_space<vmem>> -> memref<1x128xi32, #tpu.memory_space<vmem>>
    %dma_start3A_41 = tpu.memref_squeeze %dma_start3A_40 : memref<1x128xi32, #tpu.memory_space<vmem>> -> memref<128xi32, #tpu.memory_space<vmem>>
    %dma_start3A_42 = arith.constant 0 : i32
    %dma_start3A_43 = arith.constant 0 : i32
    %dma_start3A_44 = tpu.memref_slice %arg2[%dma_start3A_42, %dma_start3A_43] : memref<10000x64xf32, #tpu.memory_space<hbm>> -> memref<10000x64xf32, #tpu.memory_space<hbm>>
    tpu.enqueue_indirect_dma source(%dma_start3A_44 : memref<10000x64xf32, #tpu.memory_space<hbm>>) target(%arg11 : memref<128x64xf32, #tpu.memory_space<vmem>>) offsets(%dma_start3A_41 : memref<128xi32, #tpu.memory_space<vmem>>) semaphore(%arg16 : memref<!tpu.dma_semaphore, #tpu.memory_space<semaphore_mem>>)
    %jit3A_45 = arith.constant 5 : i32
    %div3A = arith.divsi %select_n3A, %jit3A_45 : i32
    %sign3A = arith.constant 0 : i32
    %sign3A_46 = arith.cmpi sgt, %select_n3A, %sign3A : i32
    %sign3A_47 = arith.extui %sign3A_46 : i1 to i32
    %sign3A_48 = arith.constant 0 : i32
    %sign3A_49 = arith.cmpi slt, %select_n3A, %sign3A_48 : i32
    %sign3A_50 = arith.extui %sign3A_49 : i1 to i32
    %sign3A_51 = arith.subi %sign3A_47, %sign3A_50 : i32
    %sign3A_52 = arith.constant 0 : i32
    %sign3A_53 = arith.cmpi sgt, %jit3A_45, %sign3A_52 : i32
    %sign3A_54 = arith.extui %sign3A_53 : i1 to i32
    %sign3A_55 = arith.constant 0 : i32
    %sign3A_56 = arith.cmpi slt, %jit3A_45, %sign3A_55 : i32
    %sign3A_57 = arith.extui %sign3A_56 : i1 to i32
    %sign3A_58 = arith.subi %sign3A_54, %sign3A_57 : i32
    %ne3A = arith.cmpi ne, %sign3A_51, %sign3A_58 : i32
    %rem3A = arith.remsi %select_n3A, %jit3A_45 : i32
    %ne3A_59 = arith.constant 0 : i32
    %ne3A_60 = arith.cmpi ne, %rem3A, %ne3A_59 : i32
    %and3A = arith.andi %ne3A, %ne3A_60 : i1
    %sub3A = arith.constant 1 : i32
    %sub3A_61 = arith.subi %div3A, %sub3A : i32
    %select_n3A_62 = arith.select %and3A, %sub3A_61, %div3A : i32
    %while3A = arith.constant 0 : i32
    %while3A_63 = arith.constant 0 : i32
    %while3A_64 = arith.subi %select_n3A_62, %while3A : i32
    %while3A_65 = arith.addi %while3A, %while3A_64 : i32
    %while3A_66 = arith.constant 1 : i32
    %while3A_67 = arith.divsi %while3A_64, %while3A_66 : i32
    %while3A_68 = arith.muli %while3A_67, %while3A_66 : i32
    %while3A_69 = arith.addi %while3A, %while3A_68 : i32
    %while3A_70 = arith.constant 1 : i32
    %while3A_71 = scf.for %while3A_131 = %while3A to %while3A_69 step %while3A_70 iter_args(%while3A_132 = %while3A_63) -> (i32)  : i32 {
      %mul3A_133 = arith.constant 5 : i32
      %mul3A_134 = arith.muli %while3A_131, %mul3A_133 : i32
      %add3A_135 = arith.constant 0 : i32
      %add3A_136 = arith.addi %mul3A_134, %add3A_135 : i32
      %add3A_137 = arith.constant 3 : i32
      %add3A_138 = arith.addi %add3A_136, %add3A_137 : i32
      %lt3A = arith.cmpi slt, %add3A_138, %select_n3A : i32
      %ge3A = arith.constant 5 : i32
      %ge3A_139 = arith.cmpi sge, %add3A_138, %ge3A : i32
      %and3A_140 = arith.andi %lt3A, %ge3A_139 : i1
      %convert_element_type3A_141 = arith.extui %and3A_140 : i1 to i32
      %cond3A_142 = arith.constant 0 : i32
      %cond3A_143 = arith.cmpi ne, %convert_element_type3A_141, %cond3A_142 : i32
      scf.if %cond3A_143 {
        %sub3A_277 = arith.constant 5 : i32
        %sub3A_278 = arith.subi %add3A_138, %sub3A_277 : i32
        %dma_wait3A_279 = arith.constant 0 : i32
        %dma_wait3A_280 = tpu.memref_slice %arg7[%sub3A_278, %dma_wait3A_279] : memref<155x128xi32, #tpu.memory_space<vmem>> -> memref<1x128xi32, #tpu.memory_space<vmem>>
        %dma_wait3A_281 = tpu.memref_squeeze %dma_wait3A_280 : memref<1x128xi32, #tpu.memory_space<vmem>> -> memref<128xi32, #tpu.memory_space<vmem>>
        %dma_wait3A_282 = arith.constant 0 : i32
        %dma_wait3A_283 = arith.constant 0 : i32
        %dma_wait3A_284 = tpu.memref_slice %arg8[%dma_wait3A_282, %dma_wait3A_283] : memref<10240x64xf32, #tpu.memory_space<vmem_shared>> -> memref<10240x64xf32, #tpu.memory_space<vmem_shared>>
        tpu.wait_indirect_dma semaphore(%arg22 : memref<!tpu.dma_semaphore, #tpu.memory_space<semaphore_mem>>) src(%arg12 : memref<128x64xf32, #tpu.memory_space<vmem>>) dst(%dma_wait3A_284 : memref<10240x64xf32, #tpu.memory_space<vmem_shared>>)
      } else {
      }
      %lt3A_144 = arith.cmpi slt, %add3A_138, %select_n3A : i32
      %convert_element_type3A_145 = arith.extui %lt3A_144 : i1 to i32
      %cond3A_146 = arith.constant 0 : i32
      %cond3A_147 = arith.cmpi ne, %convert_element_type3A_145, %cond3A_146 : i32
      scf.if %cond3A_147 {
        %dma_start3A_277 = arith.constant 0 : i32
        %dma_start3A_278 = tpu.memref_slice %arg6[%add3A_138, %dma_start3A_277] : memref<155x128xi32, #tpu.memory_space<vmem>> -> memref<1x128xi32, #tpu.memory_space<vmem>>
        %dma_start3A_279 = tpu.memref_squeeze %dma_start3A_278 : memref<1x128xi32, #tpu.memory_space<vmem>> -> memref<128xi32, #tpu.memory_space<vmem>>
        %dma_start3A_280 = arith.constant 0 : i32
        %dma_start3A_281 = arith.constant 0 : i32
        %dma_start3A_282 = tpu.memref_slice %arg2[%dma_start3A_280, %dma_start3A_281] : memref<10000x64xf32, #tpu.memory_space<hbm>> -> memref<10000x64xf32, #tpu.memory_space<hbm>>
        tpu.enqueue_indirect_dma source(%dma_start3A_282 : memref<10000x64xf32, #tpu.memory_space<hbm>>) target(%arg12 : memref<128x64xf32, #tpu.memory_space<vmem>>) offsets(%dma_start3A_279 : memref<128xi32, #tpu.memory_space<vmem>>) semaphore(%arg17 : memref<!tpu.dma_semaphore, #tpu.memory_space<semaphore_mem>>)
      } else {
      }
      %dma_wait3A_148 = arith.constant 0 : i32
      %dma_wait3A_149 = tpu.memref_slice %arg6[%add3A_136, %dma_wait3A_148] : memref<155x128xi32, #tpu.memory_space<vmem>> -> memref<1x128xi32, #tpu.memory_space<vmem>>
      %dma_wait3A_150 = tpu.memref_squeeze %dma_wait3A_149 : memref<1x128xi32, #tpu.memory_space<vmem>> -> memref<128xi32, #tpu.memory_space<vmem>>
      %dma_wait3A_151 = arith.constant 0 : i32
      %dma_wait3A_152 = arith.constant 0 : i32
      %dma_wait3A_153 = tpu.memref_slice %arg2[%dma_wait3A_151, %dma_wait3A_152] : memref<10000x64xf32, #tpu.memory_space<hbm>> -> memref<10000x64xf32, #tpu.memory_space<hbm>>
      tpu.wait_indirect_dma semaphore(%arg14 : memref<!tpu.dma_semaphore, #tpu.memory_space<semaphore_mem>>) src(%dma_wait3A_153 : memref<10000x64xf32, #tpu.memory_space<hbm>>) dst(%arg9 : memref<128x64xf32, #tpu.memory_space<vmem>>)
      %dma_start3A_154 = arith.constant 0 : i32
      %dma_start3A_155 = tpu.memref_slice %arg7[%add3A_136, %dma_start3A_154] : memref<155x128xi32, #tpu.memory_space<vmem>> -> memref<1x128xi32, #tpu.memory_space<vmem>>
      %dma_start3A_156 = tpu.memref_squeeze %dma_start3A_155 : memref<1x128xi32, #tpu.memory_space<vmem>> -> memref<128xi32, #tpu.memory_space<vmem>>
      %dma_start3A_157 = arith.constant 0 : i32
      %dma_start3A_158 = arith.constant 0 : i32
      %dma_start3A_159 = tpu.memref_slice %arg8[%dma_start3A_157, %dma_start3A_158] : memref<10240x64xf32, #tpu.memory_space<vmem_shared>> -> memref<10240x64xf32, #tpu.memory_space<vmem_shared>>
      tpu.enqueue_indirect_dma source(%arg9 : memref<128x64xf32, #tpu.memory_space<vmem>>) target(%dma_start3A_159 : memref<10240x64xf32, #tpu.memory_space<vmem_shared>>) offsets(%dma_start3A_156 : memref<128xi32, #tpu.memory_space<vmem>>) semaphore(%arg19 : memref<!tpu.dma_semaphore, #tpu.memory_space<semaphore_mem>>) {add = true}
      %mul3A_160 = arith.constant 5 : i32
      %mul3A_161 = arith.muli %while3A_131, %mul3A_160 : i32
      %add3A_162 = arith.constant 1 : i32
      %add3A_163 = arith.addi %mul3A_161, %add3A_162 : i32
      %add3A_164 = arith.constant 3 : i32
      %add3A_165 = arith.addi %add3A_163, %add3A_164 : i32
      %lt3A_166 = arith.cmpi slt, %add3A_165, %select_n3A : i32
      %ge3A_167 = arith.constant 5 : i32
      %ge3A_168 = arith.cmpi sge, %add3A_165, %ge3A_167 : i32
      %and3A_169 = arith.andi %lt3A_166, %ge3A_168 : i1
      %convert_element_type3A_170 = arith.extui %and3A_169 : i1 to i32
      %cond3A_171 = arith.constant 0 : i32
      %cond3A_172 = arith.cmpi ne, %convert_element_type3A_170, %cond3A_171 : i32
      scf.if %cond3A_172 {
        %sub3A_277 = arith.constant 5 : i32
        %sub3A_278 = arith.subi %add3A_165, %sub3A_277 : i32
        %dma_wait3A_279 = arith.constant 0 : i32
        %dma_wait3A_280 = tpu.memref_slice %arg7[%sub3A_278, %dma_wait3A_279] : memref<155x128xi32, #tpu.memory_space<vmem>> -> memref<1x128xi32, #tpu.memory_space<vmem>>
        %dma_wait3A_281 = tpu.memref_squeeze %dma_wait3A_280 : memref<1x128xi32, #tpu.memory_space<vmem>> -> memref<128xi32, #tpu.memory_space<vmem>>
        %dma_wait3A_282 = arith.constant 0 : i32
        %dma_wait3A_283 = arith.constant 0 : i32
        %dma_wait3A_284 = tpu.memref_slice %arg8[%dma_wait3A_282, %dma_wait3A_283] : memref<10240x64xf32, #tpu.memory_space<vmem_shared>> -> memref<10240x64xf32, #tpu.memory_space<vmem_shared>>
        tpu.wait_indirect_dma semaphore(%arg23 : memref<!tpu.dma_semaphore, #tpu.memory_space<semaphore_mem>>) src(%arg13 : memref<128x64xf32, #tpu.memory_space<vmem>>) dst(%dma_wait3A_284 : memref<10240x64xf32, #tpu.memory_space<vmem_shared>>)
      } else {
      }
      %lt3A_173 = arith.cmpi slt, %add3A_165, %select_n3A : i32
      %convert_element_type3A_174 = arith.extui %lt3A_173 : i1 to i32
      %cond3A_175 = arith.constant 0 : i32
      %cond3A_176 = arith.cmpi ne, %convert_element_type3A_174, %cond3A_175 : i32
      scf.if %cond3A_176 {
        %dma_start3A_277 = arith.constant 0 : i32
        %dma_start3A_278 = tpu.memref_slice %arg6[%add3A_165, %dma_start3A_277] : memref<155x128xi32, #tpu.memory_space<vmem>> -> memref<1x128xi32, #tpu.memory_space<vmem>>
        %dma_start3A_279 = tpu.memref_squeeze %dma_start3A_278 : memref<1x128xi32, #tpu.memory_space<vmem>> -> memref<128xi32, #tpu.memory_space<vmem>>
        %dma_start3A_280 = arith.constant 0 : i32
        %dma_start3A_281 = arith.constant 0 : i32
        %dma_start3A_282 = tpu.memref_slice %arg2[%dma_start3A_280, %dma_start3A_281] : memref<10000x64xf32, #tpu.memory_space<hbm>> -> memref<10000x64xf32, #tpu.memory_space<hbm>>
        tpu.enqueue_indirect_dma source(%dma_start3A_282 : memref<10000x64xf32, #tpu.memory_space<hbm>>) target(%arg13 : memref<128x64xf32, #tpu.memory_space<vmem>>) offsets(%dma_start3A_279 : memref<128xi32, #tpu.memory_space<vmem>>) semaphore(%arg18 : memref<!tpu.dma_semaphore, #tpu.memory_space<semaphore_mem>>)
      } else {
      }
      %dma_wait3A_177 = arith.constant 0 : i32
      %dma_wait3A_178 = tpu.memref_slice %arg6[%add3A_163, %dma_wait3A_177] : memref<155x128xi32, #tpu.memory_space<vmem>> -> memref<1x128xi32, #tpu.memory_space<vmem>>
      %dma_wait3A_179 = tpu.memref_squeeze %dma_wait3A_178 : memref<1x128xi32, #tpu.memory_space<vmem>> -> memref<128xi32, #tpu.memory_space<vmem>>
      %dma_wait3A_180 = arith.constant 0 : i32
      %dma_wait3A_181 = arith.constant 0 : i32
      %dma_wait3A_182 = tpu.memref_slice %arg2[%dma_wait3A_180, %dma_wait3A_181] : memref<10000x64xf32, #tpu.memory_space<hbm>> -> memref<10000x64xf32, #tpu.memory_space<hbm>>
      tpu.wait_indirect_dma semaphore(%arg15 : memref<!tpu.dma_semaphore, #tpu.memory_space<semaphore_mem>>) src(%dma_wait3A_182 : memref<10000x64xf32, #tpu.memory_space<hbm>>) dst(%arg10 : memref<128x64xf32, #tpu.memory_space<vmem>>)
      %dma_start3A_183 = arith.constant 0 : i32
      %dma_start3A_184 = tpu.memref_slice %arg7[%add3A_163, %dma_start3A_183] : memref<155x128xi32, #tpu.memory_space<vmem>> -> memref<1x128xi32, #tpu.memory_space<vmem>>
      %dma_start3A_185 = tpu.memref_squeeze %dma_start3A_184 : memref<1x128xi32, #tpu.memory_space<vmem>> -> memref<128xi32, #tpu.memory_space<vmem>>
      %dma_start3A_186 = arith.constant 0 : i32
      %dma_start3A_187 = arith.constant 0 : i32
      %dma_start3A_188 = tpu.memref_slice %arg8[%dma_start3A_186, %dma_start3A_187] : memref<10240x64xf32, #tpu.memory_space<vmem_shared>> -> memref<10240x64xf32, #tpu.memory_space<vmem_shared>>
      tpu.enqueue_indirect_dma source(%arg10 : memref<128x64xf32, #tpu.memory_space<vmem>>) target(%dma_start3A_188 : memref<10240x64xf32, #tpu.memory_space<vmem_shared>>) offsets(%dma_start3A_185 : memref<128xi32, #tpu.memory_space<vmem>>) semaphore(%arg20 : memref<!tpu.dma_semaphore, #tpu.memory_space<semaphore_mem>>) {add = true}
      %mul3A_189 = arith.constant 5 : i32
      %mul3A_190 = arith.muli %while3A_131, %mul3A_189 : i32
      %add3A_191 = arith.constant 2 : i32
      %add3A_192 = arith.addi %mul3A_190, %add3A_191 : i32
      %add3A_193 = arith.constant 3 : i32
      %add3A_194 = arith.addi %add3A_192, %add3A_193 : i32
      %lt3A_195 = arith.cmpi slt, %add3A_194, %select_n3A : i32
      %ge3A_196 = arith.constant 5 : i32
      %ge3A_197 = arith.cmpi sge, %add3A_194, %ge3A_196 : i32
      %and3A_198 = arith.andi %lt3A_195, %ge3A_197 : i1
      %convert_element_type3A_199 = arith.extui %and3A_198 : i1 to i32
      %cond3A_200 = arith.constant 0 : i32
      %cond3A_201 = arith.cmpi ne, %convert_element_type3A_199, %cond3A_200 : i32
      scf.if %cond3A_201 {
        %sub3A_277 = arith.constant 5 : i32
        %sub3A_278 = arith.subi %add3A_194, %sub3A_277 : i32
        %dma_wait3A_279 = arith.constant 0 : i32
        %dma_wait3A_280 = tpu.memref_slice %arg7[%sub3A_278, %dma_wait3A_279] : memref<155x128xi32, #tpu.memory_space<vmem>> -> memref<1x128xi32, #tpu.memory_space<vmem>>
        %dma_wait3A_281 = tpu.memref_squeeze %dma_wait3A_280 : memref<1x128xi32, #tpu.memory_space<vmem>> -> memref<128xi32, #tpu.memory_space<vmem>>
        %dma_wait3A_282 = arith.constant 0 : i32
        %dma_wait3A_283 = arith.constant 0 : i32
        %dma_wait3A_284 = tpu.memref_slice %arg8[%dma_wait3A_282, %dma_wait3A_283] : memref<10240x64xf32, #tpu.memory_space<vmem_shared>> -> memref<10240x64xf32, #tpu.memory_space<vmem_shared>>
        tpu.wait_indirect_dma semaphore(%arg19 : memref<!tpu.dma_semaphore, #tpu.memory_space<semaphore_mem>>) src(%arg9 : memref<128x64xf32, #tpu.memory_space<vmem>>) dst(%dma_wait3A_284 : memref<10240x64xf32, #tpu.memory_space<vmem_shared>>)
      } else {
      }
      %lt3A_202 = arith.cmpi slt, %add3A_194, %select_n3A : i32
      %convert_element_type3A_203 = arith.extui %lt3A_202 : i1 to i32
      %cond3A_204 = arith.constant 0 : i32
      %cond3A_205 = arith.cmpi ne, %convert_element_type3A_203, %cond3A_204 : i32
      scf.if %cond3A_205 {
        %dma_start3A_277 = arith.constant 0 : i32
        %dma_start3A_278 = tpu.memref_slice %arg6[%add3A_194, %dma_start3A_277] : memref<155x128xi32, #tpu.memory_space<vmem>> -> memref<1x128xi32, #tpu.memory_space<vmem>>
        %dma_start3A_279 = tpu.memref_squeeze %dma_start3A_278 : memref<1x128xi32, #tpu.memory_space<vmem>> -> memref<128xi32, #tpu.memory_space<vmem>>
        %dma_start3A_280 = arith.constant 0 : i32
        %dma_start3A_281 = arith.constant 0 : i32
        %dma_start3A_282 = tpu.memref_slice %arg2[%dma_start3A_280, %dma_start3A_281] : memref<10000x64xf32, #tpu.memory_space<hbm>> -> memref<10000x64xf32, #tpu.memory_space<hbm>>
        tpu.enqueue_indirect_dma source(%dma_start3A_282 : memref<10000x64xf32, #tpu.memory_space<hbm>>) target(%arg9 : memref<128x64xf32, #tpu.memory_space<vmem>>) offsets(%dma_start3A_279 : memref<128xi32, #tpu.memory_space<vmem>>) semaphore(%arg14 : memref<!tpu.dma_semaphore, #tpu.memory_space<semaphore_mem>>)
      } else {
      }
      %dma_wait3A_206 = arith.constant 0 : i32
      %dma_wait3A_207 = tpu.memref_slice %arg6[%add3A_192, %dma_wait3A_206] : memref<155x128xi32, #tpu.memory_space<vmem>> -> memref<1x128xi32, #tpu.memory_space<vmem>>
      %dma_wait3A_208 = tpu.memref_squeeze %dma_wait3A_207 : memref<1x128xi32, #tpu.memory_space<vmem>> -> memref<128xi32, #tpu.memory_space<vmem>>
      %dma_wait3A_209 = arith.constant 0 : i32
      %dma_wait3A_210 = arith.constant 0 : i32
      %dma_wait3A_211 = tpu.memref_slice %arg2[%dma_wait3A_209, %dma_wait3A_210] : memref<10000x64xf32, #tpu.memory_space<hbm>> -> memref<10000x64xf32, #tpu.memory_space<hbm>>
      tpu.wait_indirect_dma semaphore(%arg16 : memref<!tpu.dma_semaphore, #tpu.memory_space<semaphore_mem>>) src(%dma_wait3A_211 : memref<10000x64xf32, #tpu.memory_space<hbm>>) dst(%arg11 : memref<128x64xf32, #tpu.memory_space<vmem>>)
      %dma_start3A_212 = arith.constant 0 : i32
      %dma_start3A_213 = tpu.memref_slice %arg7[%add3A_192, %dma_start3A_212] : memref<155x128xi32, #tpu.memory_space<vmem>> -> memref<1x128xi32, #tpu.memory_space<vmem>>
      %dma_start3A_214 = tpu.memref_squeeze %dma_start3A_213 : memref<1x128xi32, #tpu.memory_space<vmem>> -> memref<128xi32, #tpu.memory_space<vmem>>
      %dma_start3A_215 = arith.constant 0 : i32
      %dma_start3A_216 = arith.constant 0 : i32
      %dma_start3A_217 = tpu.memref_slice %arg8[%dma_start3A_215, %dma_start3A_216] : memref<10240x64xf32, #tpu.memory_space<vmem_shared>> -> memref<10240x64xf32, #tpu.memory_space<vmem_shared>>
      tpu.enqueue_indirect_dma source(%arg11 : memref<128x64xf32, #tpu.memory_space<vmem>>) target(%dma_start3A_217 : memref<10240x64xf32, #tpu.memory_space<vmem_shared>>) offsets(%dma_start3A_214 : memref<128xi32, #tpu.memory_space<vmem>>) semaphore(%arg21 : memref<!tpu.dma_semaphore, #tpu.memory_space<semaphore_mem>>) {add = true}
      %mul3A_218 = arith.constant 5 : i32
      %mul3A_219 = arith.muli %while3A_131, %mul3A_218 : i32
      %add3A_220 = arith.constant 3 : i32
      %add3A_221 = arith.addi %mul3A_219, %add3A_220 : i32
      %add3A_222 = arith.constant 3 : i32
      %add3A_223 = arith.addi %add3A_221, %add3A_222 : i32
      %lt3A_224 = arith.cmpi slt, %add3A_223, %select_n3A : i32
      %ge3A_225 = arith.constant 5 : i32
      %ge3A_226 = arith.cmpi sge, %add3A_223, %ge3A_225 : i32
      %and3A_227 = arith.andi %lt3A_224, %ge3A_226 : i1
      %convert_element_type3A_228 = arith.extui %and3A_227 : i1 to i32
      %cond3A_229 = arith.constant 0 : i32
      %cond3A_230 = arith.cmpi ne, %convert_element_type3A_228, %cond3A_229 : i32
      scf.if %cond3A_230 {
        %sub3A_277 = arith.constant 5 : i32
        %sub3A_278 = arith.subi %add3A_223, %sub3A_277 : i32
        %dma_wait3A_279 = arith.constant 0 : i32
        %dma_wait3A_280 = tpu.memref_slice %arg7[%sub3A_278, %dma_wait3A_279] : memref<155x128xi32, #tpu.memory_space<vmem>> -> memref<1x128xi32, #tpu.memory_space<vmem>>
        %dma_wait3A_281 = tpu.memref_squeeze %dma_wait3A_280 : memref<1x128xi32, #tpu.memory_space<vmem>> -> memref<128xi32, #tpu.memory_space<vmem>>
        %dma_wait3A_282 = arith.constant 0 : i32
        %dma_wait3A_283 = arith.constant 0 : i32
        %dma_wait3A_284 = tpu.memref_slice %arg8[%dma_wait3A_282, %dma_wait3A_283] : memref<10240x64xf32, #tpu.memory_space<vmem_shared>> -> memref<10240x64xf32, #tpu.memory_space<vmem_shared>>
        tpu.wait_indirect_dma semaphore(%arg20 : memref<!tpu.dma_semaphore, #tpu.memory_space<semaphore_mem>>) src(%arg10 : memref<128x64xf32, #tpu.memory_space<vmem>>) dst(%dma_wait3A_284 : memref<10240x64xf32, #tpu.memory_space<vmem_shared>>)
      } else {
      }
      %lt3A_231 = arith.cmpi slt, %add3A_223, %select_n3A : i32
      %convert_element_type3A_232 = arith.extui %lt3A_231 : i1 to i32
      %cond3A_233 = arith.constant 0 : i32
      %cond3A_234 = arith.cmpi ne, %convert_element_type3A_232, %cond3A_233 : i32
      scf.if %cond3A_234 {
        %dma_start3A_277 = arith.constant 0 : i32
        %dma_start3A_278 = tpu.memref_slice %arg6[%add3A_223, %dma_start3A_277] : memref<155x128xi32, #tpu.memory_space<vmem>> -> memref<1x128xi32, #tpu.memory_space<vmem>>
        %dma_start3A_279 = tpu.memref_squeeze %dma_start3A_278 : memref<1x128xi32, #tpu.memory_space<vmem>> -> memref<128xi32, #tpu.memory_space<vmem>>
        %dma_start3A_280 = arith.constant 0 : i32
        %dma_start3A_281 = arith.constant 0 : i32
        %dma_start3A_282 = tpu.memref_slice %arg2[%dma_start3A_280, %dma_start3A_281] : memref<10000x64xf32, #tpu.memory_space<hbm>> -> memref<10000x64xf32, #tpu.memory_space<hbm>>
        tpu.enqueue_indirect_dma source(%dma_start3A_282 : memref<10000x64xf32, #tpu.memory_space<hbm>>) target(%arg10 : memref<128x64xf32, #tpu.memory_space<vmem>>) offsets(%dma_start3A_279 : memref<128xi32, #tpu.memory_space<vmem>>) semaphore(%arg15 : memref<!tpu.dma_semaphore, #tpu.memory_space<semaphore_mem>>)
      } else {
      }
      %dma_wait3A_235 = arith.constant 0 : i32
      %dma_wait3A_236 = tpu.memref_slice %arg6[%add3A_221, %dma_wait3A_235] : memref<155x128xi32, #tpu.memory_space<vmem>> -> memref<1x128xi32, #tpu.memory_space<vmem>>
      %dma_wait3A_237 = tpu.memref_squeeze %dma_wait3A_236 : memref<1x128xi32, #tpu.memory_space<vmem>> -> memref<128xi32, #tpu.memory_space<vmem>>
      %dma_wait3A_238 = arith.constant 0 : i32
      %dma_wait3A_239 = arith.constant 0 : i32
      %dma_wait3A_240 = tpu.memref_slice %arg2[%dma_wait3A_238, %dma_wait3A_239] : memref<10000x64xf32, #tpu.memory_space<hbm>> -> memref<10000x64xf32, #tpu.memory_space<hbm>>
      tpu.wait_indirect_dma semaphore(%arg17 : memref<!tpu.dma_semaphore, #tpu.memory_space<semaphore_mem>>) src(%dma_wait3A_240 : memref<10000x64xf32, #tpu.memory_space<hbm>>) dst(%arg12 : memref<128x64xf32, #tpu.memory_space<vmem>>)
      %dma_start3A_241 = arith.constant 0 : i32
      %dma_start3A_242 = tpu.memref_slice %arg7[%add3A_221, %dma_start3A_241] : memref<155x128xi32, #tpu.memory_space<vmem>> -> memref<1x128xi32, #tpu.memory_space<vmem>>
      %dma_start3A_243 = tpu.memref_squeeze %dma_start3A_242 : memref<1x128xi32, #tpu.memory_space<vmem>> -> memref<128xi32, #tpu.memory_space<vmem>>
      %dma_start3A_244 = arith.constant 0 : i32
      %dma_start3A_245 = arith.constant 0 : i32
      %dma_start3A_246 = tpu.memref_slice %arg8[%dma_start3A_244, %dma_start3A_245] : memref<10240x64xf32, #tpu.memory_space<vmem_shared>> -> memref<10240x64xf32, #tpu.memory_space<vmem_shared>>
      tpu.enqueue_indirect_dma source(%arg12 : memref<128x64xf32, #tpu.memory_space<vmem>>) target(%dma_start3A_246 : memref<10240x64xf32, #tpu.memory_space<vmem_shared>>) offsets(%dma_start3A_243 : memref<128xi32, #tpu.memory_space<vmem>>) semaphore(%arg22 : memref<!tpu.dma_semaphore, #tpu.memory_space<semaphore_mem>>) {add = true}
      %mul3A_247 = arith.constant 5 : i32
      %mul3A_248 = arith.muli %while3A_131, %mul3A_247 : i32
      %add3A_249 = arith.constant 4 : i32
      %add3A_250 = arith.addi %mul3A_248, %add3A_249 : i32
      %add3A_251 = arith.constant 3 : i32
      %add3A_252 = arith.addi %add3A_250, %add3A_251 : i32
      %lt3A_253 = arith.cmpi slt, %add3A_252, %select_n3A : i32
      %ge3A_254 = arith.constant 5 : i32
      %ge3A_255 = arith.cmpi sge, %add3A_252, %ge3A_254 : i32
      %and3A_256 = arith.andi %lt3A_253, %ge3A_255 : i1
      %convert_element_type3A_257 = arith.extui %and3A_256 : i1 to i32
      %cond3A_258 = arith.constant 0 : i32
      %cond3A_259 = arith.cmpi ne, %convert_element_type3A_257, %cond3A_258 : i32
      scf.if %cond3A_259 {
        %sub3A_277 = arith.constant 5 : i32
        %sub3A_278 = arith.subi %add3A_252, %sub3A_277 : i32
        %dma_wait3A_279 = arith.constant 0 : i32
        %dma_wait3A_280 = tpu.memref_slice %arg7[%sub3A_278, %dma_wait3A_279] : memref<155x128xi32, #tpu.memory_space<vmem>> -> memref<1x128xi32, #tpu.memory_space<vmem>>
        %dma_wait3A_281 = tpu.memref_squeeze %dma_wait3A_280 : memref<1x128xi32, #tpu.memory_space<vmem>> -> memref<128xi32, #tpu.memory_space<vmem>>
        %dma_wait3A_282 = arith.constant 0 : i32
        %dma_wait3A_283 = arith.constant 0 : i32
        %dma_wait3A_284 = tpu.memref_slice %arg8[%dma_wait3A_282, %dma_wait3A_283] : memref<10240x64xf32, #tpu.memory_space<vmem_shared>> -> memref<10240x64xf32, #tpu.memory_space<vmem_shared>>
        tpu.wait_indirect_dma semaphore(%arg21 : memref<!tpu.dma_semaphore, #tpu.memory_space<semaphore_mem>>) src(%arg11 : memref<128x64xf32, #tpu.memory_space<vmem>>) dst(%dma_wait3A_284 : memref<10240x64xf32, #tpu.memory_space<vmem_shared>>)
      } else {
      }
      %lt3A_260 = arith.cmpi slt, %add3A_252, %select_n3A : i32
      %convert_element_type3A_261 = arith.extui %lt3A_260 : i1 to i32
      %cond3A_262 = arith.constant 0 : i32
      %cond3A_263 = arith.cmpi ne, %convert_element_type3A_261, %cond3A_262 : i32
      scf.if %cond3A_263 {
        %dma_start3A_277 = arith.constant 0 : i32
        %dma_start3A_278 = tpu.memref_slice %arg6[%add3A_252, %dma_start3A_277] : memref<155x128xi32, #tpu.memory_space<vmem>> -> memref<1x128xi32, #tpu.memory_space<vmem>>
        %dma_start3A_279 = tpu.memref_squeeze %dma_start3A_278 : memref<1x128xi32, #tpu.memory_space<vmem>> -> memref<128xi32, #tpu.memory_space<vmem>>
        %dma_start3A_280 = arith.constant 0 : i32
        %dma_start3A_281 = arith.constant 0 : i32
        %dma_start3A_282 = tpu.memref_slice %arg2[%dma_start3A_280, %dma_start3A_281] : memref<10000x64xf32, #tpu.memory_space<hbm>> -> memref<10000x64xf32, #tpu.memory_space<hbm>>
        tpu.enqueue_indirect_dma source(%dma_start3A_282 : memref<10000x64xf32, #tpu.memory_space<hbm>>) target(%arg11 : memref<128x64xf32, #tpu.memory_space<vmem>>) offsets(%dma_start3A_279 : memref<128xi32, #tpu.memory_space<vmem>>) semaphore(%arg16 : memref<!tpu.dma_semaphore, #tpu.memory_space<semaphore_mem>>)
      } else {
      }
      %dma_wait3A_264 = arith.constant 0 : i32
      %dma_wait3A_265 = tpu.memref_slice %arg6[%add3A_250, %dma_wait3A_264] : memref<155x128xi32, #tpu.memory_space<vmem>> -> memref<1x128xi32, #tpu.memory_space<vmem>>
      %dma_wait3A_266 = tpu.memref_squeeze %dma_wait3A_265 : memref<1x128xi32, #tpu.memory_space<vmem>> -> memref<128xi32, #tpu.memory_space<vmem>>
      %dma_wait3A_267 = arith.constant 0 : i32
      %dma_wait3A_268 = arith.constant 0 : i32
      %dma_wait3A_269 = tpu.memref_slice %arg2[%dma_wait3A_267, %dma_wait3A_268] : memref<10000x64xf32, #tpu.memory_space<hbm>> -> memref<10000x64xf32, #tpu.memory_space<hbm>>
      tpu.wait_indirect_dma semaphore(%arg18 : memref<!tpu.dma_semaphore, #tpu.memory_space<semaphore_mem>>) src(%dma_wait3A_269 : memref<10000x64xf32, #tpu.memory_space<hbm>>) dst(%arg13 : memref<128x64xf32, #tpu.memory_space<vmem>>)
      %dma_start3A_270 = arith.constant 0 : i32
      %dma_start3A_271 = tpu.memref_slice %arg7[%add3A_250, %dma_start3A_270] : memref<155x128xi32, #tpu.memory_space<vmem>> -> memref<1x128xi32, #tpu.memory_space<vmem>>
      %dma_start3A_272 = tpu.memref_squeeze %dma_start3A_271 : memref<1x128xi32, #tpu.memory_space<vmem>> -> memref<128xi32, #tpu.memory_space<vmem>>
      %dma_start3A_273 = arith.constant 0 : i32
      %dma_start3A_274 = arith.constant 0 : i32
      %dma_start3A_275 = tpu.memref_slice %arg8[%dma_start3A_273, %dma_start3A_274] : memref<10240x64xf32, #tpu.memory_space<vmem_shared>> -> memref<10240x64xf32, #tpu.memory_space<vmem_shared>>
      tpu.enqueue_indirect_dma source(%arg13 : memref<128x64xf32, #tpu.memory_space<vmem>>) target(%dma_start3A_275 : memref<10240x64xf32, #tpu.memory_space<vmem_shared>>) offsets(%dma_start3A_272 : memref<128xi32, #tpu.memory_space<vmem>>) semaphore(%arg23 : memref<!tpu.dma_semaphore, #tpu.memory_space<semaphore_mem>>) {add = true}
      %while3A_276 = arith.constant 0 : i32
      scf.yield %while3A_276 : i32
    }
    %while3A_72 = arith.constant 1 : i32
    %while3A_73 = scf.for %while3A_131 = %while3A_69 to %while3A_65 step %while3A_72 iter_args(%while3A_132 = %while3A_71) -> (i32)  : i32 {
      %mul3A_133 = arith.constant 5 : i32
      %mul3A_134 = arith.muli %while3A_131, %mul3A_133 : i32
      %add3A_135 = arith.constant 0 : i32
      %add3A_136 = arith.addi %mul3A_134, %add3A_135 : i32
      %add3A_137 = arith.constant 3 : i32
      %add3A_138 = arith.addi %add3A_136, %add3A_137 : i32
      %lt3A = arith.cmpi slt, %add3A_138, %select_n3A : i32
      %ge3A = arith.constant 5 : i32
      %ge3A_139 = arith.cmpi sge, %add3A_138, %ge3A : i32
      %and3A_140 = arith.andi %lt3A, %ge3A_139 : i1
      %convert_element_type3A_141 = arith.extui %and3A_140 : i1 to i32
      %cond3A_142 = arith.constant 0 : i32
      %cond3A_143 = arith.cmpi ne, %convert_element_type3A_141, %cond3A_142 : i32
      scf.if %cond3A_143 {
        %sub3A_277 = arith.constant 5 : i32
        %sub3A_278 = arith.subi %add3A_138, %sub3A_277 : i32
        %dma_wait3A_279 = arith.constant 0 : i32
        %dma_wait3A_280 = tpu.memref_slice %arg7[%sub3A_278, %dma_wait3A_279] : memref<155x128xi32, #tpu.memory_space<vmem>> -> memref<1x128xi32, #tpu.memory_space<vmem>>
        %dma_wait3A_281 = tpu.memref_squeeze %dma_wait3A_280 : memref<1x128xi32, #tpu.memory_space<vmem>> -> memref<128xi32, #tpu.memory_space<vmem>>
        %dma_wait3A_282 = arith.constant 0 : i32
        %dma_wait3A_283 = arith.constant 0 : i32
        %dma_wait3A_284 = tpu.memref_slice %arg8[%dma_wait3A_282, %dma_wait3A_283] : memref<10240x64xf32, #tpu.memory_space<vmem_shared>> -> memref<10240x64xf32, #tpu.memory_space<vmem_shared>>
        tpu.wait_indirect_dma semaphore(%arg22 : memref<!tpu.dma_semaphore, #tpu.memory_space<semaphore_mem>>) src(%arg12 : memref<128x64xf32, #tpu.memory_space<vmem>>) dst(%dma_wait3A_284 : memref<10240x64xf32, #tpu.memory_space<vmem_shared>>)
      } else {
      }
      %lt3A_144 = arith.cmpi slt, %add3A_138, %select_n3A : i32
      %convert_element_type3A_145 = arith.extui %lt3A_144 : i1 to i32
      %cond3A_146 = arith.constant 0 : i32
      %cond3A_147 = arith.cmpi ne, %convert_element_type3A_145, %cond3A_146 : i32
      scf.if %cond3A_147 {
        %dma_start3A_277 = arith.constant 0 : i32
        %dma_start3A_278 = tpu.memref_slice %arg6[%add3A_138, %dma_start3A_277] : memref<155x128xi32, #tpu.memory_space<vmem>> -> memref<1x128xi32, #tpu.memory_space<vmem>>
        %dma_start3A_279 = tpu.memref_squeeze %dma_start3A_278 : memref<1x128xi32, #tpu.memory_space<vmem>> -> memref<128xi32, #tpu.memory_space<vmem>>
        %dma_start3A_280 = arith.constant 0 : i32
        %dma_start3A_281 = arith.constant 0 : i32
        %dma_start3A_282 = tpu.memref_slice %arg2[%dma_start3A_280, %dma_start3A_281] : memref<10000x64xf32, #tpu.memory_space<hbm>> -> memref<10000x64xf32, #tpu.memory_space<hbm>>
        tpu.enqueue_indirect_dma source(%dma_start3A_282 : memref<10000x64xf32, #tpu.memory_space<hbm>>) target(%arg12 : memref<128x64xf32, #tpu.memory_space<vmem>>) offsets(%dma_start3A_279 : memref<128xi32, #tpu.memory_space<vmem>>) semaphore(%arg17 : memref<!tpu.dma_semaphore, #tpu.memory_space<semaphore_mem>>)
      } else {
      }
      %dma_wait3A_148 = arith.constant 0 : i32
      %dma_wait3A_149 = tpu.memref_slice %arg6[%add3A_136, %dma_wait3A_148] : memref<155x128xi32, #tpu.memory_space<vmem>> -> memref<1x128xi32, #tpu.memory_space<vmem>>
      %dma_wait3A_150 = tpu.memref_squeeze %dma_wait3A_149 : memref<1x128xi32, #tpu.memory_space<vmem>> -> memref<128xi32, #tpu.memory_space<vmem>>
      %dma_wait3A_151 = arith.constant 0 : i32
      %dma_wait3A_152 = arith.constant 0 : i32
      %dma_wait3A_153 = tpu.memref_slice %arg2[%dma_wait3A_151, %dma_wait3A_152] : memref<10000x64xf32, #tpu.memory_space<hbm>> -> memref<10000x64xf32, #tpu.memory_space<hbm>>
      tpu.wait_indirect_dma semaphore(%arg14 : memref<!tpu.dma_semaphore, #tpu.memory_space<semaphore_mem>>) src(%dma_wait3A_153 : memref<10000x64xf32, #tpu.memory_space<hbm>>) dst(%arg9 : memref<128x64xf32, #tpu.memory_space<vmem>>)
      %dma_start3A_154 = arith.constant 0 : i32
      %dma_start3A_155 = tpu.memref_slice %arg7[%add3A_136, %dma_start3A_154] : memref<155x128xi32, #tpu.memory_space<vmem>> -> memref<1x128xi32, #tpu.memory_space<vmem>>
      %dma_start3A_156 = tpu.memref_squeeze %dma_start3A_155 : memref<1x128xi32, #tpu.memory_space<vmem>> -> memref<128xi32, #tpu.memory_space<vmem>>
      %dma_start3A_157 = arith.constant 0 : i32
      %dma_start3A_158 = arith.constant 0 : i32
      %dma_start3A_159 = tpu.memref_slice %arg8[%dma_start3A_157, %dma_start3A_158] : memref<10240x64xf32, #tpu.memory_space<vmem_shared>> -> memref<10240x64xf32, #tpu.memory_space<vmem_shared>>
      tpu.enqueue_indirect_dma source(%arg9 : memref<128x64xf32, #tpu.memory_space<vmem>>) target(%dma_start3A_159 : memref<10240x64xf32, #tpu.memory_space<vmem_shared>>) offsets(%dma_start3A_156 : memref<128xi32, #tpu.memory_space<vmem>>) semaphore(%arg19 : memref<!tpu.dma_semaphore, #tpu.memory_space<semaphore_mem>>) {add = true}
      %mul3A_160 = arith.constant 5 : i32
      %mul3A_161 = arith.muli %while3A_131, %mul3A_160 : i32
      %add3A_162 = arith.constant 1 : i32
      %add3A_163 = arith.addi %mul3A_161, %add3A_162 : i32
      %add3A_164 = arith.constant 3 : i32
      %add3A_165 = arith.addi %add3A_163, %add3A_164 : i32
      %lt3A_166 = arith.cmpi slt, %add3A_165, %select_n3A : i32
      %ge3A_167 = arith.constant 5 : i32
      %ge3A_168 = arith.cmpi sge, %add3A_165, %ge3A_167 : i32
      %and3A_169 = arith.andi %lt3A_166, %ge3A_168 : i1
      %convert_element_type3A_170 = arith.extui %and3A_169 : i1 to i32
      %cond3A_171 = arith.constant 0 : i32
      %cond3A_172 = arith.cmpi ne, %convert_element_type3A_170, %cond3A_171 : i32
      scf.if %cond3A_172 {
        %sub3A_277 = arith.constant 5 : i32
        %sub3A_278 = arith.subi %add3A_165, %sub3A_277 : i32
        %dma_wait3A_279 = arith.constant 0 : i32
        %dma_wait3A_280 = tpu.memref_slice %arg7[%sub3A_278, %dma_wait3A_279] : memref<155x128xi32, #tpu.memory_space<vmem>> -> memref<1x128xi32, #tpu.memory_space<vmem>>
        %dma_wait3A_281 = tpu.memref_squeeze %dma_wait3A_280 : memref<1x128xi32, #tpu.memory_space<vmem>> -> memref<128xi32, #tpu.memory_space<vmem>>
        %dma_wait3A_282 = arith.constant 0 : i32
        %dma_wait3A_283 = arith.constant 0 : i32
        %dma_wait3A_284 = tpu.memref_slice %arg8[%dma_wait3A_282, %dma_wait3A_283] : memref<10240x64xf32, #tpu.memory_space<vmem_shared>> -> memref<10240x64xf32, #tpu.memory_space<vmem_shared>>
        tpu.wait_indirect_dma semaphore(%arg23 : memref<!tpu.dma_semaphore, #tpu.memory_space<semaphore_mem>>) src(%arg13 : memref<128x64xf32, #tpu.memory_space<vmem>>) dst(%dma_wait3A_284 : memref<10240x64xf32, #tpu.memory_space<vmem_shared>>)
      } else {
      }
      %lt3A_173 = arith.cmpi slt, %add3A_165, %select_n3A : i32
      %convert_element_type3A_174 = arith.extui %lt3A_173 : i1 to i32
      %cond3A_175 = arith.constant 0 : i32
      %cond3A_176 = arith.cmpi ne, %convert_element_type3A_174, %cond3A_175 : i32
      scf.if %cond3A_176 {
        %dma_start3A_277 = arith.constant 0 : i32
        %dma_start3A_278 = tpu.memref_slice %arg6[%add3A_165, %dma_start3A_277] : memref<155x128xi32, #tpu.memory_space<vmem>> -> memref<1x128xi32, #tpu.memory_space<vmem>>
        %dma_start3A_279 = tpu.memref_squeeze %dma_start3A_278 : memref<1x128xi32, #tpu.memory_space<vmem>> -> memref<128xi32, #tpu.memory_space<vmem>>
        %dma_start3A_280 = arith.constant 0 : i32
        %dma_start3A_281 = arith.constant 0 : i32
        %dma_start3A_282 = tpu.memref_slice %arg2[%dma_start3A_280, %dma_start3A_281] : memref<10000x64xf32, #tpu.memory_space<hbm>> -> memref<10000x64xf32, #tpu.memory_space<hbm>>
        tpu.enqueue_indirect_dma source(%dma_start3A_282 : memref<10000x64xf32, #tpu.memory_space<hbm>>) target(%arg13 : memref<128x64xf32, #tpu.memory_space<vmem>>) offsets(%dma_start3A_279 : memref<128xi32, #tpu.memory_space<vmem>>) semaphore(%arg18 : memref<!tpu.dma_semaphore, #tpu.memory_space<semaphore_mem>>)
      } else {
      }
      %dma_wait3A_177 = arith.constant 0 : i32
      %dma_wait3A_178 = tpu.memref_slice %arg6[%add3A_163, %dma_wait3A_177] : memref<155x128xi32, #tpu.memory_space<vmem>> -> memref<1x128xi32, #tpu.memory_space<vmem>>
      %dma_wait3A_179 = tpu.memref_squeeze %dma_wait3A_178 : memref<1x128xi32, #tpu.memory_space<vmem>> -> memref<128xi32, #tpu.memory_space<vmem>>
      %dma_wait3A_180 = arith.constant 0 : i32
      %dma_wait3A_181 = arith.constant 0 : i32
      %dma_wait3A_182 = tpu.memref_slice %arg2[%dma_wait3A_180, %dma_wait3A_181] : memref<10000x64xf32, #tpu.memory_space<hbm>> -> memref<10000x64xf32, #tpu.memory_space<hbm>>
      tpu.wait_indirect_dma semaphore(%arg15 : memref<!tpu.dma_semaphore, #tpu.memory_space<semaphore_mem>>) src(%dma_wait3A_182 : memref<10000x64xf32, #tpu.memory_space<hbm>>) dst(%arg10 : memref<128x64xf32, #tpu.memory_space<vmem>>)
      %dma_start3A_183 = arith.constant 0 : i32
      %dma_start3A_184 = tpu.memref_slice %arg7[%add3A_163, %dma_start3A_183] : memref<155x128xi32, #tpu.memory_space<vmem>> -> memref<1x128xi32, #tpu.memory_space<vmem>>
      %dma_start3A_185 = tpu.memref_squeeze %dma_start3A_184 : memref<1x128xi32, #tpu.memory_space<vmem>> -> memref<128xi32, #tpu.memory_space<vmem>>
      %dma_start3A_186 = arith.constant 0 : i32
      %dma_start3A_187 = arith.constant 0 : i32
      %dma_start3A_188 = tpu.memref_slice %arg8[%dma_start3A_186, %dma_start3A_187] : memref<10240x64xf32, #tpu.memory_space<vmem_shared>> -> memref<10240x64xf32, #tpu.memory_space<vmem_shared>>
      tpu.enqueue_indirect_dma source(%arg10 : memref<128x64xf32, #tpu.memory_space<vmem>>) target(%dma_start3A_188 : memref<10240x64xf32, #tpu.memory_space<vmem_shared>>) offsets(%dma_start3A_185 : memref<128xi32, #tpu.memory_space<vmem>>) semaphore(%arg20 : memref<!tpu.dma_semaphore, #tpu.memory_space<semaphore_mem>>) {add = true}
      %mul3A_189 = arith.constant 5 : i32
      %mul3A_190 = arith.muli %while3A_131, %mul3A_189 : i32
      %add3A_191 = arith.constant 2 : i32
      %add3A_192 = arith.addi %mul3A_190, %add3A_191 : i32
      %add3A_193 = arith.constant 3 : i32
      %add3A_194 = arith.addi %add3A_192, %add3A_193 : i32
      %lt3A_195 = arith.cmpi slt, %add3A_194, %select_n3A : i32
      %ge3A_196 = arith.constant 5 : i32
      %ge3A_197 = arith.cmpi sge, %add3A_194, %ge3A_196 : i32
      %and3A_198 = arith.andi %lt3A_195, %ge3A_197 : i1
      %convert_element_type3A_199 = arith.extui %and3A_198 : i1 to i32
      %cond3A_200 = arith.constant 0 : i32
      %cond3A_201 = arith.cmpi ne, %convert_element_type3A_199, %cond3A_200 : i32
      scf.if %cond3A_201 {
        %sub3A_277 = arith.constant 5 : i32
        %sub3A_278 = arith.subi %add3A_194, %sub3A_277 : i32
        %dma_wait3A_279 = arith.constant 0 : i32
        %dma_wait3A_280 = tpu.memref_slice %arg7[%sub3A_278, %dma_wait3A_279] : memref<155x128xi32, #tpu.memory_space<vmem>> -> memref<1x128xi32, #tpu.memory_space<vmem>>
        %dma_wait3A_281 = tpu.memref_squeeze %dma_wait3A_280 : memref<1x128xi32, #tpu.memory_space<vmem>> -> memref<128xi32, #tpu.memory_space<vmem>>
        %dma_wait3A_282 = arith.constant 0 : i32
        %dma_wait3A_283 = arith.constant 0 : i32
        %dma_wait3A_284 = tpu.memref_slice %arg8[%dma_wait3A_282, %dma_wait3A_283] : memref<10240x64xf32, #tpu.memory_space<vmem_shared>> -> memref<10240x64xf32, #tpu.memory_space<vmem_shared>>
        tpu.wait_indirect_dma semaphore(%arg19 : memref<!tpu.dma_semaphore, #tpu.memory_space<semaphore_mem>>) src(%arg9 : memref<128x64xf32, #tpu.memory_space<vmem>>) dst(%dma_wait3A_284 : memref<10240x64xf32, #tpu.memory_space<vmem_shared>>)
      } else {
      }
      %lt3A_202 = arith.cmpi slt, %add3A_194, %select_n3A : i32
      %convert_element_type3A_203 = arith.extui %lt3A_202 : i1 to i32
      %cond3A_204 = arith.constant 0 : i32
      %cond3A_205 = arith.cmpi ne, %convert_element_type3A_203, %cond3A_204 : i32
      scf.if %cond3A_205 {
        %dma_start3A_277 = arith.constant 0 : i32
        %dma_start3A_278 = tpu.memref_slice %arg6[%add3A_194, %dma_start3A_277] : memref<155x128xi32, #tpu.memory_space<vmem>> -> memref<1x128xi32, #tpu.memory_space<vmem>>
        %dma_start3A_279 = tpu.memref_squeeze %dma_start3A_278 : memref<1x128xi32, #tpu.memory_space<vmem>> -> memref<128xi32, #tpu.memory_space<vmem>>
        %dma_start3A_280 = arith.constant 0 : i32
        %dma_start3A_281 = arith.constant 0 : i32
        %dma_start3A_282 = tpu.memref_slice %arg2[%dma_start3A_280, %dma_start3A_281] : memref<10000x64xf32, #tpu.memory_space<hbm>> -> memref<10000x64xf32, #tpu.memory_space<hbm>>
        tpu.enqueue_indirect_dma source(%dma_start3A_282 : memref<10000x64xf32, #tpu.memory_space<hbm>>) target(%arg9 : memref<128x64xf32, #tpu.memory_space<vmem>>) offsets(%dma_start3A_279 : memref<128xi32, #tpu.memory_space<vmem>>) semaphore(%arg14 : memref<!tpu.dma_semaphore, #tpu.memory_space<semaphore_mem>>)
      } else {
      }
      %dma_wait3A_206 = arith.constant 0 : i32
      %dma_wait3A_207 = tpu.memref_slice %arg6[%add3A_192, %dma_wait3A_206] : memref<155x128xi32, #tpu.memory_space<vmem>> -> memref<1x128xi32, #tpu.memory_space<vmem>>
      %dma_wait3A_208 = tpu.memref_squeeze %dma_wait3A_207 : memref<1x128xi32, #tpu.memory_space<vmem>> -> memref<128xi32, #tpu.memory_space<vmem>>
      %dma_wait3A_209 = arith.constant 0 : i32
      %dma_wait3A_210 = arith.constant 0 : i32
      %dma_wait3A_211 = tpu.memref_slice %arg2[%dma_wait3A_209, %dma_wait3A_210] : memref<10000x64xf32, #tpu.memory_space<hbm>> -> memref<10000x64xf32, #tpu.memory_space<hbm>>
      tpu.wait_indirect_dma semaphore(%arg16 : memref<!tpu.dma_semaphore, #tpu.memory_space<semaphore_mem>>) src(%dma_wait3A_211 : memref<10000x64xf32, #tpu.memory_space<hbm>>) dst(%arg11 : memref<128x64xf32, #tpu.memory_space<vmem>>)
      %dma_start3A_212 = arith.constant 0 : i32
      %dma_start3A_213 = tpu.memref_slice %arg7[%add3A_192, %dma_start3A_212] : memref<155x128xi32, #tpu.memory_space<vmem>> -> memref<1x128xi32, #tpu.memory_space<vmem>>
      %dma_start3A_214 = tpu.memref_squeeze %dma_start3A_213 : memref<1x128xi32, #tpu.memory_space<vmem>> -> memref<128xi32, #tpu.memory_space<vmem>>
      %dma_start3A_215 = arith.constant 0 : i32
      %dma_start3A_216 = arith.constant 0 : i32
      %dma_start3A_217 = tpu.memref_slice %arg8[%dma_start3A_215, %dma_start3A_216] : memref<10240x64xf32, #tpu.memory_space<vmem_shared>> -> memref<10240x64xf32, #tpu.memory_space<vmem_shared>>
      tpu.enqueue_indirect_dma source(%arg11 : memref<128x64xf32, #tpu.memory_space<vmem>>) target(%dma_start3A_217 : memref<10240x64xf32, #tpu.memory_space<vmem_shared>>) offsets(%dma_start3A_214 : memref<128xi32, #tpu.memory_space<vmem>>) semaphore(%arg21 : memref<!tpu.dma_semaphore, #tpu.memory_space<semaphore_mem>>) {add = true}
      %mul3A_218 = arith.constant 5 : i32
      %mul3A_219 = arith.muli %while3A_131, %mul3A_218 : i32
      %add3A_220 = arith.constant 3 : i32
      %add3A_221 = arith.addi %mul3A_219, %add3A_220 : i32
      %add3A_222 = arith.constant 3 : i32
      %add3A_223 = arith.addi %add3A_221, %add3A_222 : i32
      %lt3A_224 = arith.cmpi slt, %add3A_223, %select_n3A : i32
      %ge3A_225 = arith.constant 5 : i32
      %ge3A_226 = arith.cmpi sge, %add3A_223, %ge3A_225 : i32
      %and3A_227 = arith.andi %lt3A_224, %ge3A_226 : i1
      %convert_element_type3A_228 = arith.extui %and3A_227 : i1 to i32
      %cond3A_229 = arith.constant 0 : i32
      %cond3A_230 = arith.cmpi ne, %convert_element_type3A_228, %cond3A_229 : i32
      scf.if %cond3A_230 {
        %sub3A_277 = arith.constant 5 : i32
        %sub3A_278 = arith.subi %add3A_223, %sub3A_277 : i32
        %dma_wait3A_279 = arith.constant 0 : i32
        %dma_wait3A_280 = tpu.memref_slice %arg7[%sub3A_278, %dma_wait3A_279] : memref<155x128xi32, #tpu.memory_space<vmem>> -> memref<1x128xi32, #tpu.memory_space<vmem>>
        %dma_wait3A_281 = tpu.memref_squeeze %dma_wait3A_280 : memref<1x128xi32, #tpu.memory_space<vmem>> -> memref<128xi32, #tpu.memory_space<vmem>>
        %dma_wait3A_282 = arith.constant 0 : i32
        %dma_wait3A_283 = arith.constant 0 : i32
        %dma_wait3A_284 = tpu.memref_slice %arg8[%dma_wait3A_282, %dma_wait3A_283] : memref<10240x64xf32, #tpu.memory_space<vmem_shared>> -> memref<10240x64xf32, #tpu.memory_space<vmem_shared>>
        tpu.wait_indirect_dma semaphore(%arg20 : memref<!tpu.dma_semaphore, #tpu.memory_space<semaphore_mem>>) src(%arg10 : memref<128x64xf32, #tpu.memory_space<vmem>>) dst(%dma_wait3A_284 : memref<10240x64xf32, #tpu.memory_space<vmem_shared>>)
      } else {
      }
      %lt3A_231 = arith.cmpi slt, %add3A_223, %select_n3A : i32
      %convert_element_type3A_232 = arith.extui %lt3A_231 : i1 to i32
      %cond3A_233 = arith.constant 0 : i32
      %cond3A_234 = arith.cmpi ne, %convert_element_type3A_232, %cond3A_233 : i32
      scf.if %cond3A_234 {
        %dma_start3A_277 = arith.constant 0 : i32
        %dma_start3A_278 = tpu.memref_slice %arg6[%add3A_223, %dma_start3A_277] : memref<155x128xi32, #tpu.memory_space<vmem>> -> memref<1x128xi32, #tpu.memory_space<vmem>>
        %dma_start3A_279 = tpu.memref_squeeze %dma_start3A_278 : memref<1x128xi32, #tpu.memory_space<vmem>> -> memref<128xi32, #tpu.memory_space<vmem>>
        %dma_start3A_280 = arith.constant 0 : i32
        %dma_start3A_281 = arith.constant 0 : i32
        %dma_start3A_282 = tpu.memref_slice %arg2[%dma_start3A_280, %dma_start3A_281] : memref<10000x64xf32, #tpu.memory_space<hbm>> -> memref<10000x64xf32, #tpu.memory_space<hbm>>
        tpu.enqueue_indirect_dma source(%dma_start3A_282 : memref<10000x64xf32, #tpu.memory_space<hbm>>) target(%arg10 : memref<128x64xf32, #tpu.memory_space<vmem>>) offsets(%dma_start3A_279 : memref<128xi32, #tpu.memory_space<vmem>>) semaphore(%arg15 : memref<!tpu.dma_semaphore, #tpu.memory_space<semaphore_mem>>)
      } else {
      }
      %dma_wait3A_235 = arith.constant 0 : i32
      %dma_wait3A_236 = tpu.memref_slice %arg6[%add3A_221, %dma_wait3A_235] : memref<155x128xi32, #tpu.memory_space<vmem>> -> memref<1x128xi32, #tpu.memory_space<vmem>>
      %dma_wait3A_237 = tpu.memref_squeeze %dma_wait3A_236 : memref<1x128xi32, #tpu.memory_space<vmem>> -> memref<128xi32, #tpu.memory_space<vmem>>
      %dma_wait3A_238 = arith.constant 0 : i32
      %dma_wait3A_239 = arith.constant 0 : i32
      %dma_wait3A_240 = tpu.memref_slice %arg2[%dma_wait3A_238, %dma_wait3A_239] : memref<10000x64xf32, #tpu.memory_space<hbm>> -> memref<10000x64xf32, #tpu.memory_space<hbm>>
      tpu.wait_indirect_dma semaphore(%arg17 : memref<!tpu.dma_semaphore, #tpu.memory_space<semaphore_mem>>) src(%dma_wait3A_240 : memref<10000x64xf32, #tpu.memory_space<hbm>>) dst(%arg12 : memref<128x64xf32, #tpu.memory_space<vmem>>)
      %dma_start3A_241 = arith.constant 0 : i32
      %dma_start3A_242 = tpu.memref_slice %arg7[%add3A_221, %dma_start3A_241] : memref<155x128xi32, #tpu.memory_space<vmem>> -> memref<1x128xi32, #tpu.memory_space<vmem>>
      %dma_start3A_243 = tpu.memref_squeeze %dma_start3A_242 : memref<1x128xi32, #tpu.memory_space<vmem>> -> memref<128xi32, #tpu.memory_space<vmem>>
      %dma_start3A_244 = arith.constant 0 : i32
      %dma_start3A_245 = arith.constant 0 : i32
      %dma_start3A_246 = tpu.memref_slice %arg8[%dma_start3A_244, %dma_start3A_245] : memref<10240x64xf32, #tpu.memory_space<vmem_shared>> -> memref<10240x64xf32, #tpu.memory_space<vmem_shared>>
      tpu.enqueue_indirect_dma source(%arg12 : memref<128x64xf32, #tpu.memory_space<vmem>>) target(%dma_start3A_246 : memref<10240x64xf32, #tpu.memory_space<vmem_shared>>) offsets(%dma_start3A_243 : memref<128xi32, #tpu.memory_space<vmem>>) semaphore(%arg22 : memref<!tpu.dma_semaphore, #tpu.memory_space<semaphore_mem>>) {add = true}
      %mul3A_247 = arith.constant 5 : i32
      %mul3A_248 = arith.muli %while3A_131, %mul3A_247 : i32
      %add3A_249 = arith.constant 4 : i32
      %add3A_250 = arith.addi %mul3A_248, %add3A_249 : i32
      %add3A_251 = arith.constant 3 : i32
      %add3A_252 = arith.addi %add3A_250, %add3A_251 : i32
      %lt3A_253 = arith.cmpi slt, %add3A_252, %select_n3A : i32
      %ge3A_254 = arith.constant 5 : i32
      %ge3A_255 = arith.cmpi sge, %add3A_252, %ge3A_254 : i32
      %and3A_256 = arith.andi %lt3A_253, %ge3A_255 : i1
      %convert_element_type3A_257 = arith.extui %and3A_256 : i1 to i32
      %cond3A_258 = arith.constant 0 : i32
      %cond3A_259 = arith.cmpi ne, %convert_element_type3A_257, %cond3A_258 : i32
      scf.if %cond3A_259 {
        %sub3A_277 = arith.constant 5 : i32
        %sub3A_278 = arith.subi %add3A_252, %sub3A_277 : i32
        %dma_wait3A_279 = arith.constant 0 : i32
        %dma_wait3A_280 = tpu.memref_slice %arg7[%sub3A_278, %dma_wait3A_279] : memref<155x128xi32, #tpu.memory_space<vmem>> -> memref<1x128xi32, #tpu.memory_space<vmem>>
        %dma_wait3A_281 = tpu.memref_squeeze %dma_wait3A_280 : memref<1x128xi32, #tpu.memory_space<vmem>> -> memref<128xi32, #tpu.memory_space<vmem>>
        %dma_wait3A_282 = arith.constant 0 : i32
        %dma_wait3A_283 = arith.constant 0 : i32
        %dma_wait3A_284 = tpu.memref_slice %arg8[%dma_wait3A_282, %dma_wait3A_283] : memref<10240x64xf32, #tpu.memory_space<vmem_shared>> -> memref<10240x64xf32, #tpu.memory_space<vmem_shared>>
        tpu.wait_indirect_dma semaphore(%arg21 : memref<!tpu.dma_semaphore, #tpu.memory_space<semaphore_mem>>) src(%arg11 : memref<128x64xf32, #tpu.memory_space<vmem>>) dst(%dma_wait3A_284 : memref<10240x64xf32, #tpu.memory_space<vmem_shared>>)
      } else {
      }
      %lt3A_260 = arith.cmpi slt, %add3A_252, %select_n3A : i32
      %convert_element_type3A_261 = arith.extui %lt3A_260 : i1 to i32
      %cond3A_262 = arith.constant 0 : i32
      %cond3A_263 = arith.cmpi ne, %convert_element_type3A_261, %cond3A_262 : i32
      scf.if %cond3A_263 {
        %dma_start3A_277 = arith.constant 0 : i32
        %dma_start3A_278 = tpu.memref_slice %arg6[%add3A_252, %dma_start3A_277] : memref<155x128xi32, #tpu.memory_space<vmem>> -> memref<1x128xi32, #tpu.memory_space<vmem>>
        %dma_start3A_279 = tpu.memref_squeeze %dma_start3A_278 : memref<1x128xi32, #tpu.memory_space<vmem>> -> memref<128xi32, #tpu.memory_space<vmem>>
        %dma_start3A_280 = arith.constant 0 : i32
        %dma_start3A_281 = arith.constant 0 : i32
        %dma_start3A_282 = tpu.memref_slice %arg2[%dma_start3A_280, %dma_start3A_281] : memref<10000x64xf32, #tpu.memory_space<hbm>> -> memref<10000x64xf32, #tpu.memory_space<hbm>>
        tpu.enqueue_indirect_dma source(%dma_start3A_282 : memref<10000x64xf32, #tpu.memory_space<hbm>>) target(%arg11 : memref<128x64xf32, #tpu.memory_space<vmem>>) offsets(%dma_start3A_279 : memref<128xi32, #tpu.memory_space<vmem>>) semaphore(%arg16 : memref<!tpu.dma_semaphore, #tpu.memory_space<semaphore_mem>>)
      } else {
      }
      %dma_wait3A_264 = arith.constant 0 : i32
      %dma_wait3A_265 = tpu.memref_slice %arg6[%add3A_250, %dma_wait3A_264] : memref<155x128xi32, #tpu.memory_space<vmem>> -> memref<1x128xi32, #tpu.memory_space<vmem>>
      %dma_wait3A_266 = tpu.memref_squeeze %dma_wait3A_265 : memref<1x128xi32, #tpu.memory_space<vmem>> -> memref<128xi32, #tpu.memory_space<vmem>>
      %dma_wait3A_267 = arith.constant 0 : i32
      %dma_wait3A_268 = arith.constant 0 : i32
      %dma_wait3A_269 = tpu.memref_slice %arg2[%dma_wait3A_267, %dma_wait3A_268] : memref<10000x64xf32, #tpu.memory_space<hbm>> -> memref<10000x64xf32, #tpu.memory_space<hbm>>
      tpu.wait_indirect_dma semaphore(%arg18 : memref<!tpu.dma_semaphore, #tpu.memory_space<semaphore_mem>>) src(%dma_wait3A_269 : memref<10000x64xf32, #tpu.memory_space<hbm>>) dst(%arg13 : memref<128x64xf32, #tpu.memory_space<vmem>>)
      %dma_start3A_270 = arith.constant 0 : i32
      %dma_start3A_271 = tpu.memref_slice %arg7[%add3A_250, %dma_start3A_270] : memref<155x128xi32, #tpu.memory_space<vmem>> -> memref<1x128xi32, #tpu.memory_space<vmem>>
      %dma_start3A_272 = tpu.memref_squeeze %dma_start3A_271 : memref<1x128xi32, #tpu.memory_space<vmem>> -> memref<128xi32, #tpu.memory_space<vmem>>
      %dma_start3A_273 = arith.constant 0 : i32
      %dma_start3A_274 = arith.constant 0 : i32
      %dma_start3A_275 = tpu.memref_slice %arg8[%dma_start3A_273, %dma_start3A_274] : memref<10240x64xf32, #tpu.memory_space<vmem_shared>> -> memref<10240x64xf32, #tpu.memory_space<vmem_shared>>
      tpu.enqueue_indirect_dma source(%arg13 : memref<128x64xf32, #tpu.memory_space<vmem>>) target(%dma_start3A_275 : memref<10240x64xf32, #tpu.memory_space<vmem_shared>>) offsets(%dma_start3A_272 : memref<128xi32, #tpu.memory_space<vmem>>) semaphore(%arg23 : memref<!tpu.dma_semaphore, #tpu.memory_space<semaphore_mem>>) {add = true}
      %while3A_276 = arith.constant 0 : i32
      scf.yield %while3A_276 : i32
    }
    %sub3A_74 = arith.constant 5 : i32
    %sub3A_75 = arith.subi %select_n3A, %sub3A_74 : i32
    %add3A_76 = arith.constant 0 : i32
    %add3A_77 = arith.addi %sub3A_75, %add3A_76 : i32
    %dma_wait3A = arith.constant 0 : i32
    %dma_wait3A_78 = tpu.memref_slice %arg7[%add3A_77, %dma_wait3A] : memref<155x128xi32, #tpu.memory_space<vmem>> -> memref<1x128xi32, #tpu.memory_space<vmem>>
    %dma_wait3A_79 = tpu.memref_squeeze %dma_wait3A_78 : memref<1x128xi32, #tpu.memory_space<vmem>> -> memref<128xi32, #tpu.memory_space<vmem>>
    %dma_wait3A_80 = arith.constant 0 : i32
    %dma_wait3A_81 = arith.constant 0 : i32
    %dma_wait3A_82 = tpu.memref_slice %arg8[%dma_wait3A_80, %dma_wait3A_81] : memref<10240x64xf32, #tpu.memory_space<vmem_shared>> -> memref<10240x64xf32, #tpu.memory_space<vmem_shared>>
    tpu.wait_indirect_dma semaphore(%arg19 : memref<!tpu.dma_semaphore, #tpu.memory_space<semaphore_mem>>) src(%arg9 : memref<128x64xf32, #tpu.memory_space<vmem>>) dst(%dma_wait3A_82 : memref<10240x64xf32, #tpu.memory_space<vmem_shared>>)
    %sub3A_83 = arith.constant 5 : i32
    %sub3A_84 = arith.subi %select_n3A, %sub3A_83 : i32
    %add3A_85 = arith.constant 1 : i32
    %add3A_86 = arith.addi %sub3A_84, %add3A_85 : i32
    %dma_wait3A_87 = arith.constant 0 : i32
    %dma_wait3A_88 = tpu.memref_slice %arg7[%add3A_86, %dma_wait3A_87] : memref<155x128xi32, #tpu.memory_space<vmem>> -> memref<1x128xi32, #tpu.memory_space<vmem>>
    %dma_wait3A_89 = tpu.memref_squeeze %dma_wait3A_88 : memref<1x128xi32, #tpu.memory_space<vmem>> -> memref<128xi32, #tpu.memory_space<vmem>>
    %dma_wait3A_90 = arith.constant 0 : i32
    %dma_wait3A_91 = arith.constant 0 : i32
    %dma_wait3A_92 = tpu.memref_slice %arg8[%dma_wait3A_90, %dma_wait3A_91] : memref<10240x64xf32, #tpu.memory_space<vmem_shared>> -> memref<10240x64xf32, #tpu.memory_space<vmem_shared>>
    tpu.wait_indirect_dma semaphore(%arg20 : memref<!tpu.dma_semaphore, #tpu.memory_space<semaphore_mem>>) src(%arg10 : memref<128x64xf32, #tpu.memory_space<vmem>>) dst(%dma_wait3A_92 : memref<10240x64xf32, #tpu.memory_space<vmem_shared>>)
    %sub3A_93 = arith.constant 5 : i32
    %sub3A_94 = arith.subi %select_n3A, %sub3A_93 : i32
    %add3A_95 = arith.constant 2 : i32
    %add3A_96 = arith.addi %sub3A_94, %add3A_95 : i32
    %dma_wait3A_97 = arith.constant 0 : i32
    %dma_wait3A_98 = tpu.memref_slice %arg7[%add3A_96, %dma_wait3A_97] : memref<155x128xi32, #tpu.memory_space<vmem>> -> memref<1x128xi32, #tpu.memory_space<vmem>>
    %dma_wait3A_99 = tpu.memref_squeeze %dma_wait3A_98 : memref<1x128xi32, #tpu.memory_space<vmem>> -> memref<128xi32, #tpu.memory_space<vmem>>
    %dma_wait3A_100 = arith.constant 0 : i32
    %dma_wait3A_101 = arith.constant 0 : i32
    %dma_wait3A_102 = tpu.memref_slice %arg8[%dma_wait3A_100, %dma_wait3A_101] : memref<10240x64xf32, #tpu.memory_space<vmem_shared>> -> memref<10240x64xf32, #tpu.memory_space<vmem_shared>>
    tpu.wait_indirect_dma semaphore(%arg21 : memref<!tpu.dma_semaphore, #tpu.memory_space<semaphore_mem>>) src(%arg11 : memref<128x64xf32, #tpu.memory_space<vmem>>) dst(%dma_wait3A_102 : memref<10240x64xf32, #tpu.memory_space<vmem_shared>>)
    %sub3A_103 = arith.constant 5 : i32
    %sub3A_104 = arith.subi %select_n3A, %sub3A_103 : i32
    %add3A_105 = arith.constant 3 : i32
    %add3A_106 = arith.addi %sub3A_104, %add3A_105 : i32
    %dma_wait3A_107 = arith.constant 0 : i32
    %dma_wait3A_108 = tpu.memref_slice %arg7[%add3A_106, %dma_wait3A_107] : memref<155x128xi32, #tpu.memory_space<vmem>> -> memref<1x128xi32, #tpu.memory_space<vmem>>
    %dma_wait3A_109 = tpu.memref_squeeze %dma_wait3A_108 : memref<1x128xi32, #tpu.memory_space<vmem>> -> memref<128xi32, #tpu.memory_space<vmem>>
    %dma_wait3A_110 = arith.constant 0 : i32
    %dma_wait3A_111 = arith.constant 0 : i32
    %dma_wait3A_112 = tpu.memref_slice %arg8[%dma_wait3A_110, %dma_wait3A_111] : memref<10240x64xf32, #tpu.memory_space<vmem_shared>> -> memref<10240x64xf32, #tpu.memory_space<vmem_shared>>
    tpu.wait_indirect_dma semaphore(%arg22 : memref<!tpu.dma_semaphore, #tpu.memory_space<semaphore_mem>>) src(%arg12 : memref<128x64xf32, #tpu.memory_space<vmem>>) dst(%dma_wait3A_112 : memref<10240x64xf32, #tpu.memory_space<vmem_shared>>)
    %sub3A_113 = arith.constant 5 : i32
    %sub3A_114 = arith.subi %select_n3A, %sub3A_113 : i32
    %add3A_115 = arith.constant 4 : i32
    %add3A_116 = arith.addi %sub3A_114, %add3A_115 : i32
    %dma_wait3A_117 = arith.constant 0 : i32
    %dma_wait3A_118 = tpu.memref_slice %arg7[%add3A_116, %dma_wait3A_117] : memref<155x128xi32, #tpu.memory_space<vmem>> -> memref<1x128xi32, #tpu.memory_space<vmem>>
    %dma_wait3A_119 = tpu.memref_squeeze %dma_wait3A_118 : memref<1x128xi32, #tpu.memory_space<vmem>> -> memref<128xi32, #tpu.memory_space<vmem>>
    %dma_wait3A_120 = arith.constant 0 : i32
    %dma_wait3A_121 = arith.constant 0 : i32
    %dma_wait3A_122 = tpu.memref_slice %arg8[%dma_wait3A_120, %dma_wait3A_121] : memref<10240x64xf32, #tpu.memory_space<vmem_shared>> -> memref<10240x64xf32, #tpu.memory_space<vmem_shared>>
    tpu.wait_indirect_dma semaphore(%arg23 : memref<!tpu.dma_semaphore, #tpu.memory_space<semaphore_mem>>) src(%arg13 : memref<128x64xf32, #tpu.memory_space<vmem>>) dst(%dma_wait3A_122 : memref<10240x64xf32, #tpu.memory_space<vmem_shared>>)
    %barrier3A_123 = arith.constant 0 : index
    tpu.barrier barrier_id(%barrier3A_123)
    %scan3A_124 = arith.constant 0 : i32
    %scan3A_125 = arith.constant 0 : i32
    %scan3A_126 = arith.constant 5 : i32
    %scan3A_127 = arith.addi %scan3A_125, %scan3A_126 : i32
    %scan3A_128 = arith.constant 1 : i32
    %scan3A_129 = scf.for %scan3A_131 = %scan3A_125 to %scan3A_127 step %scan3A_128 iter_args(%scan3A_132 = %scan3A_124) -> (i32)  : i32 {
      %mul3A_133 = arith.constant 640 : i32
      %mul3A_134 = arith.muli %arg1, %mul3A_133 : i32
      %mul3A_135 = arith.constant 128 : i32
      %mul3A_136 = arith.muli %scan3A_131, %mul3A_135 : i32
      %add3A_137 = arith.addi %mul3A_134, %mul3A_136 : i32
      "tpu.region"() ({
        %run_scoped3A = tpu.sem_alloc : memref<!tpu.dma_semaphore, #tpu.memory_space<semaphore_mem>>
        %dma_start3A_139 = arith.constant 0 : i32
        %dma_start3A_140 = tpu.memref_slice %arg8[%add3A_137, %dma_start3A_139] : memref<10240x64xf32, #tpu.memory_space<vmem_shared>> -> memref<128x64xf32, #tpu.memory_space<vmem_shared>>
        %dma_start3A_141 = arith.constant 0 : i32
        %dma_start3A_142 = tpu.memref_slice %arg8[%add3A_137, %dma_start3A_141] : memref<10240x64xf32, #tpu.memory_space<vmem_shared>> -> memref<128x64xf32, #tpu.memory_space<vmem_shared>>
        tpu.enqueue_dma source(%dma_start3A_142 : memref<128x64xf32, #tpu.memory_space<vmem_shared>>) target(%arg9 : memref<128x64xf32, #tpu.memory_space<vmem>>) target_semaphore(%run_scoped3A : memref<!tpu.dma_semaphore, #tpu.memory_space<semaphore_mem>>)
        %dma_wait3A_143 = arith.constant 0 : i32
        %dma_wait3A_144 = tpu.memref_slice %arg8[%add3A_137, %dma_wait3A_143] : memref<10240x64xf32, #tpu.memory_space<vmem_shared>> -> memref<128x64xf32, #tpu.memory_space<vmem_shared>>
        %dma_wait3A_145 = arith.constant 0 : i32
        %dma_wait3A_146 = tpu.memref_slice %arg8[%add3A_137, %dma_wait3A_145] : memref<10240x64xf32, #tpu.memory_space<vmem_shared>> -> memref<128x64xf32, #tpu.memory_space<vmem_shared>>
        tpu.wait_dma2 semaphore(%run_scoped3A : memref<!tpu.dma_semaphore, #tpu.memory_space<semaphore_mem>>) src(%dma_wait3A_146 : memref<128x64xf32, #tpu.memory_space<vmem_shared>>) dst(%arg9 : memref<128x64xf32, #tpu.memory_space<vmem>>)
        tpu.yield
      }) : () -> ()
      "tpu.region"() ({
        %run_scoped3A = tpu.sem_alloc : memref<!tpu.dma_semaphore, #tpu.memory_space<semaphore_mem>>
        %dma_start3A_139 = arith.constant 0 : i32
        %dma_start3A_140 = tpu.memref_slice %arg5[%arg0, %add3A_137, %dma_start3A_139] : memref<2x10240x64xf32, #tpu.memory_space<hbm>> -> memref<1x128x64xf32, #tpu.memory_space<hbm>>
        %dma_start3A_141 = tpu.memref_squeeze %dma_start3A_140 : memref<1x128x64xf32, #tpu.memory_space<hbm>> -> memref<128x64xf32, #tpu.memory_space<hbm>>
        %dma_start3A_142 = arith.constant 0 : i32
        %dma_start3A_143 = tpu.memref_slice %arg5[%arg0, %add3A_137, %dma_start3A_142] : memref<2x10240x64xf32, #tpu.memory_space<hbm>> -> memref<1x128x64xf32, #tpu.memory_space<hbm>>
        %dma_start3A_144 = tpu.memref_squeeze %dma_start3A_143 : memref<1x128x64xf32, #tpu.memory_space<hbm>> -> memref<128x64xf32, #tpu.memory_space<hbm>>
        tpu.enqueue_dma source(%arg9 : memref<128x64xf32, #tpu.memory_space<vmem>>) target(%dma_start3A_144 : memref<128x64xf32, #tpu.memory_space<hbm>>) target_semaphore(%run_scoped3A : memref<!tpu.dma_semaphore, #tpu.memory_space<semaphore_mem>>)
        %dma_wait3A_145 = arith.constant 0 : i32
        %dma_wait3A_146 = tpu.memref_slice %arg5[%arg0, %add3A_137, %dma_wait3A_145] : memref<2x10240x64xf32, #tpu.memory_space<hbm>> -> memref<1x128x64xf32, #tpu.memory_space<hbm>>
        %dma_wait3A_147 = tpu.memref_squeeze %dma_wait3A_146 : memref<1x128x64xf32, #tpu.memory_space<hbm>> -> memref<128x64xf32, #tpu.memory_space<hbm>>
        %dma_wait3A_148 = arith.constant 0 : i32
        %dma_wait3A_149 = tpu.memref_slice %arg5[%arg0, %add3A_137, %dma_wait3A_148] : memref<2x10240x64xf32, #tpu.memory_space<hbm>> -> memref<1x128x64xf32, #tpu.memory_space<hbm>>
        %dma_wait3A_150 = tpu.memref_squeeze %dma_wait3A_149 : memref<1x128x64xf32, #tpu.memory_space<hbm>> -> memref<128x64xf32, #tpu.memory_space<hbm>>
        tpu.wait_dma2 semaphore(%run_scoped3A : memref<!tpu.dma_semaphore, #tpu.memory_space<semaphore_mem>>) src(%arg9 : memref<128x64xf32, #tpu.memory_space<vmem>>) dst(%dma_wait3A_150 : memref<128x64xf32, #tpu.memory_space<hbm>>)
        tpu.yield
      }) : () -> ()
      %scan3A_138 = arith.constant 0 : i32
      scf.yield %scan3A_138 : i32
    }
    %scan3A_130 = arith.constant 5 : i32
    return
  }
}

module attributes {stable_mosaic.version = 14 : i64} {
  func.func @_tc_pre(%arg0: i32, %arg1: memref<1000x128xf32, #tpu.memory_space<vmem>>, %arg2: memref<128x64xf32, #tpu.memory_space<vmem>>, %arg3: memref<2x1000x16xf32, #tpu.memory_space<vmem>>, %arg4: memref<1000x64xf32, #tpu.memory_space<vmem>>, %arg5: memref<1000x1xf32, #tpu.memory_space<vmem>>) attributes {dimension_semantics = [#tpu.dimension_semantics<arbitrary>], iteration_bounds = array<i64: 10>, scalar_prefetch = 0 : i64, scratch_operands = 0 : i64, tpu.core_type = #tpu.core_type<tc>, window_params = [{transform_indices = @transform_0, window_bounds = array<i64: 1000, 128>}, {pipeline_mode = #tpu.pipeline_mode<synchronous>, transform_indices = @transform_1, window_bounds = array<i64: 128, 64>}, {transform_indices = @transform_2, window_bounds = array<i64: 2, 1000, 16>}, {transform_indices = @transform_3, window_bounds = array<i64: 1000, 64>}, {transform_indices = @transform_4, window_bounds = array<i64: 1000, 1>}]} {
    %get3A = arith.constant 0 : index
    %get3A_0 = arith.constant 0 : index
    %get3A_1 = arith.constant 0 : index
    %get3A_2 = vector.load %arg3[%get3A, %get3A_0, %get3A_1] : memref<2x1000x16xf32, #tpu.memory_space<vmem>>, vector<1x1000x1xf32>
    %get3A_3 = vector.shape_cast %get3A_2 : vector<1x1000x1xf32> to vector<1000x1xf32>
    %get3A_4 = arith.constant 1 : index
    %get3A_5 = arith.constant 0 : index
    %get3A_6 = arith.constant 0 : index
    %get3A_7 = vector.load %arg3[%get3A_4, %get3A_5, %get3A_6] : memref<2x1000x16xf32, #tpu.memory_space<vmem>>, vector<1x1000x1xf32>
    %get3A_8 = vector.shape_cast %get3A_7 : vector<1x1000x1xf32> to vector<1000x1xf32>
    %add3A = arith.addf %get3A_3, %get3A_8 : vector<1000x1xf32>
    %add3A_9 = arith.constant 1.000000e+00 : f32
    %add3A_10 = vector.broadcast %add3A_9 : f32 to vector<1000x1xf32>
    %add3A_11 = arith.addf %add3A, %add3A_10 : vector<1000x1xf32>
    %rsqrt3A = math.rsqrt %add3A_11 : vector<1000x1xf32>
    %get3A_12 = arith.constant 0 : index
    %get3A_13 = arith.constant 0 : index
    %get3A_14 = vector.load %arg1[%get3A_12, %get3A_13] : memref<1000x128xf32, #tpu.memory_space<vmem>>, vector<1000x128xf32>
    %get3A_15 = arith.constant 0 : index
    %get3A_16 = arith.constant 0 : index
    %get3A_17 = vector.load %arg2[%get3A_15, %get3A_16] : memref<128x64xf32, #tpu.memory_space<vmem>>, vector<128x64xf32>
    %dot_general3A = arith.constant dense<0.000000e+00> : vector<1000x64xf32>
    %dot_general3A_18 = tpu.matmul %get3A_14, %get3A_17, %dot_general3A {dimension_numbers = #tpu.dot_dimension_numbers<[1], [0], [0], [1], [0, 0, 1, 1], [], []>, transpose_lhs_hint = false} : vector<1000x128xf32>, vector<128x64xf32>, vector<1000x64xf32> -> vector<1000x64xf32>
    %mul3A = vector.broadcast %rsqrt3A : vector<1000x1xf32> to vector<1000x64xf32>
    %mul3A_19 = arith.mulf %dot_general3A_18, %mul3A : vector<1000x64xf32>
    %swap3A = arith.constant 0 : index
    %swap3A_20 = arith.constant 0 : index
    %swap3A_21 = vector.load %arg4[%swap3A, %swap3A_20] : memref<1000x64xf32, #tpu.memory_space<vmem>>, vector<1000x64xf32>
    tpu.vector_store %arg4[%swap3A, %swap3A_20], %mul3A_19 {strides = array<i32>} : memref<1000x64xf32, #tpu.memory_space<vmem>>, vector<1000x64xf32>,
    %swap3A_22 = arith.constant 0 : index
    %swap3A_23 = arith.constant 0 : index
    %swap3A_24 = vector.load %arg5[%swap3A_22, %swap3A_23] : memref<1000x1xf32, #tpu.memory_space<vmem>>, vector<1000x1xf32>
    tpu.vector_store %arg5[%swap3A_22, %swap3A_23], %rsqrt3A {strides = array<i32>} : memref<1000x1xf32, #tpu.memory_space<vmem>>, vector<1000x1xf32>,
    return
  }
  func.func @transform_0(%arg0: i32) -> (i32, i32) {
    %c0_i32 = arith.constant 0 : i32
    %c0_i32_0 = arith.constant 0 : i32
    return %arg0, %c0_i32 : i32, i32
  }
  func.func @transform_1(%arg0: i32) -> (i32, i32) {
    %c0_i32 = arith.constant 0 : i32
    %c0_i32_0 = arith.constant 0 : i32
    %c0_i32_1 = arith.constant 0 : i32
    return %c0_i32, %c0_i32_0 : i32, i32
  }
  func.func @transform_2(%arg0: i32) -> (i32, i32, i32) {
    %c0_i32 = arith.constant 0 : i32
    %c0_i32_0 = arith.constant 0 : i32
    %c0_i32_1 = arith.constant 0 : i32
    return %c0_i32, %arg0, %c0_i32_0 : i32, i32, i32
  }
  func.func @transform_3(%arg0: i32) -> (i32, i32) {
    %c0_i32 = arith.constant 0 : i32
    %c0_i32_0 = arith.constant 0 : i32
    return %arg0, %c0_i32 : i32, i32
  }
  func.func @transform_4(%arg0: i32) -> (i32, i32) {
    %c0_i32 = arith.constant 0 : i32
    %c0_i32_0 = arith.constant 0 : i32
    return %arg0, %c0_i32 : i32, i32
  }
}

module attributes {stable_mosaic.version = 14 : i64} {
  func.func @_tc_mid(%arg0: i32, %arg1: memref<2x1000x64xf32, #tpu.memory_space<vmem>>, %arg2: memref<1000x64xf32, #tpu.memory_space<vmem>>, %arg3: memref<1000x1xf32, #tpu.memory_space<vmem>>, %arg4: memref<1x64xf32, #tpu.memory_space<vmem>>, %arg5: memref<1000x64xf32, #tpu.memory_space<vmem>>) attributes {dimension_semantics = [#tpu.dimension_semantics<arbitrary>], iteration_bounds = array<i64: 10>, scalar_prefetch = 0 : i64, scratch_operands = 0 : i64, tpu.core_type = #tpu.core_type<tc>, window_params = [{transform_indices = @transform_0, window_bounds = array<i64: 2, 1000, 64>}, {transform_indices = @transform_1, window_bounds = array<i64: 1000, 64>}, {transform_indices = @transform_2, window_bounds = array<i64: 1000, 1>}, {pipeline_mode = #tpu.pipeline_mode<synchronous>, transform_indices = @transform_3, window_bounds = array<i64: 1, 64>}, {transform_indices = @transform_4, window_bounds = array<i64: 1000, 64>}]} {
    %get3A = arith.constant 0 : index
    %get3A_0 = arith.constant 0 : index
    %get3A_1 = arith.constant 0 : index
    %get3A_2 = vector.load %arg1[%get3A, %get3A_0, %get3A_1] : memref<2x1000x64xf32, #tpu.memory_space<vmem>>, vector<1x1000x64xf32>
    %get3A_3 = vector.shape_cast %get3A_2 : vector<1x1000x64xf32> to vector<1000x64xf32>
    %get3A_4 = arith.constant 1 : index
    %get3A_5 = arith.constant 0 : index
    %get3A_6 = arith.constant 0 : index
    %get3A_7 = vector.load %arg1[%get3A_4, %get3A_5, %get3A_6] : memref<2x1000x64xf32, #tpu.memory_space<vmem>>, vector<1x1000x64xf32>
    %get3A_8 = vector.shape_cast %get3A_7 : vector<1x1000x64xf32> to vector<1000x64xf32>
    %add3A = arith.addf %get3A_3, %get3A_8 : vector<1000x64xf32>
    %get3A_9 = arith.constant 0 : index
    %get3A_10 = arith.constant 0 : index
    %get3A_11 = vector.load %arg3[%get3A_9, %get3A_10] : memref<1000x1xf32, #tpu.memory_space<vmem>>, vector<1000x1xf32>
    %get3A_12 = arith.constant 0 : index
    %get3A_13 = arith.constant 0 : index
    %get3A_14 = vector.load %arg2[%get3A_12, %get3A_13] : memref<1000x64xf32, #tpu.memory_space<vmem>>, vector<1000x64xf32>
    %add3A_15 = arith.addf %add3A, %get3A_14 : vector<1000x64xf32>
    %mul3A = vector.broadcast %get3A_11 : vector<1000x1xf32> to vector<1000x64xf32>
    %mul3A_16 = arith.mulf %mul3A, %add3A_15 : vector<1000x64xf32>
    %get3A_17 = arith.constant 0 : index
    %get3A_18 = arith.constant 0 : index
    %get3A_19 = vector.load %arg4[%get3A_17, %get3A_18] : memref<1x64xf32, #tpu.memory_space<vmem>>, vector<1x64xf32>
    %add3A_20 = vector.broadcast %get3A_19 : vector<1x64xf32> to vector<1000x64xf32>
    %add3A_21 = arith.addf %mul3A_16, %add3A_20 : vector<1000x64xf32>
    %max3A = arith.constant 0.000000e+00 : f32
    %max3A_22 = vector.broadcast %max3A : f32 to vector<1000x64xf32>
    %max3A_23 = arith.maximumf %add3A_21, %max3A_22 : vector<1000x64xf32>
    %mul3A_24 = vector.broadcast %get3A_11 : vector<1000x1xf32> to vector<1000x64xf32>
    %mul3A_25 = arith.mulf %max3A_23, %mul3A_24 : vector<1000x64xf32>
    %swap3A = arith.constant 0 : index
    %swap3A_26 = arith.constant 0 : index
    %swap3A_27 = vector.load %arg5[%swap3A, %swap3A_26] : memref<1000x64xf32, #tpu.memory_space<vmem>>, vector<1000x64xf32>
    tpu.vector_store %arg5[%swap3A, %swap3A_26], %mul3A_25 {strides = array<i32>} : memref<1000x64xf32, #tpu.memory_space<vmem>>, vector<1000x64xf32>,
    return
  }
  func.func @transform_0(%arg0: i32) -> (i32, i32, i32) {
    %c0_i32 = arith.constant 0 : i32
    %c0_i32_0 = arith.constant 0 : i32
    %c0_i32_1 = arith.constant 0 : i32
    return %c0_i32, %arg0, %c0_i32_0 : i32, i32, i32
  }
  func.func @transform_1(%arg0: i32) -> (i32, i32) {
    %c0_i32 = arith.constant 0 : i32
    %c0_i32_0 = arith.constant 0 : i32
    return %arg0, %c0_i32 : i32, i32
  }
  func.func @transform_2(%arg0: i32) -> (i32, i32) {
    %c0_i32 = arith.constant 0 : i32
    %c0_i32_0 = arith.constant 0 : i32
    return %arg0, %c0_i32 : i32, i32
  }
  func.func @transform_3(%arg0: i32) -> (i32, i32) {
    %c0_i32 = arith.constant 0 : i32
    %c0_i32_0 = arith.constant 0 : i32
    %c0_i32_1 = arith.constant 0 : i32
    return %c0_i32, %c0_i32_0 : i32, i32
  }
  func.func @transform_4(%arg0: i32) -> (i32, i32) {
    %c0_i32 = arith.constant 0 : i32
    %c0_i32_0 = arith.constant 0 : i32
    return %arg0, %c0_i32 : i32, i32
  }
}

module attributes {stable_mosaic.version = 14 : i64} {
  func.func @_tc_post(%arg0: i32, %arg1: memref<2x1000x64xf32, #tpu.memory_space<vmem>>, %arg2: memref<1000x64xf32, #tpu.memory_space<vmem>>, %arg3: memref<1000x1xf32, #tpu.memory_space<vmem>>, %arg4: memref<64x128xf32, #tpu.memory_space<vmem>>, %arg5: memref<1x128xf32, #tpu.memory_space<vmem>>, %arg6: memref<1000x1xi32, #tpu.memory_space<vmem>>, %arg7: memref<128x256xf32, #tpu.memory_space<vmem>>, %arg8: memref<1x256xf32, #tpu.memory_space<vmem>>, %arg9: memref<256x512xf32, #tpu.memory_space<vmem>>, %arg10: memref<1x512xf32, #tpu.memory_space<vmem>>, %arg11: memref<512x512xf32, #tpu.memory_space<vmem>>, %arg12: memref<1x512xf32, #tpu.memory_space<vmem>>, %arg13: memref<512x128xf32, #tpu.memory_space<vmem>>, %arg14: memref<1x128xf32, #tpu.memory_space<vmem>>, %arg15: memref<16x128xf32, #tpu.memory_space<vmem>>, %arg16: memref<16x128xf32, #tpu.memory_space<vmem>>, %arg17: memref<16x128xf32, #tpu.memory_space<vmem>>) attributes {dimension_semantics = [#tpu.dimension_semantics<arbitrary>], iteration_bounds = array<i64: 10>, scalar_prefetch = 0 : i64, scratch_operands = 2 : i64, tpu.core_type = #tpu.core_type<tc>, window_params = [{transform_indices = @transform_0, window_bounds = array<i64: 2, 1000, 64>}, {transform_indices = @transform_1, window_bounds = array<i64: 1000, 64>}, {transform_indices = @transform_2, window_bounds = array<i64: 1000, 1>}, {pipeline_mode = #tpu.pipeline_mode<synchronous>, transform_indices = @transform_3, window_bounds = array<i64: 64, 128>}, {pipeline_mode = #tpu.pipeline_mode<synchronous>, transform_indices = @transform_4, window_bounds = array<i64: 1, 128>}, {transform_indices = @transform_5, window_bounds = array<i64: 1000, 1>}, {pipeline_mode = #tpu.pipeline_mode<synchronous>, transform_indices = @transform_6, window_bounds = array<i64: 128, 256>}, {pipeline_mode = #tpu.pipeline_mode<synchronous>, transform_indices = @transform_7, window_bounds = array<i64: 1, 256>}, {pipeline_mode = #tpu.pipeline_mode<synchronous>, transform_indices = @transform_8, window_bounds = array<i64: 256, 512>}, {pipeline_mode = #tpu.pipeline_mode<synchronous>, transform_indices = @transform_9, window_bounds = array<i64: 1, 512>}, {pipeline_mode = #tpu.pipeline_mode<synchronous>, transform_indices = @transform_10, window_bounds = array<i64: 512, 512>}, {pipeline_mode = #tpu.pipeline_mode<synchronous>, transform_indices = @transform_11, window_bounds = array<i64: 1, 512>}, {pipeline_mode = #tpu.pipeline_mode<synchronous>, transform_indices = @transform_12, window_bounds = array<i64: 512, 128>}, {pipeline_mode = #tpu.pipeline_mode<synchronous>, transform_indices = @transform_13, window_bounds = array<i64: 1, 128>}, {pipeline_mode = #tpu.pipeline_mode<synchronous>, transform_indices = @transform_14, window_bounds = array<i64: 16, 128>}]} {
    %get3A = arith.constant 0 : index
    %get3A_0 = arith.constant 0 : index
    %get3A_1 = vector.load %arg3[%get3A, %get3A_0] : memref<1000x1xf32, #tpu.memory_space<vmem>>, vector<1000x1xf32>
    %get3A_2 = arith.constant 0 : index
    %get3A_3 = arith.constant 0 : index
    %get3A_4 = arith.constant 0 : index
    %get3A_5 = vector.load %arg1[%get3A_2, %get3A_3, %get3A_4] : memref<2x1000x64xf32, #tpu.memory_space<vmem>>, vector<1x1000x64xf32>
    %get3A_6 = vector.shape_cast %get3A_5 : vector<1x1000x64xf32> to vector<1000x64xf32>
    %get3A_7 = arith.constant 1 : index
    %get3A_8 = arith.constant 0 : index
    %get3A_9 = arith.constant 0 : index
    %get3A_10 = vector.load %arg1[%get3A_7, %get3A_8, %get3A_9] : memref<2x1000x64xf32, #tpu.memory_space<vmem>>, vector<1x1000x64xf32>
    %get3A_11 = vector.shape_cast %get3A_10 : vector<1x1000x64xf32> to vector<1000x64xf32>
    %add3A = arith.addf %get3A_6, %get3A_11 : vector<1000x64xf32>
    %get3A_12 = arith.constant 0 : index
    %get3A_13 = arith.constant 0 : index
    %get3A_14 = vector.load %arg2[%get3A_12, %get3A_13] : memref<1000x64xf32, #tpu.memory_space<vmem>>, vector<1000x64xf32>
    %add3A_15 = arith.addf %add3A, %get3A_14 : vector<1000x64xf32>
    %get3A_16 = arith.constant 0 : index
    %get3A_17 = arith.constant 0 : index
    %get3A_18 = vector.load %arg4[%get3A_16, %get3A_17] : memref<64x128xf32, #tpu.memory_space<vmem>>, vector<64x128xf32>
    %dot_general3A = arith.constant dense<0.000000e+00> : vector<1000x128xf32>
    %dot_general3A_19 = tpu.matmul %add3A_15, %get3A_18, %dot_general3A {dimension_numbers = #tpu.dot_dimension_numbers<[1], [0], [0], [1], [0, 0, 1, 1], [], []>, transpose_lhs_hint = false} : vector<1000x64xf32>, vector<64x128xf32>, vector<1000x128xf32> -> vector<1000x128xf32>
    %mul3A = vector.broadcast %get3A_1 : vector<1000x1xf32> to vector<1000x128xf32>
    %mul3A_20 = arith.mulf %mul3A, %dot_general3A_19 : vector<1000x128xf32>
    %get3A_21 = arith.constant 0 : index
    %get3A_22 = arith.constant 0 : index
    %get3A_23 = vector.load %arg5[%get3A_21, %get3A_22] : memref<1x128xf32, #tpu.memory_space<vmem>>, vector<1x128xf32>
    %add3A_24 = vector.broadcast %get3A_23 : vector<1x128xf32> to vector<1000x128xf32>
    %add3A_25 = arith.addf %mul3A_20, %add3A_24 : vector<1000x128xf32>
    %max3A = arith.constant 0.000000e+00 : f32
    %max3A_26 = vector.broadcast %max3A : f32 to vector<1000x128xf32>
    %max3A_27 = arith.maximumf %add3A_25, %max3A_26 : vector<1000x128xf32>
    %iota3A = tpu.iota {dimensions = array<i32: 1>} : vector<1000x16xi32>
    %get3A_28 = arith.constant 0 : index
    %get3A_29 = arith.constant 0 : index
    %get3A_30 = vector.load %arg6[%get3A_28, %get3A_29] : memref<1000x1xi32, #tpu.memory_space<vmem>>, vector<1000x1xi32>
    %eq3A = vector.broadcast %get3A_30 : vector<1000x1xi32> to vector<1000x16xi32>
    %eq3A_31 = arith.cmpi eq, %eq3A, %iota3A : vector<1000x16xi32>
    %convert_element_type3A = arith.extui %eq3A_31 : vector<1000x16xi1> to vector<1000x16xi32>
    %convert_element_type3A_32 = arith.sitofp %convert_element_type3A : vector<1000x16xi32> to vector<1000x16xf32>
    %dot_general3A_33 = arith.constant dense<0.000000e+00> : vector<16x128xf32>
    %dot_general3A_34 = tpu.matmul %convert_element_type3A_32, %max3A_27, %dot_general3A_33 {dimension_numbers = #tpu.dot_dimension_numbers<[0], [0], [1], [1], [0, 1, 1, 1], [], []>, transpose_lhs_hint = false} : vector<1000x16xf32>, vector<1000x128xf32>, vector<16x128xf32> -> vector<16x128xf32>
    %broadcast_in_dim3A = arith.constant 1.000000e+00 : f32
    %broadcast_in_dim3A_35 = vector.broadcast %broadcast_in_dim3A : f32 to vector<1000x128xf32>
    %dot_general3A_36 = arith.constant dense<0.000000e+00> : vector<16x128xf32>
    %dot_general3A_37 = tpu.matmul %convert_element_type3A_32, %broadcast_in_dim3A_35, %dot_general3A_36 {dimension_numbers = #tpu.dot_dimension_numbers<[0], [0], [1], [1], [0, 1, 1, 1], [], []>, transpose_lhs_hint = false} : vector<1000x16xf32>, vector<1000x128xf32>, vector<16x128xf32> -> vector<16x128xf32>
    %eq3A_38 = arith.constant 0 : i32
    %eq3A_39 = arith.cmpi eq, %arg0, %eq3A_38 : i32
    %convert_element_type3A_40 = arith.extui %eq3A_39 : i1 to i32
    %cond3A = arith.constant 0 : i32
    %cond3A_41 = arith.cmpi ne, %convert_element_type3A_40, %cond3A : i32
    scf.if %cond3A_41 {
      %swap3A = arith.constant 0 : index
      %swap3A_51 = arith.constant 0 : index
      %swap3A_52 = vector.load %arg16[%swap3A, %swap3A_51] : memref<16x128xf32, #tpu.memory_space<vmem>>, vector<16x128xf32>
      tpu.vector_store %arg16[%swap3A, %swap3A_51], %dot_general3A_34 {strides = array<i32>} : memref<16x128xf32, #tpu.memory_space<vmem>>, vector<16x128xf32>,
      %swap3A_53 = arith.constant 0 : index
      %swap3A_54 = arith.constant 0 : index
      %swap3A_55 = vector.load %arg17[%swap3A_53, %swap3A_54] : memref<16x128xf32, #tpu.memory_space<vmem>>, vector<16x128xf32>
      tpu.vector_store %arg17[%swap3A_53, %swap3A_54], %dot_general3A_37 {strides = array<i32>} : memref<16x128xf32, #tpu.memory_space<vmem>>, vector<16x128xf32>,
    } else {
    }
    %gt3A = arith.constant 0 : i32
    %gt3A_42 = arith.cmpi sgt, %arg0, %gt3A : i32
    %convert_element_type3A_43 = arith.extui %gt3A_42 : i1 to i32
    %cond3A_44 = arith.constant 0 : i32
    %cond3A_45 = arith.cmpi ne, %convert_element_type3A_43, %cond3A_44 : i32
    scf.if %cond3A_45 {
      %get3A_51 = arith.constant 0 : index
      %get3A_52 = arith.constant 0 : index
      %get3A_53 = vector.load %arg16[%get3A_51, %get3A_52] : memref<16x128xf32, #tpu.memory_space<vmem>>, vector<16x128xf32>
      %add3A_54 = arith.addf %get3A_53, %dot_general3A_34 : vector<16x128xf32>
      %swap3A = arith.constant 0 : index
      %swap3A_55 = arith.constant 0 : index
      %swap3A_56 = vector.load %arg16[%swap3A, %swap3A_55] : memref<16x128xf32, #tpu.memory_space<vmem>>, vector<16x128xf32>
      tpu.vector_store %arg16[%swap3A, %swap3A_55], %add3A_54 {strides = array<i32>} : memref<16x128xf32, #tpu.memory_space<vmem>>, vector<16x128xf32>,
      %get3A_57 = arith.constant 0 : index
      %get3A_58 = arith.constant 0 : index
      %get3A_59 = vector.load %arg17[%get3A_57, %get3A_58] : memref<16x128xf32, #tpu.memory_space<vmem>>, vector<16x128xf32>
      %add3A_60 = arith.addf %get3A_59, %dot_general3A_37 : vector<16x128xf32>
      %swap3A_61 = arith.constant 0 : index
      %swap3A_62 = arith.constant 0 : index
      %swap3A_63 = vector.load %arg17[%swap3A_61, %swap3A_62] : memref<16x128xf32, #tpu.memory_space<vmem>>, vector<16x128xf32>
      tpu.vector_store %arg17[%swap3A_61, %swap3A_62], %add3A_60 {strides = array<i32>} : memref<16x128xf32, #tpu.memory_space<vmem>>, vector<16x128xf32>,
    } else {
    }
    %eq3A_46 = arith.constant 9 : i32
    %eq3A_47 = arith.cmpi eq, %arg0, %eq3A_46 : i32
    %convert_element_type3A_48 = arith.extui %eq3A_47 : i1 to i32
    %cond3A_49 = arith.constant 0 : i32
    %cond3A_50 = arith.cmpi ne, %convert_element_type3A_48, %cond3A_49 : i32
    scf.if %cond3A_50 {
      %get3A_51 = arith.constant 0 : index
      %get3A_52 = arith.constant 0 : index
      %get3A_53 = vector.load %arg16[%get3A_51, %get3A_52] : memref<16x128xf32, #tpu.memory_space<vmem>>, vector<16x128xf32>
      %get3A_54 = arith.constant 0 : index
      %get3A_55 = arith.constant 0 : index
      %get3A_56 = vector.load %arg17[%get3A_54, %get3A_55] : memref<16x128xf32, #tpu.memory_space<vmem>>, vector<16x128xf32>
      %max3A_57 = arith.constant 1.000000e+00 : f32
      %max3A_58 = vector.broadcast %max3A_57 : f32 to vector<16x128xf32>
      %max3A_59 = arith.maximumf %get3A_56, %max3A_58 : vector<16x128xf32>
      %div3A = arith.divf %get3A_53, %max3A_59 : vector<16x128xf32>
      %get3A_60 = arith.constant 0 : index
      %get3A_61 = arith.constant 0 : index
      %get3A_62 = vector.load %arg7[%get3A_60, %get3A_61] : memref<128x256xf32, #tpu.memory_space<vmem>>, vector<128x256xf32>
      %dot_general3A_63 = arith.constant dense<0.000000e+00> : vector<16x256xf32>
      %dot_general3A_64 = tpu.matmul %div3A, %get3A_62, %dot_general3A_63 {dimension_numbers = #tpu.dot_dimension_numbers<[1], [0], [0], [1], [0, 0, 1, 1], [], []>, transpose_lhs_hint = false} : vector<16x128xf32>, vector<128x256xf32>, vector<16x256xf32> -> vector<16x256xf32>
      %get3A_65 = arith.constant 0 : index
      %get3A_66 = arith.constant 0 : index
      %get3A_67 = vector.load %arg8[%get3A_65, %get3A_66] : memref<1x256xf32, #tpu.memory_space<vmem>>, vector<1x256xf32>
      %add3A_68 = vector.broadcast %get3A_67 : vector<1x256xf32> to vector<16x256xf32>
      %add3A_69 = arith.addf %dot_general3A_64, %add3A_68 : vector<16x256xf32>
      %max3A_70 = arith.constant 0.000000e+00 : f32
      %max3A_71 = vector.broadcast %max3A_70 : f32 to vector<16x256xf32>
      %max3A_72 = arith.maximumf %add3A_69, %max3A_71 : vector<16x256xf32>
      %get3A_73 = arith.constant 0 : index
      %get3A_74 = arith.constant 0 : index
      %get3A_75 = vector.load %arg9[%get3A_73, %get3A_74] : memref<256x512xf32, #tpu.memory_space<vmem>>, vector<256x512xf32>
      %dot_general3A_76 = arith.constant dense<0.000000e+00> : vector<16x512xf32>
      %dot_general3A_77 = tpu.matmul %max3A_72, %get3A_75, %dot_general3A_76 {dimension_numbers = #tpu.dot_dimension_numbers<[1], [0], [0], [1], [0, 0, 1, 1], [], []>, transpose_lhs_hint = false} : vector<16x256xf32>, vector<256x512xf32>, vector<16x512xf32> -> vector<16x512xf32>
      %get3A_78 = arith.constant 0 : index
      %get3A_79 = arith.constant 0 : index
      %get3A_80 = vector.load %arg10[%get3A_78, %get3A_79] : memref<1x512xf32, #tpu.memory_space<vmem>>, vector<1x512xf32>
      %add3A_81 = vector.broadcast %get3A_80 : vector<1x512xf32> to vector<16x512xf32>
      %add3A_82 = arith.addf %dot_general3A_77, %add3A_81 : vector<16x512xf32>
      %max3A_83 = arith.constant 0.000000e+00 : f32
      %max3A_84 = vector.broadcast %max3A_83 : f32 to vector<16x512xf32>
      %max3A_85 = arith.maximumf %add3A_82, %max3A_84 : vector<16x512xf32>
      %get3A_86 = arith.constant 0 : index
      %get3A_87 = arith.constant 0 : index
      %get3A_88 = vector.load %arg11[%get3A_86, %get3A_87] : memref<512x512xf32, #tpu.memory_space<vmem>>, vector<512x512xf32>
      %dot_general3A_89 = arith.constant dense<0.000000e+00> : vector<16x512xf32>
      %dot_general3A_90 = tpu.matmul %max3A_85, %get3A_88, %dot_general3A_89 {dimension_numbers = #tpu.dot_dimension_numbers<[1], [0], [0], [1], [0, 0, 1, 1], [], []>, transpose_lhs_hint = false} : vector<16x512xf32>, vector<512x512xf32>, vector<16x512xf32> -> vector<16x512xf32>
      %get3A_91 = arith.constant 0 : index
      %get3A_92 = arith.constant 0 : index
      %get3A_93 = vector.load %arg12[%get3A_91, %get3A_92] : memref<1x512xf32, #tpu.memory_space<vmem>>, vector<1x512xf32>
      %add3A_94 = vector.broadcast %get3A_93 : vector<1x512xf32> to vector<16x512xf32>
      %add3A_95 = arith.addf %dot_general3A_90, %add3A_94 : vector<16x512xf32>
      %max3A_96 = arith.constant 0.000000e+00 : f32
      %max3A_97 = vector.broadcast %max3A_96 : f32 to vector<16x512xf32>
      %max3A_98 = arith.maximumf %add3A_95, %max3A_97 : vector<16x512xf32>
      %get3A_99 = arith.constant 0 : index
      %get3A_100 = arith.constant 0 : index
      %get3A_101 = vector.load %arg13[%get3A_99, %get3A_100] : memref<512x128xf32, #tpu.memory_space<vmem>>, vector<512x128xf32>
      %dot_general3A_102 = arith.constant dense<0.000000e+00> : vector<16x128xf32>
      %dot_general3A_103 = tpu.matmul %max3A_98, %get3A_101, %dot_general3A_102 {dimension_numbers = #tpu.dot_dimension_numbers<[1], [0], [0], [1], [0, 0, 1, 1], [], []>, transpose_lhs_hint = false} : vector<16x512xf32>, vector<512x128xf32>, vector<16x128xf32> -> vector<16x128xf32>
      %get3A_104 = arith.constant 0 : index
      %get3A_105 = arith.constant 0 : index
      %get3A_106 = vector.load %arg14[%get3A_104, %get3A_105] : memref<1x128xf32, #tpu.memory_space<vmem>>, vector<1x128xf32>
      %add3A_107 = vector.broadcast %get3A_106 : vector<1x128xf32> to vector<16x128xf32>
      %add3A_108 = arith.addf %dot_general3A_103, %add3A_107 : vector<16x128xf32>
      %swap3A = arith.constant 0 : index
      %swap3A_109 = arith.constant 0 : index
      %swap3A_110 = vector.load %arg15[%swap3A, %swap3A_109] : memref<16x128xf32, #tpu.memory_space<vmem>>, vector<16x128xf32>
      tpu.vector_store %arg15[%swap3A, %swap3A_109], %add3A_108 {strides = array<i32>} : memref<16x128xf32, #tpu.memory_space<vmem>>, vector<16x128xf32>,
    } else {
    }
    return
  }
  func.func @transform_0(%arg0: i32) -> (i32, i32, i32) {
    %c0_i32 = arith.constant 0 : i32
    %c0_i32_0 = arith.constant 0 : i32
    %c0_i32_1 = arith.constant 0 : i32
    return %c0_i32, %arg0, %c0_i32_0 : i32, i32, i32
  }
  func.func @transform_1(%arg0: i32) -> (i32, i32) {
    %c0_i32 = arith.constant 0 : i32
    %c0_i32_0 = arith.constant 0 : i32
    return %arg0, %c0_i32 : i32, i32
  }
  func.func @transform_2(%arg0: i32) -> (i32, i32) {
    %c0_i32 = arith.constant 0 : i32
    %c0_i32_0 = arith.constant 0 : i32
    return %arg0, %c0_i32 : i32, i32
  }
  func.func @transform_3(%arg0: i32) -> (i32, i32) {
    %c0_i32 = arith.constant 0 : i32
    %c0_i32_0 = arith.constant 0 : i32
    %c0_i32_1 = arith.constant 0 : i32
    return %c0_i32, %c0_i32_0 : i32, i32
  }
  func.func @transform_4(%arg0: i32) -> (i32, i32) {
    %c0_i32 = arith.constant 0 : i32
    %c0_i32_0 = arith.constant 0 : i32
    %c0_i32_1 = arith.constant 0 : i32
    return %c0_i32, %c0_i32_0 : i32, i32
  }
  func.func @transform_5(%arg0: i32) -> (i32, i32) {
    %c0_i32 = arith.constant 0 : i32
    %c0_i32_0 = arith.constant 0 : i32
    return %arg0, %c0_i32 : i32, i32
  }
  func.func @transform_6(%arg0: i32) -> (i32, i32) {
    %c0_i32 = arith.constant 0 : i32
    %c0_i32_0 = arith.constant 0 : i32
    %c0_i32_1 = arith.constant 0 : i32
    return %c0_i32, %c0_i32_0 : i32, i32
  }
  func.func @transform_7(%arg0: i32) -> (i32, i32) {
    %c0_i32 = arith.constant 0 : i32
    %c0_i32_0 = arith.constant 0 : i32
    %c0_i32_1 = arith.constant 0 : i32
    return %c0_i32, %c0_i32_0 : i32, i32
  }
  func.func @transform_8(%arg0: i32) -> (i32, i32) {
    %c0_i32 = arith.constant 0 : i32
    %c0_i32_0 = arith.constant 0 : i32
    %c0_i32_1 = arith.constant 0 : i32
    return %c0_i32, %c0_i32_0 : i32, i32
  }
  func.func @transform_9(%arg0: i32) -> (i32, i32) {
    %c0_i32 = arith.constant 0 : i32
    %c0_i32_0 = arith.constant 0 : i32
    %c0_i32_1 = arith.constant 0 : i32
    return %c0_i32, %c0_i32_0 : i32, i32
  }
  func.func @transform_10(%arg0: i32) -> (i32, i32) {
    %c0_i32 = arith.constant 0 : i32
    %c0_i32_0 = arith.constant 0 : i32
    %c0_i32_1 = arith.constant 0 : i32
    return %c0_i32, %c0_i32_0 : i32, i32
  }
  func.func @transform_11(%arg0: i32) -> (i32, i32) {
    %c0_i32 = arith.constant 0 : i32
    %c0_i32_0 = arith.constant 0 : i32
    %c0_i32_1 = arith.constant 0 : i32
    return %c0_i32, %c0_i32_0 : i32, i32
  }
  func.func @transform_12(%arg0: i32) -> (i32, i32) {
    %c0_i32 = arith.constant 0 : i32
    %c0_i32_0 = arith.constant 0 : i32
    %c0_i32_1 = arith.constant 0 : i32
    return %c0_i32, %c0_i32_0 : i32, i32
  }
  func.func @transform_13(%arg0: i32) -> (i32, i32) {
    %c0_i32 = arith.constant 0 : i32
    %c0_i32_0 = arith.constant 0 : i32
    %c0_i32_1 = arith.constant 0 : i32
    return %c0_i32, %c0_i32_0 : i32, i32
  }
  func.func @transform_14(%arg0: i32) -> (i32, i32) {
    %c0_i32 = arith.constant 0 : i32
    %c0_i32_0 = arith.constant 0 : i32
    %c0_i32_1 = arith.constant 0 : i32
    return %c0_i32, %c0_i32_0 : i32, i32
  }
}

</mosaic_0001>

<sc_bundles>
// kernel: kernel.11.cloned.1.call-start
scs
__scs_entry_jumppad:
0x0: {  	(pc) =	sbr.rel $0x88, $3  }
0x1: {  	(tag) =	ssettag $0x0;
	lr =	simm.s32 $0x1  }
0x2: {  	[smem:$0x3F92] =	sst lr;
	_ =	strace $0xD0000000  }
0x3: {  	_ = 	snop  }
0x4: {  	_ = 	snop  }
0x5: {  	_ = 	snop  }
0x6: {  	_ = 	snop  }
0x7: {  	_ = 	snop  }
__scs_overlays_trampoline_lowered:
0x8: {  	[smem:$0x3FA1] =	sst s0  }
0x9: {  	[smem:$0x3FA2] =	sst s1  }
0xa: {  	[smem:$0x3FA3] =	sst s2  }
0xb: {  	[smem:$0x3FA4] =	sst s3  }
0xc: {  	[smem:$0x3FA5] =	sst s4  }
0xd: {  	[smem:$0x3FA6] =	sst s5  }
0xe: {  	[smem:$0x3FA7] =	sst s6  }
0xf: {  	[smem:$0x3FA8] =	sst s7  }
0x10: {  	[smem:$0x3FA9] =	sst s8  }
0x11: {  	[smem:$0x3FAA] =	sst s9;
	s0 =	simm.s32 @!p0 $0x0  }
0x12: {  	s1 =	sld [smem:$0x3F90];
	s0 =	simm.s32 @p0 $0x1  }
0x13: {  	[smem:$0x3FAB] =	sst s0;
	s0 =	simm.s32 @!p1 $0x0  }
0x14: {  	s2 =	sld [smem:$0x3F8F];
	s0 =	simm.s32 @p1 $0x1  }
0x15: {  	[smem:$0x3FAC] =	sst s0;
	s0 =	simm.s32 @!p2 $0x0  }
0x16: {  	s3 =	sld [smem:$0x3FDB];
	s0 =	simm.s32 @p2 $0x1  }
0x17: {  	s4 =	simm.s32 $0x1BF5;
	[smem:$0x3FAE] =	sst s0  }
0x18: {  	s0 =	sld [smem:$0x3F91];
	_ =	swait.ge [sflag:s4], $0x0  }
0x19: {  	s7 =	sld [smem:$0x3F92]  }
0x1a: {  	s8 =	sadd.s32 $0xFFFFE003, lr  }
0x1b: {  	s9 =	sadd.s32 $0xFFFFFEF7, lr;
	s5 =	simm.s32 $0xFFFFFFFF;
	p2 =	slt.u32 s8, $0xFFFFF086  }
0x1c: {  	p1 =	slt.u32 s9, $0xF7A;
	s5 =	simm.s32 @!p2 $0x0  }
0x1d: {  	s5 =	simm.s32 @p1 $0x1;
	p0 =	seq.s32 s7, s2  }
0x1e: {  	s7 =	smul.u32 @!p0 $0xF7A, s2;
	p2 =	seq.s32 @!p0 s5, $0x0  }
0x1f: {  	s9 =	smul.u32 $0xF7A, s1;
	s8 =	simm.s32 @!p0 $0x1BF5;
	p2 =	por !p2, p0  }
0x20: {  	[sflag:s8] =	ssyncset.s32 @!p0 $0xFFFFF086;
	s6 =	sadd.s32 @!p0 s3, s7;
	s7 =	simm.s32 @!p0 $0x108  }
0x21: {  	s3 =	sadd.s32 s3, s9;
	s6 =	sadd.s32 @!p0 $0x88, s6;
	s7 =	simm.s32 @p2 $0x1082  }
0x22: {  	[simem:s7], [sflag:s8] =	dma.local @!p0 [hbm:s6], $0xF7A  }
0x23: {  	s9 =	sor.u32 $0xD0000000, s2;
	s6 =	simm.s32 $0x108;
	_ =	swait.ge @!p0 [sflag:s8], $0x0  }
0x24: {  	s3 =	sadd.s32 $0x88, s3;
	s6 =	simm.s32 @!p1 $0x1082;
	[sflag:s4] =	ssyncset.s32 $0xFFFFF086  }
0x25: {  	[simem:s6], [sflag:s4] =	dma.local [hbm:s3], $0xF7A  }
0x26: {  	[smem:$0x3F92] =	sst s1;
	(tag) =	ssettag s2;
	_ =	strace s9  }
0x27: {  	s1 =	sld [smem:$0x3FA2]  }
0x28: {  	s2 =	sld [smem:$0x3FA3]  }
0x29: {  	s4 =	sld [smem:$0x3FA5]  }
0x2a: {  	p0 =	seq.s32 s5, $0x0;
	s5 =	sld [smem:$0x3FA6]  }
0x2b: {  	s6 =	sld [smem:$0x3FA7]  }
0x2c: {  	s7 =	sld [smem:$0x3FA8]  }
0x2d: {  	s3 =	simm.s32 $0x108;
	s8 =	sld [smem:$0x3FA9]  }
0x2e: {  	s3 =	simm.s32 @!p0 $0x1082;
	s9 =	sld [smem:$0x3FAA]  }
0x2f: {  	lr =	sadd.s32 s0, s3;
	s0 =	sld [smem:$0x3FA1]  }
0x30: {  	s3 =	sld [smem:$0x3FA4]  }
0x31: {  	[smem:$0x3FAD] =	sst s10  }
0x32: {  	s10 =	sld [smem:$0x3FAB];
	_ =	sdelay $0x3  }
0x33: {  	p0 =	seq.s32 s10, $0x1;
	s10 =	sld [smem:$0x3FAD];
	_ =	sdelay $0x3  }
0x34: {  	[smem:$0x3FAD] =	sst s10  }
0x35: {  	s10 =	sld [smem:$0x3FAC];
	_ =	sdelay $0x3  }
0x36: {  	p1 =	seq.s32 s10, $0x1;
	s10 =	sld [smem:$0x3FAD];
	_ =	sdelay $0x3  }
0x37: {  	[smem:$0x3FAD] =	sst s10  }
0x38: {  	s10 =	sld [smem:$0x3FAE]  }
0x39: {  	_ = 	snop;
	(pc) =	sbr.ind lr, $3  }
0x3a: {  	_ = 	snop  }
0x3b: {  	_ = 	snop  }
0x3c: {  	p2 =	seq.s32 s10, $0x1;
	s10 =	sld [smem:$0x3FAD]  }
0x3d: {  	_ =	shalt  }
0x3e: {  	_ =	shalt  }
0x3f: {  	_ =	shalt  }
0x40: {  	_ =	shalt  }
0x41: {  	_ =	shalt  }
0x42: {  	_ =	shalt  }
0x43: {  	_ =	shalt  }
0x44: {  	_ =	shalt  }
0x45: {  	_ =	shalt  }
0x46: {  	_ =	shalt  }
0x47: {  	_ =	shalt  }
0x48: {  	_ =	shalt  }
0x49: {  	_ =	shalt  }
0x4a: {  	_ =	shalt  }
0x4b: {  	_ =	shalt  }
0x4c: {  	_ =	shalt  }
0x4d: {  	_ =	shalt  }
0x4e: {  	_ =	shalt  }
0x4f: {  	_ =	shalt  }
0x50: {  	_ =	shalt  }
0x51: {  	_ =	shalt  }
0x52: {  	_ =	shalt  }
0x53: {  	_ =	shalt  }
0x54: {  	_ =	shalt  }
0x55: {  	_ =	shalt  }
0x56: {  	_ =	shalt  }
0x57: {  	_ =	shalt  }
0x58: {  	_ =	shalt  }
0x59: {  	_ =	shalt  }
0x5a: {  	_ =	shalt  }
0x5b: {  	_ =	shalt  }
0x5c: {  	_ =	shalt  }
0x5d: {  	_ =	shalt  }
0x5e: {  	_ =	shalt  }
0x5f: {  	_ =	shalt  }
0x60: {  	_ =	shalt  }
0x61: {  	_ =	shalt  }
0x62: {  	_ =	shalt  }
0x63: {  	_ =	shalt  }
0x64: {  	_ =	shalt  }
0x65: {  	_ =	shalt  }
0x66: {  	_ =	shalt  }
0x67: {  	_ =	shalt  }
0x68: {  	_ =	shalt  }
0x69: {  	_ =	shalt  }
0x6a: {  	_ =	shalt  }
0x6b: {  	_ =	shalt  }
0x6c: {  	_ =	shalt  }
0x6d: {  	_ =	shalt  }
0x6e: {  	_ =	shalt  }
0x6f: {  	_ =	shalt  }
0x70: {  	_ =	shalt  }
0x71: {  	_ =	shalt  }
0x72: {  	_ =	shalt  }
0x73: {  	_ =	shalt  }
0x74: {  	_ =	shalt  }
0x75: {  	_ =	shalt  }
0x76: {  	_ =	shalt  }
0x77: {  	_ =	shalt  }
0x78: {  	_ =	shalt  }
0x79: {  	_ =	shalt  }
0x7a: {  	_ =	shalt  }
0x7b: {  	_ =	shalt  }
0x7c: {  	_ =	shalt  }
0x7d: {  	_ =	shalt  }
0x7e: {  	_ =	shalt  }
0x7f: {  	_ =	shalt  }
0x80: {  	_ =	shalt  }
0x81: {  	_ =	shalt  }
0x82: {  	_ =	shalt  }
0x83: {  	_ =	shalt  }
0x84: {  	_ =	shalt  }
0x85: {  	_ =	shalt  }
0x86: {  	_ =	shalt  }
0x87: {  	_ =	shalt  }
.Lfunc_end0:
.L_simem_size_0:
called_computation.1_lowered:
.L_overlay_start_0:
0x88: {  	s2 =	sld [smem:$0x3FD9]  }
0x89: {  	s3 =	sld [smem:$0x3FFE];
	_ =	sdelay $0x1  }
0x8a: {  	s1 =	srdreg.scid  }
0x8b: {  	s0 =	sand.u32 $0x1, s1  }
0x8c: {  	s16 =	sshll.u32 s0, $0xA;
	s2 =	sadd.s32 s3, s2  }
0x8d: {  	s2 =	sadd.s32 s2, s16  }
0x8e: {  	[smem:$0x3FB9] =	sst s2  }
0x8f: {  	_ = 	snop  }
0x90: {  	(tm) =	ssettm $0x1  }
0x91: {  	s17 =	sld [smem:$0x3FFB];
	_ =	sdelay $0x3  }
0x92: {  	_ =	strace s17  }
0x93: {  	s2 =	sld [smem:$0x3FFC];
	_ =	sdelay $0x3  }
0x94: {  	_ =	strace s2  }
0x95: {  	s2 =	sld [smem:$0x3FFD];
	_ =	sdelay $0x3  }
0x96: {  	_ =	strace s2  }
0x97: {  	_ =	strace $0x8FFFFFFF  }
0x98: {  	s18 =	sld [smem:$0x3FDB];
	_ =	sdelay $0x1  }
0x99: {  	s19 =	simm.s32 $_scs_section_size  }
0x9a: {  	s4 =	simm.s32 $_size__tile_overlayer_lowered;
	s5 =	simm.s32 $_tile_overlayer_lowered  }
0x9b: {  	s22 =	simm.s32 $0x1BFF;
	s21 =	sshll.u32 s5, $0x1;
	s2 =	sadd.s32 s19, s18  }
0x9c: {  	s6 =	simm.s32 $0x0;
	s20 =	sshll.u32 s4, $0x1;
	s4 =	sadd.s32 s21, s2  }
0x9d: {  	[timem:s6], [sflag:s22] =	dma.local [hbm:s4], s20  }
0x9e: {  	_ =	swait.ge [sflag:s22], s20  }
0x9f: {  	s3 =	ssub.s32 $0x0, s20;
	[sflag:s22] =	ssyncset.done $0x0  }
0xa0: {  	[sflag:s22] =	ssyncadd.s32 s3;
	_ =	sdelay $0x1  }
0xa1: {  	s23 =	simm.s32 $0x1B8B  }
0xa2: {  	_ =	swait.ge [sflag:s23], $0x1  }
0xa3: {  	[sflag:s23] =	ssyncset.done $0x0  }
0xa4: {  	s25 =	simm.s32 $0x1B8E;
	s24 =	sld [smem:$0x3FFE];
	[sflag:s23] =	ssyncadd.s32 $0xFFFFFFFF  }
0xa5: {  	s26 =	simm.s32 $execute0_lowered;
	[smem:$0x3FD2] =	sst s25  }
0xa6: {  	s4 =	sshll.u32 s26, $0x1;
	_ =	strace $0x80000049;
	[dreg:$0x1] =	wrdreg $0xFFFFFFFF  }
0xa7: {  	s28 =	simm.s32 $_size_execute0_lowered;
	s2 =	sadd.s32 s2, s4;
	[dreg:$0x0] =	wrdreg $0x0  }
0xa8: {  	s4 =	sshll.u32 s28, $0x1;
	[dreg:$0x2] =	wrdreg s2  }
0xa9: {  	[dreg:$0x3] =	wrdreg s4  }
0xaa: {  	[dreg:$0x4] =	wrdreg $0xC0  }
0xab: {  	_ =	task [dreg:s6], $0x5FFFF  }
0xac: {  	[dreg:$0x1] =	wrdreg $0xFFFFFFFF  }
0xad: {  	[dreg:$0x0] =	wrdreg $0x60  }
0xae: {  	[dreg:$0x2] =	wrdreg s24  }
0xaf: {  	[dreg:$0x3] =	wrdreg $0x9B000  }
0xb0: {  	[dreg:$0x4] =	wrdreg $0x9  }
0xb1: {  	_ =	task.clear_ibuf [dreg:s6], $0x5FFFF;
	_ =	strace $0x90000049  }
0xb2: {  	s29 =	simm.s32 $0x9;
	_ =	strace $0x8000004B  }
0xb3: {  	_ =	swait.ge [sflag:s29], $0x1  }
0xb4: {  	[sflag:s29] =	ssyncadd.s32 $0xFFFFFFFF  }
0xb5: {  	_ =	strace $0x9000004B  }
0xb6: {  	_ =	sfence  }
0xb7: {  	s30 =	sld [smem:$0x0];
	_ =	sdelay $0x2  }
0xb8: {  	s31 =	sshll.u32 s1, $0xD;
	s1 =	sshrl.u32 s1, $0x2  }
0xb9: {  	s3 =	sand.u32 $0x4000, s31;
	s1 =	sadd.s32 s1, s30  }
0xba: {  	s0 =	sor.u32 s3, s0;
	s1 =	sshll.u32 s1, $0x11  }
0xbb: {  	s0 =	sor.u32 s1, s0  }
0xbc: {  	s0 =	sadd.s32 $0x8F2B, s0  }
0xbd: {  	[sflag:s0] =	ssyncadd.remote.s32 $0x1  }
0xbe: {  	_ =	sfence.sel $0xFFFF  }
0xbf: {  	[dreg:$0x0] =	wrdreg $0xFFFFFFFF;
	(pc) =	sbr.abs _section_cstart, $3  }
0xc0: {  	[dreg:$0x1] =	wrdreg $0xFFFFFFFF  }
0xc1: {  	_ =	task.clear_ibuf [dreg:s6], $0x2FFFF;
	_ =	strace $0x9FFFFFFF  }
0xc2: {  	(tm) =	ssettm $0x7FFFFFFF  }
0xc3: {  	_ =	shalt  }
tec
execute0_lowered:
.L_overlay_start_1:
0x0: {  	(tag) =	ssettag $0x1  }
0x1: {  	s0 =	rddreg [dreg:$0x0]  }
0x2: {  	s1 =	rddreg [dreg:$0x1]  }
0x3: {  	s3 =	srdreg.scid;
	s2 =	simm.s32 $0x0;
	s4 =	simm.s32 $0x9B  }
0x4: {  	s13 =	stileid.u32;
	s28 =	simm.s32 $0x13B00;
	s29 =	simm.s32 $0xB  }
0x5: {  	s30 =	simm.s32 $0x80;
	s31 =	simm.s32 $0x15B00;
	s3 =	sand.u32 $0x1, s3  }
0x6: {  	[smem:$0x7FF] =	sst s2;
	s5 =	sadd.s32 $0x20800, s0;
	p0 =	seq.s32 s3, $0x0  }
0x7: {  	s11 =	smul.u32 $0x28000, s13;
	s9 =	ssub.s32 $0x2, s3;
	s4 =	simm.s32 @!p0 $0x5  }
0x8: {  	s6 =	sadd.s32 $0x16800, s0;
	s10 =	sshrl.u32 s9, $0x1;
	s7 =	smul.u32 s13, s4  }
0x9: {  	s8 =	sadd.s32 $0x2800, s0;
	s9 =	ssub.s32 s9, s10;
	s12 =	smul.u32 $0xCD, s4  }
0xa: {  	s0 =	sadd.s32 $0x34200, s0;
	s13 =	smul.u32 $0xA000, s13;
	s23 =	smax.u32 s9, $0x1  }
0xb: {  	_ =	strace $0x8000004A;
	s20 =	sshrl.u32 s12, $0xA;
	[dreg:$0xb] =	wrdreg s23  }
0xc: {  	s7 =	sshll.u32 s7, $0x4;
	s21 =	sadd.s32 s13, s1;
	[dreg:$0x9] =	wrdreg s20  }
0xd: {  	s17 =	sadd.s32 $0x9B00, s7;
	[dreg:$0xa] =	wrdreg s21;
	s21 =	simm.s32 $0x1BB00  }
0xe: {  	s19 =	smul.u32 $0xA0000, s3;
	s14 =	sadd.s32 s6, s17;
	[dreg:$0x4] =	wrdreg s21  }
0xf: {  	s18 =	sshrl.u32 s11, $0x2;
	s10 =	sadd.s32 s8, s17;
	[dreg:$0x5] =	wrdreg s14  }
0x10: {  	p0 =	sne.s32 s3, $0x0;
	s6 =	sadd.s32 s6, s7;
	[dreg:$0x6] =	wrdreg s10  }
0x11: {  	s3 =	simm.s32 $0x17B00;
	s7 =	sadd.s32 s8, s7;
	[dreg:$0x7] =	wrdreg s6  }
0x12: {  	s22 =	sadd.s32 s19, s13;
	s8 =	sadd.s32 $0x4000, s13;
	[dreg:$0x8] =	wrdreg s7  }
0x13: {  	s10 =	sadd.s32 s18, s1;
	s7 =	sadd.s32 $0x2000, s13;
	s6 =	sshrl.u32 s22, $0x3  }
0x14: {  	s14 =	sadd.s32 $0x6000, s13;
	s15 =	sadd.s32 s19, s8;
	s13 =	sadd.s32 $0x8000, s13  }
0x15: {  	s24 =	sadd.s32 s19, s7;
	s25 =	sadd.s32 $0x2000, s10;
	s6 =	sadd.s32 s0, s6  }
0x16: {  	s16 =	sadd.s32 s19, s14;
	s9 =	sshrl.u32 s15, $0x3;
	[dreg:$0xc] =	wrdreg s25  }
0x17: {  	s11 =	sadd.s32 s19, s13;
	s20 =	sadd.s32 $0x4000, s10;
	[dreg:$0xd] =	wrdreg s6  }
0x18: {  	s19 =	simm.s32 $0x19B00;
	s22 =	sadd.s32 $0x6000, s10;
	[dreg:$0x12] =	wrdreg s20  }
0x19: {  	s23 =	sadd.s32 s7, s1;
	s7 =	simm.s32 $0x3;
	[dreg:$0x3] =	wrdreg s19  }
0x1a: {  	s15 =	simm.s32 $0xA;
	s26 =	sshrl.u32 s24, $0x3;
	[dreg:$0x13] =	wrdreg s22  }
0x1b: {  	s12 =	sshrl.u32 s16, $0x3;
	s9 =	sadd.s32 s0, s9;
	[dreg:$0x14] =	wrdreg s23  }
0x1c: {  	s18 =	sshrl.u32 s11, $0x3;
	s24 =	sadd.s32 s8, s1;
	[dreg:$0xf] =	wrdreg s9  }
0x1d: {  	s25 =	sadd.s32 s14, s1;
	s8 =	simm.s32 $0x4;
	[dreg:$0x15] =	wrdreg s24  }
0x1e: {  	s11 =	simm.s32 $0x6;
	s6 =	sadd.s32 s0, s26;
	[dreg:$0x16] =	wrdreg s25  }
0x1f: {  	s14 =	simm.s32 $0x9;
	s17 =	sadd.s32 s0, s12;
	[dreg:$0xe] =	wrdreg s6  }
0x20: {  	s16 =	simm.s32 $0x0;
	s0 =	sadd.s32 s0, s18;
	[dreg:$0x10] =	wrdreg s17  }
0x21: {  	s26 =	sadd.s32 s13, s1;
	s9 =	simm.s32 $0x5;
	[dreg:$0x11] =	wrdreg s0  }
0x22: {  	s12 =	simm.s32 $0x7;
	s13 =	simm.s32 $0x8;
	[dreg:$0x17] =	wrdreg s26  }
0x23: {  	v0 =	vimm.f32 $0.0e+00;
	s26 =	sadd.s32 $0x8000, s10;
	s0 =	simm.s32 $0x1;
	s6 =	simm.s32 $0x2  }
.LBB2_1:
0x24: {  	s17 =	simm.s32 @p0 $0x0;
	s18 =	rddreg [dreg:$0x5]  }
0x25: {  	[tilespmem:s17], [sflag:$0xB] =	stream.linear.gather @p0 [hbm4b:s18+s17], $0x280, $0x38;
	[tilespmem:$0x1DB00] =	vst v63  }
0x26: {  	s18 =	simm.s32 @p0 $0xB  }
0x27: {  	_ =	swait.ge @p0 [sflag:s18], $0x280  }
0x28: {  	[sflag:s18] =	ssyncset.done @p0 $0x0  }
0x29: {  	s19 =	simm.s32 @p0 $0x4D80;
	s20 =	rddreg [dreg:$0x6];
	[sflag:s18] =	ssyncadd.s32 @p0 $0xFFFFFD80  }
0x2a: {  	[tilespmem:s19], [sflag:$0xB] =	stream.linear.gather @p0 [hbm4b:s20+s17], $0x280, $0x38;
	[tilespmem:$0x1DB00] =	vst v63  }
0x2b: {  	_ =	swait.ge @p0 [sflag:s18], $0x280  }
0x2c: {  	[sflag:s18] =	ssyncset.done @p0 $0x0  }
0x2d: {  	s17 =	simm.s32 @!p0 $0x0;
	[sflag:s18] =	ssyncadd.s32 @p0 $0xFFFFFD80;
	s18 =	rddreg [dreg:$0x7]  }
0x2e: {  	[tilespmem:s17], [sflag:$0xB] =	stream.linear.gather @!p0 [hbm4b:s18+s17], $0x4D80, $0x38;
	[tilespmem:$0x1DB00] =	vst v63  }
0x2f: {  	s18 =	simm.s32 @!p0 $0xB  }
0x30: {  	_ =	swait.ge @!p0 [sflag:s18], $0x4D80  }
0x31: {  	[sflag:s18] =	ssyncset.done @!p0 $0x0  }
0x32: {  	s19 =	simm.s32 @!p0 $0x4D80;
	s20 =	rddreg [dreg:$0x8];
	[sflag:s18] =	ssyncadd.s32 @!p0 $0xFFFFB280  }
0x33: {  	[tilespmem:s19], [sflag:$0xB] =	stream.linear.gather @!p0 [hbm4b:s20+s17], $0x4D80, $0x38;
	[tilespmem:$0x1DB00] =	vst v63  }
0x34: {  	_ =	swait.ge @!p0 [sflag:s18], $0x4D80  }
0x35: {  	[sflag:s18] =	ssyncset.done @!p0 $0x0  }
0x36: {  	s17 =	simm.s32 $0x0;
	[sflag:s18] =	ssyncadd.s32 @!p0 $0xFFFFB280;
	s18 =	simm.s32 $0x100  }
.LBB2_2:
0x37: {  	p1 =	sne.s32 s18, $0x7F00;
	[tilespmem:s17+$0x13B30] =	vst v0;
	s19 =	smov.u32 s18;
	s18 =	sadd.s32 $0x100, s18  }
.Ltmp0:
0x38: {  	[tilespmem:s17+$0x13B20] =	vst v0;
	(pc) =	sbr.rel @p1 .LBB2_2-.Ltmp0, $3  }
0x39: {  	[tilespmem:s17+$0x13B00] =	vst v0  }
0x3a: {  	[tilespmem:s17+$0x13B10] =	vst v0;
	_ =	sdelay $0x1  }
0x3b: {  	s17 =	sshra.s32 s19, $0x2  }
0x3c: {  	[tilespmem:s17+$0x13B30] =	vst v0  }
0x3d: {  	[tilespmem:s17+$0x13B20] =	vst v0  }
0x3e: {  	[tilespmem:s17+$0x13B00] =	vst v0  }
0x3f: {  	[tilespmem:s17+$0x13B10] =	vst v0  }
0x40: {  	[spmem:s10] =	stream.linear.scatter [tilespmem:s28], [sflag:$0xB], $0x2000, $0x38;
	[tilespmem:$0x1DB00] =	vst v63  }
0x41: {  	_ =	swait.ge [sflag:s29], $0x2000  }
0x42: {  	[sflag:s29] =	ssyncset.done $0x0  }
0x43: {  	s22 =	rddreg [dreg:$0xc];
	[sflag:s29] =	ssyncadd.s32 $0xFFFFE000  }
0x44: {  	[spmem:s22] =	stream.linear.scatter [tilespmem:s28], [sflag:$0xB], $0x2000, $0x38;
	[tilespmem:$0x1DB00] =	vst v63  }
0x45: {  	_ =	swait.ge [sflag:s29], $0x2000  }
0x46: {  	[sflag:s29] =	ssyncset.done $0x0  }
0x47: {  	s23 =	rddreg [dreg:$0x12];
	[sflag:s29] =	ssyncadd.s32 $0xFFFFE000  }
0x48: {  	[spmem:s23] =	stream.linear.scatter [tilespmem:s28], [sflag:$0xB], $0x2000, $0x38;
	[tilespmem:$0x1DB00] =	vst v63  }
0x49: {  	_ =	swait.ge [sflag:s29], $0x2000  }
0x4a: {  	[sflag:s29] =	ssyncset.done $0x0  }
0x4b: {  	s24 =	rddreg [dreg:$0x13];
	[sflag:s29] =	ssyncadd.s32 $0xFFFFE000  }
0x4c: {  	[spmem:s24] =	stream.linear.scatter [tilespmem:s28], [sflag:$0xB], $0x2000, $0x38;
	[tilespmem:$0x1DB00] =	vst v63  }
0x4d: {  	_ =	swait.ge [sflag:s29], $0x2000  }
0x4e: {  	[sflag:s29] =	ssyncset.done $0x0  }
0x4f: {  	[sflag:s29] =	ssyncadd.s32 $0xFFFFE000  }
0x50: {  	[spmem:s26] =	stream.linear.scatter [tilespmem:s28], [sflag:$0xB], $0x2000, $0x38;
	[tilespmem:$0x1DB00] =	vst v63  }
0x51: {  	_ =	swait.ge [sflag:s29], $0x2000  }
0x52: {  	[sflag:s29] =	ssyncset.done $0x0  }
0x53: {  	[sflag:s29] =	ssyncadd.s32 $0xFFFFE000  }
0x54: {  	s17 =	simm.s32 $0x0;
	[bflag:$0x0] =	sbarrier.arrive $0xFFFF  }
0x55: {  	[tilespmem:s28], [sflag:$0x1] =	stream.indirect.gather [hbm4b:s5+s30], $0x40, s17, s30, $0xb8;
	[tilespmem:$0x1DB00] =	vst v63  }
0x56: {  	s25 =	rddreg [dreg:$0x9]  }
0x57: {  	s19 =	sadd.s32 $0xFFFFFFFF, s25  }
0x58: {  	p2 =	sne.s32 s19, $0x0  }
.Ltmp1:
0x59: {  	_ = 	snop;
	(pc) =	sbr.rel @!p2 .LBB2_4-.Ltmp1, $4  }
0x5a: {  	[tilespmem:s31], [sflag:$0x2] =	stream.indirect.gather [hbm4b:s5+s30], $0x40, s30, s30, $0xb8;
	[tilespmem:$0x1DB00] =	vst v63  }
0x5b: {  	s18 =	simm.s32 $0x100;
	p3 =	sle.u32 s4, $0x3  }
0x5c: {  	[tilespmem:s3], [sflag:$0x3] =	stream.indirect.gather [hbm4b:s5+s30], $0x40, s18, s30, $0xb8;
	[tilespmem:$0x1DB00] =	vst v63  }
0x5d: {  	p1 =	por $0x0, $0x0;
	p4 =	por @!p3 $0x1, $0x1;
	s18 =	simm.s32 $0x3  }
0x5e: {  	p1 =	por p4, p3  }
0x5f: {  	s17 =	simm.s32 @!p1 $0x9  }
0x60: {  	_ =	swait.ge @!p1 [sflag:s17], $0x2000  }
0x61: {  	s18 =	simm.s32 @!p3 $0x180;
	s20 =	simm.s32 @!p3 $0x80;
	[sflag:s17] =	ssyncset.done @!p1 $0x0  }
0x62: {  	s21 =	simm.s32 @!p3 $0x19B00;
	[sflag:s17] =	ssyncadd.s32 @!p1 $0xFFFFE000;
	p1 =	sle.u32 s4, $0x4  }
0x63: {  	[tilespmem:s21], [sflag:$0x4] =	stream.indirect.gather @!p3 [hbm4b:s5+s20], $0x40, s18, s20, $0xb8;
	[tilespmem:$0x1DB00] =	vst v63  }
0x64: {  	p2 =	por @!p1 $0x1, $0x1;
	_ =	swait.ge [sflag:s0], $0x2000  }
0x65: {  	p2 =	por p2, p1;
	[sflag:s0] =	ssyncset.done $0x0  }
0x66: {  	s21 =	simm.s32 $0x4D80;
	s18 =	simm.s32 @!p2 $0xA;
	[sflag:s0] =	ssyncadd.s32 $0xFFFFE000  }
0x67: {  	[spmem:s1] =	stream.indirect.scatter.add.f32 [tilespmem:s28], [sflag:$0x6], $0x40, s21, s30, $0xb8;
	[tilespmem:$0x1DB00] =	vst v63  }
0x68: {  	_ =	swait.ge @!p2 [sflag:s18], $0x2000  }
0x69: {  	s17 =	simm.s32 @!p1 $0x200;
	[sflag:s18] =	ssyncset.done @!p2 $0x0  }
0x6a: {  	s20 =	simm.s32 @!p1 $0x1BB00;
	[sflag:s18] =	ssyncadd.s32 @!p2 $0xFFFFE000;
	s18 =	simm.s32 @!p1 $0x80  }
0x6b: {  	[tilespmem:s20], [sflag:$0x5] =	stream.indirect.gather @!p1 [hbm4b:s5+s18], $0x40, s17, s18, $0xb8;
	[tilespmem:$0x1DB00] =	vst v63  }
0x6c: {  	_ =	swait.ge [sflag:s6], $0x2000  }
0x6d: {  	p1 =	sle.u32 s4, $0x5;
	[sflag:s6] =	ssyncset.done $0x0  }
0x6e: {  	s22 =	simm.s32 $0x4E00;
	s17 =	simm.s32 @!p1 $0x6;
	[sflag:s6] =	ssyncadd.s32 $0xFFFFE000  }
0x6f: {  	[spmem:s1] =	stream.indirect.scatter.add.f32 [tilespmem:s31], [sflag:$0x7], $0x40, s22, s30, $0xb8;
	[tilespmem:$0x1DB00] =	vst v63  }
0x70: {  	_ =	swait.ge @!p1 [sflag:s17], $0x2000  }
0x71: {  	s18 =	simm.s32 @!p1 $0x280;
	[sflag:s17] =	ssyncset.done @!p1 $0x0  }
0x72: {  	s20 =	simm.s32 @!p1 $0x80;
	s21 =	simm.s32 @!p1 $0x13B00;
	[sflag:s17] =	ssyncadd.s32 @!p1 $0xFFFFE000  }
0x73: {  	[tilespmem:s21], [sflag:$0x1] =	stream.indirect.gather @!p1 [hbm4b:s5+s20], $0x40, s18, s20, $0xb8;
	[tilespmem:$0x1DB00] =	vst v63  }
0x74: {  	_ =	swait.ge [sflag:s7], $0x2000  }
0x75: {  	p1 =	sle.u32 s4, $0x6;
	[sflag:s7] =	ssyncset.done $0x0  }
0x76: {  	s23 =	simm.s32 $0x4E80;
	s18 =	simm.s32 @!p1 $0x7;
	[sflag:s7] =	ssyncadd.s32 $0xFFFFE000  }
0x77: {  	[spmem:s1] =	stream.indirect.scatter.add.f32 [tilespmem:s3], [sflag:$0x8], $0x40, s23, s30, $0xb8;
	[tilespmem:$0x1DB00] =	vst v63  }
0x78: {  	_ =	swait.ge @!p1 [sflag:s18], $0x2000  }
0x79: {  	s17 =	simm.s32 @!p1 $0x300;
	[sflag:s18] =	ssyncset.done @!p1 $0x0  }
0x7a: {  	s20 =	simm.s32 @!p1 $0x80;
	s21 =	simm.s32 @!p1 $0x15B00;
	[sflag:s18] =	ssyncadd.s32 @!p1 $0xFFFFE000  }
0x7b: {  	[tilespmem:s21], [sflag:$0x2] =	stream.indirect.gather @!p1 [hbm4b:s5+s20], $0x40, s17, s20, $0xb8;
	[tilespmem:$0x1DB00] =	vst v63  }
0x7c: {  	s19 =	sadd.s32 $0xFFFFFFFF, s19;
	_ =	swait.ge [sflag:s8], $0x2000  }
0x7d: {  	s25 =	simm.s32 $0x4F00;
	p1 =	sle.u32 s4, $0x7;
	[sflag:s8] =	ssyncset.done $0x0  }
0x7e: {  	s20 =	simm.s32 @!p1 $0x8;
	s24 =	rddreg [dreg:$0x3];
	[sflag:s8] =	ssyncadd.s32 $0xFFFFE000  }
0x7f: {  	[spmem:s1] =	stream.indirect.scatter.add.f32 [tilespmem:s24], [sflag:$0x9], $0x40, s25, s30, $0xb8;
	[tilespmem:$0x1DB00] =	vst v63  }
0x80: {  	p3 =	sle.u32 s4, $0x8;
	p2 =	sne.s32 s19, $0x0;
	_ =	swait.ge @!p1 [sflag:s20], $0x2000  }
.Ltmp2:
0x81: {  	s17 =	simm.s32 @!p1 $0x380;
	[sflag:s20] =	ssyncset.done @!p1 $0x0;
	(pc) =	sbr.rel @!p2 .LBB2_7-.Ltmp2, $4  }
0x82: {  	s18 =	simm.s32 @!p1 $0x80;
	s21 =	simm.s32 @!p1 $0x17B00;
	[sflag:s20] =	ssyncadd.s32 @!p1 $0xFFFFE000  }
0x83: {  	[tilespmem:s21], [sflag:$0x3] =	stream.indirect.gather @!p1 [hbm4b:s5+s18], $0x40, s17, s18, $0xb8;
	[tilespmem:$0x1DB00] =	vst v63  }
0x84: {  	p4 =	por @!p3 $0x0, $0x0;
	s20 =	simm.s32 $0x0;
	s18 =	simm.s32 $0x8  }
0x85: {  	s17 =	simm.s32 $0xA00;
	p1 =	por $0x1, $0x1;
	_ =	swait.ge [sflag:s9], $0x2000  }
.LBB2_6:
0x86: {  	p4 =	por p4, p3;
	s22 =	rddreg [dreg:$0x4];
	[sflag:s9] =	ssyncset.done $0x0  }
0x87: {  	s20 =	sadd.s32 $0x4F80, s20;
	s23 =	simm.s32 @!p4 $0x9;
	[sflag:s9] =	ssyncadd.s32 $0xFFFFE000  }
0x88: {  	[spmem:s1] =	stream.indirect.scatter.add.f32 [tilespmem:s22], [sflag:$0xA], $0x40, s20, s30, $0xb8;
	[tilespmem:$0x1DB00] =	vst v63  }
0x89: {  	s21 =	sshra.s32 @!p3 s17, $0x2;
	s24 =	simm.s32 @!p3 $0x80;
	_ =	swait.ge @!p4 [sflag:s23], $0x2000  }
0x8a: {  	s25 =	simm.s32 @!p3 $0x19B00;
	s22 =	sadd.s32 $0x1, s18;
	[sflag:s23] =	ssyncset.done @!p4 $0x0  }
0x8b: {  	s21 =	sadd.s32 @!p3 $0x180, s21;
	[sflag:s23] =	ssyncadd.s32 @!p4 $0xFFFFE000;
	p4 =	sge.u32 s22, s4  }
0x8c: {  	[tilespmem:s25], [sflag:$0x4] =	stream.indirect.gather @!p3 [hbm4b:s5+s24], $0x40, s21, s24, $0xb8;
	[tilespmem:$0x1DB00] =	vst v63  }
0x8d: {  	p3 =	seq.s32 @!p4 s18, $0x3;
	_ =	swait.ge [sflag:s0], $0x2000  }
0x8e: {  	s20 =	sshra.s32 s17, $0x2;
	p3 =	por p3, p4;
	[sflag:s0] =	ssyncset.done $0x0  }
0x8f: {  	s25 =	sadd.s32 $0x4D80, s20;
	s23 =	simm.s32 @!p3 $0xA;
	[sflag:s0] =	ssyncadd.s32 $0xFFFFE000  }
0x90: {  	[spmem:s1] =	stream.indirect.scatter.add.f32 [tilespmem:s28], [sflag:$0x6], $0x40, s25, s30, $0xb8;
	[tilespmem:$0x1DB00] =	vst v63  }
0x91: {  	_ =	swait.ge @!p3 [sflag:s23], $0x2000  }
0x92: {  	s21 =	sshra.s32 @!p4 s17, $0x2;
	s22 =	simm.s32 @!p4 $0x80;
	[sflag:s23] =	ssyncset.done @!p3 $0x0  }
0x93: {  	s21 =	sadd.s32 @!p4 $0x200, s21;
	[sflag:s23] =	ssyncadd.s32 @!p3 $0xFFFFE000;
	s23 =	simm.s32 @!p4 $0x1BB00  }
0x94: {  	[tilespmem:s23], [sflag:$0x5] =	stream.indirect.gather @!p4 [hbm4b:s5+s22], $0x40, s21, s22, $0xb8;
	[tilespmem:$0x1DB00] =	vst v63  }
0x95: {  	s22 =	sadd.s32 $0x2, s18;
	_ =	swait.ge [sflag:s6], $0x2000  }
0x96: {  	p3 =	sge.u32 s22, s4;
	[sflag:s6] =	ssyncset.done $0x0  }
0x97: {  	s23 =	sadd.s32 $0x4E00, s20;
	s21 =	simm.s32 @!p3 $0x6;
	[sflag:s6] =	ssyncadd.s32 $0xFFFFE000  }
0x98: {  	[spmem:s1] =	stream.indirect.scatter.add.f32 [tilespmem:s31], [sflag:$0x7], $0x40, s23, s30, $0xb8;
	[tilespmem:$0x1DB00] =	vst v63  }
0x99: {  	_ =	swait.ge @!p3 [sflag:s21], $0x2000  }
0x9a: {  	s22 =	sshra.s32 @!p3 s17, $0x2;
	s24 =	simm.s32 @!p3 $0x13B00;
	[sflag:s21] =	ssyncset.done @!p3 $0x0  }
0x9b: {  	s22 =	sadd.s32 @!p3 $0x280, s22;
	s23 =	simm.s32 @!p3 $0x80;
	[sflag:s21] =	ssyncadd.s32 @!p3 $0xFFFFE000  }
0x9c: {  	[tilespmem:s24], [sflag:$0x1] =	stream.indirect.gather @!p3 [hbm4b:s5+s23], $0x40, s22, s23, $0xb8;
	[tilespmem:$0x1DB00] =	vst v63  }
0x9d: {  	s24 =	sadd.s32 $0x3, s18;
	_ =	swait.ge [sflag:s7], $0x2000  }
0x9e: {  	s19 =	sadd.s32 $0xFFFFFFFF, s19;
	p3 =	sge.u32 s24, s4;
	[sflag:s7] =	ssyncset.done $0x0  }
0x9f: {  	s25 =	sadd.s32 $0x4E80, s20;
	s21 =	simm.s32 @!p3 $0x7;
	[sflag:s7] =	ssyncadd.s32 $0xFFFFE000  }
0xa0: {  	[spmem:s1] =	stream.indirect.scatter.add.f32 [tilespmem:s3], [sflag:$0x8], $0x40, s25, s30, $0xb8;
	[tilespmem:$0x1DB00] =	vst v63  }
0xa1: {  	p2 =	sne.s32 s19, $0x0;
	_ =	swait.ge @!p3 [sflag:s21], $0x2000  }
0xa2: {  	s23 =	sshra.s32 @!p3 s17, $0x2;
	s24 =	simm.s32 @!p3 $0x15B00;
	[sflag:s21] =	ssyncset.done @!p3 $0x0  }
0xa3: {  	s22 =	sadd.s32 @!p3 $0x300, s23;
	s23 =	simm.s32 @!p3 $0x80;
	[sflag:s21] =	ssyncadd.s32 @!p3 $0xFFFFE000  }
0xa4: {  	[tilespmem:s24], [sflag:$0x2] =	stream.indirect.gather @!p3 [hbm4b:s5+s23], $0x40, s22, s23, $0xb8;
	[tilespmem:$0x1DB00] =	vst v63  }
0xa5: {  	s25 =	sadd.s32 $0x4F00, s20;
	s24 =	sadd.s32 $0x4, s18;
	_ =	swait.ge [sflag:s8], $0x2000  }
0xa6: {  	s18 =	sadd.s32 $0x5, s18;
	p4 =	sge.u32 s24, s4;
	[sflag:s8] =	ssyncset.done $0x0  }
0xa7: {  	s23 =	rddreg [dreg:$0x3];
	s22 =	simm.s32 @!p4 $0x8;
	[sflag:s8] =	ssyncadd.s32 $0xFFFFE000  }
0xa8: {  	[spmem:s1] =	stream.indirect.scatter.add.f32 [tilespmem:s23], [sflag:$0x9], $0x40, s25, s30, $0xb8;
	[tilespmem:$0x1DB00] =	vst v63  }
.Ltmp3:
0xa9: {  	s24 =	sshra.s32 @!p4 s17, $0x2;
	_ =	swait.ge @!p4 [sflag:s22], $0x2000;
	(pc) =	sbr.rel @p2 .LBB2_6-.Ltmp3, $4  }
0xaa: {  	p3 =	sge.u32 s18, s4;
	s21 =	sadd.s32 @!p4 $0x380, s24;
	[sflag:s22] =	ssyncset.done @!p4 $0x0  }
0xab: {  	s24 =	simm.s32 @!p4 $0x17B00;
	s23 =	simm.s32 @!p4 $0x80;
	[sflag:s22] =	ssyncadd.s32 @!p4 $0xFFFFE000  }
0xac: {  	[tilespmem:s24], [sflag:$0x3] =	stream.indirect.gather @!p4 [hbm4b:s5+s23], $0x40, s21, s23, $0xb8;
	[tilespmem:$0x1DB00] =	vst v63  }
0xad: {  	s17 =	sadd.s32 $0xA00, s17;
	p4 =	seq.s32 @!p3 s18, $0x3;
	_ =	swait.ge [sflag:s9], $0x2000  }
.LBB2_7:
0xae: {  	s19 =	rddreg [dreg:$0x4];
	p2 =	por p4, p3;
	[sflag:s9] =	ssyncset.done @p1 $0x0  }
0xaf: {  	s20 =	sadd.s32 @p1 $0x4F80, s20;
	s22 =	simm.s32 @!p2 $0x9;
	[sflag:s9] =	ssyncadd.s32 @p1 $0xFFFFE000  }
0xb0: {  	[spmem:s1] =	stream.indirect.scatter.add.f32 @p1 [tilespmem:s19], [sflag:$0xA], $0x40, s20, s30, $0xb8;
	[tilespmem:$0x1DB00] =	vst v63  }
0xb1: {  	s21 =	sshra.s32 @!p3 s17, $0x2;
	s25 =	sadd.s32 $0x1, s18;
	_ =	swait.ge @!p2 [sflag:s22], $0x2000  }
0xb2: {  	s19 =	sadd.s32 @!p3 $0x180, s21;
	s21 =	simm.s32 @!p3 $0x80;
	[sflag:s22] =	ssyncset.done @!p2 $0x0  }
0xb3: {  	p1 =	sge.u32 s25, s4;
	[sflag:s22] =	ssyncadd.s32 @!p2 $0xFFFFE000;
	s22 =	simm.s32 @!p3 $0x19B00  }
0xb4: {  	[tilespmem:s22], [sflag:$0x4] =	stream.indirect.gather @!p3 [hbm4b:s5+s21], $0x40, s19, s21, $0xb8;
	[tilespmem:$0x1DB00] =	vst v63  }
0xb5: {  	p2 =	seq.s32 @!p1 s18, $0x3;
	_ =	swait.ge [sflag:s0], $0x2000  }
0xb6: {  	s19 =	sshra.s32 s17, $0x2;
	p2 =	por p2, p1;
	[sflag:s0] =	ssyncset.done $0x0  }
0xb7: {  	s23 =	sadd.s32 $0x4D80, s19;
	s21 =	simm.s32 @!p2 $0xA;
	[sflag:s0] =	ssyncadd.s32 $0xFFFFE000  }
0xb8: {  	[spmem:s1] =	stream.indirect.scatter.add.f32 [tilespmem:s28], [sflag:$0x6], $0x40, s23, s30, $0xb8;
	[tilespmem:$0x1DB00] =	vst v63  }
0xb9: {  	s20 =	sshra.s32 @!p1 s17, $0x2;
	_ =	swait.ge @!p2 [sflag:s21], $0x2000  }
0xba: {  	s20 =	sadd.s32 @!p1 $0x200, s20;
	[sflag:s21] =	ssyncset.done @!p2 $0x0  }
0xbb: {  	s22 =	simm.s32 @!p1 $0x1BB00;
	[sflag:s21] =	ssyncadd.s32 @!p2 $0xFFFFE000;
	s21 =	simm.s32 @!p1 $0x80  }
0xbc: {  	[tilespmem:s22], [sflag:$0x5] =	stream.indirect.gather @!p1 [hbm4b:s5+s21], $0x40, s20, s21, $0xb8;
	[tilespmem:$0x1DB00] =	vst v63  }
0xbd: {  	s24 =	sadd.s32 $0x2, s18;
	_ =	swait.ge [sflag:s6], $0x2000  }
0xbe: {  	p1 =	sge.u32 s24, s4;
	[sflag:s6] =	ssyncset.done $0x0  }
0xbf: {  	s25 =	sadd.s32 $0x4E00, s19;
	s20 =	simm.s32 @!p1 $0x6;
	[sflag:s6] =	ssyncadd.s32 $0xFFFFE000  }
0xc0: {  	[spmem:s1] =	stream.indirect.scatter.add.f32 [tilespmem:s31], [sflag:$0x7], $0x40, s25, s30, $0xb8;
	[tilespmem:$0x1DB00] =	vst v63  }
0xc1: {  	_ =	swait.ge @!p1 [sflag:s20], $0x2000  }
0xc2: {  	s21 =	sshra.s32 @!p1 s17, $0x2;
	s22 =	simm.s32 @!p1 $0x80;
	[sflag:s20] =	ssyncset.done @!p1 $0x0  }
0xc3: {  	s21 =	sadd.s32 @!p1 $0x280, s21;
	[sflag:s20] =	ssyncadd.s32 @!p1 $0xFFFFE000;
	s20 =	simm.s32 @!p1 $0x13B00  }
0xc4: {  	[tilespmem:s20], [sflag:$0x1] =	stream.indirect.gather @!p1 [hbm4b:s5+s22], $0x40, s21, s22, $0xb8;
	[tilespmem:$0x1DB00] =	vst v63  }
0xc5: {  	s21 =	sadd.s32 $0x3, s18;
	_ =	swait.ge [sflag:s7], $0x2000  }
0xc6: {  	p1 =	sge.u32 s21, s4;
	[sflag:s7] =	ssyncset.done $0x0  }
0xc7: {  	s22 =	sadd.s32 $0x4E80, s19;
	s21 =	simm.s32 @!p1 $0x7;
	[sflag:s7] =	ssyncadd.s32 $0xFFFFE000  }
0xc8: {  	[spmem:s1] =	stream.indirect.scatter.add.f32 [tilespmem:s3], [sflag:$0x8], $0x40, s22, s30, $0xb8;
	[tilespmem:$0x1DB00] =	vst v63  }
0xc9: {  	s20 =	sshra.s32 @!p1 s17, $0x2;
	_ =	swait.ge @!p1 [sflag:s21], $0x2000  }
0xca: {  	s20 =	sadd.s32 @!p1 $0x300, s20;
	[sflag:s21] =	ssyncset.done @!p1 $0x0  }
0xcb: {  	s22 =	simm.s32 @!p1 $0x80;
	[sflag:s21] =	ssyncadd.s32 @!p1 $0xFFFFE000;
	s21 =	simm.s32 @!p1 $0x15B00  }
0xcc: {  	[tilespmem:s21], [sflag:$0x2] =	stream.indirect.gather @!p1 [hbm4b:s5+s22], $0x40, s20, s22, $0xb8;
	[tilespmem:$0x1DB00] =	vst v63  }
0xcd: {  	s24 =	sadd.s32 $0x4, s18;
	_ =	swait.ge [sflag:s8], $0x2000  }
0xce: {  	s25 =	sadd.s32 $0x4F00, s19;
	p1 =	sge.u32 s24, s4;
	[sflag:s8] =	ssyncset.done $0x0  }
0xcf: {  	s18 =	simm.s32 @!p1 $0x8;
	s23 =	rddreg [dreg:$0x3];
	[sflag:s8] =	ssyncadd.s32 $0xFFFFE000  }
0xd0: {  	[spmem:s1] =	stream.indirect.scatter.add.f32 [tilespmem:s23], [sflag:$0x9], $0x40, s25, s30, $0xb8;
	[tilespmem:$0x1DB00] =	vst v63  }
0xd1: {  	_ =	swait.ge @!p1 [sflag:s18], $0x2000  }
0xd2: {  	s17 =	sshra.s32 @!p1 s17, $0x2;
	s20 =	simm.s32 @!p1 $0x80;
	[sflag:s18] =	ssyncset.done @!p1 $0x0  }
0xd3: {  	s17 =	sadd.s32 @!p1 $0x380, s17;
	[sflag:s18] =	ssyncadd.s32 @!p1 $0xFFFFE000;
	s18 =	simm.s32 @!p1 $0x17B00  }
0xd4: {  	[tilespmem:s18], [sflag:$0x3] =	stream.indirect.gather @!p1 [hbm4b:s5+s20], $0x40, s17, s20, $0xb8;
	[tilespmem:$0x1DB00] =	vst v63  }
0xd5: {  	_ =	swait.ge [sflag:s9], $0x2000  }
0xd6: {  	[sflag:s9] =	ssyncset.done $0x0  }
0xd7: {  	s22 =	sadd.s32 $0x4F80, s19;
	s21 =	rddreg [dreg:$0x4];
	[sflag:s9] =	ssyncadd.s32 $0xFFFFE000  }
0xd8: {  	[spmem:s1] =	stream.indirect.scatter.add.f32 [tilespmem:s21], [sflag:$0xA], $0x40, s22, s30, $0xb8;
	[tilespmem:$0x1DB00] =	vst v63  }
0xd9: {  	_ =	swait.ge [sflag:s11], $0x2000  }
0xda: {  	[sflag:s11] =	ssyncset.done $0x0  }
0xdb: {  	[sflag:s11] =	ssyncadd.s32 $0xFFFFE000  }
0xdc: {  	_ =	swait.ge [sflag:s12], $0x2000  }
0xdd: {  	[sflag:s12] =	ssyncset.done $0x0  }
0xde: {  	[sflag:s12] =	ssyncadd.s32 $0xFFFFE000  }
0xdf: {  	_ =	swait.ge [sflag:s13], $0x2000  }
0xe0: {  	[sflag:s13] =	ssyncset.done $0x0  }
0xe1: {  	[sflag:s13] =	ssyncadd.s32 $0xFFFFE000  }
0xe2: {  	_ =	swait.ge [sflag:s14], $0x2000  }
0xe3: {  	[sflag:s14] =	ssyncset.done $0x0  }
0xe4: {  	[sflag:s14] =	ssyncadd.s32 $0xFFFFE000  }
0xe5: {  	_ =	swait.ge [sflag:s15], $0x2000  }
0xe6: {  	[sflag:s15] =	ssyncset.done $0x0  }
0xe7: {  	[sflag:s15] =	ssyncadd.s32 $0xFFFFE000  }
0xe8: {  	[bflag:$0x0] =	sbarrier.arrive $0xFFFF  }
0xe9: {  	s23 =	rddreg [dreg:$0xa]  }
0xea: {  	[tilespmem:s28], [sflag:$0xB] =	stream.linear.gather [spmem:s23], $0x2000, $0x38;
	[tilespmem:$0x1DB00] =	vst v63  }
0xeb: {  	_ =	swait.ge [sflag:s29], $0x2000  }
0xec: {  	[sflag:s29] =	ssyncset.done $0x0  }
0xed: {  	s24 =	rddreg [dreg:$0xd];
	[sflag:s29] =	ssyncadd.s32 $0xFFFFE000  }
0xee: {  	[hbm4b:s24+s2] =	stream.linear.scatter [tilespmem:s28], [sflag:$0xB], $0x2000, $0x38;
	[tilespmem:$0x1DB00] =	vst v63  }
0xef: {  	_ =	swait.ge [sflag:s29], $0x2000  }
0xf0: {  	[sflag:s29] =	ssyncset.done $0x0  }
0xf1: {  	s25 =	rddreg [dreg:$0x14];
	[sflag:s29] =	ssyncadd.s32 $0xFFFFE000  }
0xf2: {  	[tilespmem:s28], [sflag:$0xB] =	stream.linear.gather [spmem:s25], $0x2000, $0x38;
	[tilespmem:$0x1DB00] =	vst v63  }
0xf3: {  	_ =	swait.ge [sflag:s29], $0x2000  }
0xf4: {  	[sflag:s29] =	ssyncset.done $0x0  }
0xf5: {  	s18 =	rddreg [dreg:$0xe];
	[sflag:s29] =	ssyncadd.s32 $0xFFFFE000  }
0xf6: {  	[hbm4b:s18+s2] =	stream.linear.scatter [tilespmem:s28], [sflag:$0xB], $0x2000, $0x38;
	[tilespmem:$0x1DB00] =	vst v63  }
0xf7: {  	_ =	swait.ge [sflag:s29], $0x2000  }
0xf8: {  	[sflag:s29] =	ssyncset.done $0x0  }
0xf9: {  	s19 =	rddreg [dreg:$0x15];
	[sflag:s29] =	ssyncadd.s32 $0xFFFFE000  }
0xfa: {  	[tilespmem:s28], [sflag:$0xB] =	stream.linear.gather [spmem:s19], $0x2000, $0x38;
	[tilespmem:$0x1DB00] =	vst v63  }
0xfb: {  	_ =	swait.ge [sflag:s29], $0x2000  }
0xfc: {  	[sflag:s29] =	ssyncset.done $0x0  }
0xfd: {  	s20 =	rddreg [dreg:$0xf];
	[sflag:s29] =	ssyncadd.s32 $0xFFFFE000  }
0xfe: {  	[hbm4b:s20+s2] =	stream.linear.scatter [tilespmem:s28], [sflag:$0xB], $0x2000, $0x38;
	[tilespmem:$0x1DB00] =	vst v63  }
0xff: {  	_ =	swait.ge [sflag:s29], $0x2000  }
0x100: {  	[sflag:s29] =	ssyncset.done $0x0  }
0x101: {  	s21 =	rddreg [dreg:$0x16];
	[sflag:s29] =	ssyncadd.s32 $0xFFFFE000  }
0x102: {  	[tilespmem:s28], [sflag:$0xB] =	stream.linear.gather [spmem:s21], $0x2000, $0x38;
	[tilespmem:$0x1DB00] =	vst v63  }
0x103: {  	_ =	swait.ge [sflag:s29], $0x2000  }
0x104: {  	[sflag:s29] =	ssyncset.done $0x0  }
0x105: {  	s22 =	rddreg [dreg:$0x10];
	[sflag:s29] =	ssyncadd.s32 $0xFFFFE000  }
0x106: {  	[hbm4b:s22+s2] =	stream.linear.scatter [tilespmem:s28], [sflag:$0xB], $0x2000, $0x38;
	[tilespmem:$0x1DB00] =	vst v63  }
0x107: {  	_ =	swait.ge [sflag:s29], $0x2000  }
0x108: {  	[sflag:s29] =	ssyncset.done $0x0  }
0x109: {  	s23 =	rddreg [dreg:$0x17];
	[sflag:s29] =	ssyncadd.s32 $0xFFFFE000  }
0x10a: {  	[tilespmem:s28], [sflag:$0xB] =	stream.linear.gather [spmem:s23], $0x2000, $0x38;
	[tilespmem:$0x1DB00] =	vst v63  }
0x10b: {  	_ =	swait.ge [sflag:s29], $0x2000  }
0x10c: {  	[sflag:s29] =	ssyncset.done $0x0  }
0x10d: {  	s24 =	rddreg [dreg:$0x11];
	[sflag:s29] =	ssyncadd.s32 $0xFFFFE000  }
0x10e: {  	[hbm4b:s24+s2] =	stream.linear.scatter [tilespmem:s28], [sflag:$0xB], $0x2000, $0x38;
	[tilespmem:$0x1DB00] =	vst v63  }
0x10f: {  	_ =	swait.ge [sflag:s29], $0x2000  }
0x110: {  	s16 =	sadd.s32 $0x1, s16;
	s25 =	rddreg [dreg:$0xb]  }
0x111: {  	p1 =	sne.s32 s16, s25  }
.Ltmp4:
0x112: {  	_ = 	snop;
	(pc) =	sbr.rel @p1 .LBB2_1-.Ltmp4, $4  }
.Ltmp5:
0x113: {  	_ = 	snop;
	(pc) =	sbr.rel @!p1 .LBB2_8-.Ltmp5, $4  }
0x114: {  	_ = 	snop  }
0x115: {  	[sflag:s29] =	ssyncset.done $0x0  }
0x116: {  	[sflag:s29] =	ssyncadd.s32 $0xFFFFE000  }
0x117: {  	_ = 	snop  }
.LBB2_4:
.Ltmp6:
0x118: {  	(pc) =	sbr.rel .LBB2_7-.Ltmp6, $2  }
0x119: {  	_ =	sdelay $0x2  }
0x11a: {  	_ = 	snop  }
.LBB2_8:
0x11b: {  	_ =	sfence.sel $0x180000  }
0x11c: {  	[bflag:$0x0] =	sbarrier.arrive $0xFFFF  }
0x11d: {  	_ =	strace $0x9000004A  }
0x11e: {  	s0 =	stileid.u32;
	[bflag:$0x2] =	sbarrier.arrive $0xFFFF  }
0x11f: {  	p0 =	sne.s32 s0, $0x0;
	s0 =	rddreg [dreg:$0x2]  }
0x120: {  	s0 =	sadd.s32 @!p0 $0x100000, s0  }
0x121: {  	[sflag:s0] =	ssyncadd.tile.s32 @!p0 $0x1;
	_ =	shalt  }
.Lfunc_end2:
_tile_overlayer_lowered:
.L_overlay_start_2:
0x122: {  	(tag) =	ssettag $0x2  }
0x123: {  	s0 =	rddreg [dreg:$0x0];
	s2 =	stileid.u32  }
0x124: {  	s1 =	rddreg [dreg:$0x1];
	p0 =	sne.s32 s2, $0x0  }
0x125: {  	s3 =	rddreg [dreg:$0x2];
	[bflag:$0x3] =	sbarrier.arrive $0xFFFF;
	s2 =	simm.s32 @!p0 $0x1C0B  }
0x126: {  	[timem:s3], [sflag:s2] =	dma.local @!p0 [hbm:s0], s1  }
0x127: {  	s0 =	simm.s32 @!p0 $0xB  }
0x128: {  	_ =	swait.ge @!p0 [sflag:s0], s1  }
0x129: {  	s1 =	ssub.s32 @!p0 $0x0, s1;
	[sflag:s0] =	ssyncset.done @!p0 $0x0  }
0x12a: {  	[sflag:s0] =	ssyncadd.s32 @!p0 s1  }
0x12b: {  	[bflag:$0x3] =	sbarrier.arrive $0xFFFF  }
0x12c: {  	_ =	shalt  }

// kernel: kernel.14.cloned.1.call-start
scs
__scs_entry_jumppad:
0x0: {  	(pc) =	sbr.rel $0x88, $3  }
0x1: {  	(tag) =	ssettag $0x0;
	lr =	simm.s32 $0x1  }
0x2: {  	[smem:$0x3F92] =	sst lr;
	_ =	strace $0xD0000000  }
0x3: {  	_ = 	snop  }
0x4: {  	_ = 	snop  }
0x5: {  	_ = 	snop  }
0x6: {  	_ = 	snop  }
0x7: {  	_ = 	snop  }
__scs_overlays_trampoline_lowered:
0x8: {  	[smem:$0x3FA1] =	sst s0  }
0x9: {  	[smem:$0x3FA2] =	sst s1  }
0xa: {  	[smem:$0x3FA3] =	sst s2  }
0xb: {  	[smem:$0x3FA4] =	sst s3  }
0xc: {  	[smem:$0x3FA5] =	sst s4  }
0xd: {  	[smem:$0x3FA6] =	sst s5  }
0xe: {  	[smem:$0x3FA7] =	sst s6  }
0xf: {  	[smem:$0x3FA8] =	sst s7  }
0x10: {  	[smem:$0x3FA9] =	sst s8  }
0x11: {  	[smem:$0x3FAA] =	sst s9;
	s0 =	simm.s32 @!p0 $0x0  }
0x12: {  	s1 =	sld [smem:$0x3F90];
	s0 =	simm.s32 @p0 $0x1  }
0x13: {  	[smem:$0x3FAB] =	sst s0;
	s0 =	simm.s32 @!p1 $0x0  }
0x14: {  	s2 =	sld [smem:$0x3F8F];
	s0 =	simm.s32 @p1 $0x1  }
0x15: {  	[smem:$0x3FAC] =	sst s0;
	s0 =	simm.s32 @!p2 $0x0  }
0x16: {  	s3 =	sld [smem:$0x3FDB];
	s0 =	simm.s32 @p2 $0x1  }
0x17: {  	s4 =	simm.s32 $0x1BF5;
	[smem:$0x3FAE] =	sst s0  }
0x18: {  	s0 =	sld [smem:$0x3F91];
	_ =	swait.ge [sflag:s4], $0x0  }
0x19: {  	s7 =	sld [smem:$0x3F92]  }
0x1a: {  	s8 =	sadd.s32 $0xFFFFE003, lr  }
0x1b: {  	s9 =	sadd.s32 $0xFFFFFEF7, lr;
	s5 =	simm.s32 $0xFFFFFFFF;
	p2 =	slt.u32 s8, $0xFFFFF086  }
0x1c: {  	p1 =	slt.u32 s9, $0xF7A;
	s5 =	simm.s32 @!p2 $0x0  }
0x1d: {  	s5 =	simm.s32 @p1 $0x1;
	p0 =	seq.s32 s7, s2  }
0x1e: {  	s7 =	smul.u32 @!p0 $0xF7A, s2;
	p2 =	seq.s32 @!p0 s5, $0x0  }
0x1f: {  	s9 =	smul.u32 $0xF7A, s1;
	s8 =	simm.s32 @!p0 $0x1BF5;
	p2 =	por !p2, p0  }
0x20: {  	[sflag:s8] =	ssyncset.s32 @!p0 $0xFFFFF086;
	s6 =	sadd.s32 @!p0 s3, s7;
	s7 =	simm.s32 @!p0 $0x108  }
0x21: {  	s3 =	sadd.s32 s3, s9;
	s6 =	sadd.s32 @!p0 $0x88, s6;
	s7 =	simm.s32 @p2 $0x1082  }
0x22: {  	[simem:s7], [sflag:s8] =	dma.local @!p0 [hbm:s6], $0xF7A  }
0x23: {  	s9 =	sor.u32 $0xD0000000, s2;
	s6 =	simm.s32 $0x108;
	_ =	swait.ge @!p0 [sflag:s8], $0x0  }
0x24: {  	s3 =	sadd.s32 $0x88, s3;
	s6 =	simm.s32 @!p1 $0x1082;
	[sflag:s4] =	ssyncset.s32 $0xFFFFF086  }
0x25: {  	[simem:s6], [sflag:s4] =	dma.local [hbm:s3], $0xF7A  }
0x26: {  	[smem:$0x3F92] =	sst s1;
	(tag) =	ssettag s2;
	_ =	strace s9  }
0x27: {  	s1 =	sld [smem:$0x3FA2]  }
0x28: {  	s2 =	sld [smem:$0x3FA3]  }
0x29: {  	s4 =	sld [smem:$0x3FA5]  }
0x2a: {  	p0 =	seq.s32 s5, $0x0;
	s5 =	sld [smem:$0x3FA6]  }
0x2b: {  	s6 =	sld [smem:$0x3FA7]  }
0x2c: {  	s7 =	sld [smem:$0x3FA8]  }
0x2d: {  	s3 =	simm.s32 $0x108;
	s8 =	sld [smem:$0x3FA9]  }
0x2e: {  	s3 =	simm.s32 @!p0 $0x1082;
	s9 =	sld [smem:$0x3FAA]  }
0x2f: {  	lr =	sadd.s32 s0, s3;
	s0 =	sld [smem:$0x3FA1]  }
0x30: {  	s3 =	sld [smem:$0x3FA4]  }
0x31: {  	[smem:$0x3FAD] =	sst s10  }
0x32: {  	s10 =	sld [smem:$0x3FAB];
	_ =	sdelay $0x3  }
0x33: {  	p0 =	seq.s32 s10, $0x1;
	s10 =	sld [smem:$0x3FAD];
	_ =	sdelay $0x3  }
0x34: {  	[smem:$0x3FAD] =	sst s10  }
0x35: {  	s10 =	sld [smem:$0x3FAC];
	_ =	sdelay $0x3  }
0x36: {  	p1 =	seq.s32 s10, $0x1;
	s10 =	sld [smem:$0x3FAD];
	_ =	sdelay $0x3  }
0x37: {  	[smem:$0x3FAD] =	sst s10  }
0x38: {  	s10 =	sld [smem:$0x3FAE]  }
0x39: {  	_ = 	snop;
	(pc) =	sbr.ind lr, $3  }
0x3a: {  	_ = 	snop  }
0x3b: {  	_ = 	snop  }
0x3c: {  	p2 =	seq.s32 s10, $0x1;
	s10 =	sld [smem:$0x3FAD]  }
0x3d: {  	_ =	shalt  }
0x3e: {  	_ =	shalt  }
0x3f: {  	_ =	shalt  }
0x40: {  	_ =	shalt  }
0x41: {  	_ =	shalt  }
0x42: {  	_ =	shalt  }
0x43: {  	_ =	shalt  }
0x44: {  	_ =	shalt  }
0x45: {  	_ =	shalt  }
0x46: {  	_ =	shalt  }
0x47: {  	_ =	shalt  }
0x48: {  	_ =	shalt  }
0x49: {  	_ =	shalt  }
0x4a: {  	_ =	shalt  }
0x4b: {  	_ =	shalt  }
0x4c: {  	_ =	shalt  }
0x4d: {  	_ =	shalt  }
0x4e: {  	_ =	shalt  }
0x4f: {  	_ =	shalt  }
0x50: {  	_ =	shalt  }
0x51: {  	_ =	shalt  }
0x52: {  	_ =	shalt  }
0x53: {  	_ =	shalt  }
0x54: {  	_ =	shalt  }
0x55: {  	_ =	shalt  }
0x56: {  	_ =	shalt  }
0x57: {  	_ =	shalt  }
0x58: {  	_ =	shalt  }
0x59: {  	_ =	shalt  }
0x5a: {  	_ =	shalt  }
0x5b: {  	_ =	shalt  }
0x5c: {  	_ =	shalt  }
0x5d: {  	_ =	shalt  }
0x5e: {  	_ =	shalt  }
0x5f: {  	_ =	shalt  }
0x60: {  	_ =	shalt  }
0x61: {  	_ =	shalt  }
0x62: {  	_ =	shalt  }
0x63: {  	_ =	shalt  }
0x64: {  	_ =	shalt  }
0x65: {  	_ =	shalt  }
0x66: {  	_ =	shalt  }
0x67: {  	_ =	shalt  }
0x68: {  	_ =	shalt  }
0x69: {  	_ =	shalt  }
0x6a: {  	_ =	shalt  }
0x6b: {  	_ =	shalt  }
0x6c: {  	_ =	shalt  }
0x6d: {  	_ =	shalt  }
0x6e: {  	_ =	shalt  }
0x6f: {  	_ =	shalt  }
0x70: {  	_ =	shalt  }
0x71: {  	_ =	shalt  }
0x72: {  	_ =	shalt  }
0x73: {  	_ =	shalt  }
0x74: {  	_ =	shalt  }
0x75: {  	_ =	shalt  }
0x76: {  	_ =	shalt  }
0x77: {  	_ =	shalt  }
0x78: {  	_ =	shalt  }
0x79: {  	_ =	shalt  }
0x7a: {  	_ =	shalt  }
0x7b: {  	_ =	shalt  }
0x7c: {  	_ =	shalt  }
0x7d: {  	_ =	shalt  }
0x7e: {  	_ =	shalt  }
0x7f: {  	_ =	shalt  }
0x80: {  	_ =	shalt  }
0x81: {  	_ =	shalt  }
0x82: {  	_ =	shalt  }
0x83: {  	_ =	shalt  }
0x84: {  	_ =	shalt  }
0x85: {  	_ =	shalt  }
0x86: {  	_ =	shalt  }
0x87: {  	_ =	shalt  }
.Lfunc_end0:
.L_simem_size_0:
called_computation.2_lowered:
.L_overlay_start_0:
0x88: {  	s2 =	sld [smem:$0x3FD9]  }
0x89: {  	s3 =	sld [smem:$0x3FFE];
	_ =	sdelay $0x1  }
0x8a: {  	s1 =	srdreg.scid  }
0x8b: {  	s0 =	sand.u32 $0x1, s1  }
0x8c: {  	s16 =	sshll.u32 s0, $0xA;
	s2 =	sadd.s32 s3, s2  }
0x8d: {  	s2 =	sadd.s32 s2, s16  }
0x8e: {  	[smem:$0x3FB9] =	sst s2  }
0x8f: {  	_ = 	snop  }
0x90: {  	(tm) =	ssettm $0x1  }
0x91: {  	s17 =	sld [smem:$0x3FFB];
	_ =	sdelay $0x3  }
0x92: {  	_ =	strace s17  }
0x93: {  	s2 =	sld [smem:$0x3FFC];
	_ =	sdelay $0x3  }
0x94: {  	_ =	strace s2  }
0x95: {  	s2 =	sld [smem:$0x3FFD];
	_ =	sdelay $0x3  }
0x96: {  	_ =	strace s2  }
0x97: {  	_ =	strace $0x8FFFFFFF  }
0x98: {  	s18 =	sld [smem:$0x3FDB];
	_ =	sdelay $0x1  }
0x99: {  	s19 =	simm.s32 $_scs_section_size  }
0x9a: {  	s4 =	simm.s32 $_size__tile_overlayer_lowered;
	s5 =	simm.s32 $_tile_overlayer_lowered  }
0x9b: {  	s22 =	simm.s32 $0x1BFF;
	s21 =	sshll.u32 s5, $0x1;
	s2 =	sadd.s32 s19, s18  }
0x9c: {  	s6 =	simm.s32 $0x0;
	s20 =	sshll.u32 s4, $0x1;
	s4 =	sadd.s32 s21, s2  }
0x9d: {  	[timem:s6], [sflag:s22] =	dma.local [hbm:s4], s20  }
0x9e: {  	_ =	swait.ge [sflag:s22], s20  }
0x9f: {  	s3 =	ssub.s32 $0x0, s20;
	[sflag:s22] =	ssyncset.done $0x0  }
0xa0: {  	[sflag:s22] =	ssyncadd.s32 s3;
	_ =	sdelay $0x1  }
0xa1: {  	s23 =	simm.s32 $0x1B8B  }
0xa2: {  	_ =	swait.ge [sflag:s23], $0x1  }
0xa3: {  	[sflag:s23] =	ssyncset.done $0x0  }
0xa4: {  	s25 =	simm.s32 $0x1B8E;
	s24 =	sld [smem:$0x3FFE];
	[sflag:s23] =	ssyncadd.s32 $0xFFFFFFFF  }
0xa5: {  	s26 =	simm.s32 $execute0_lowered;
	[smem:$0x3FD2] =	sst s25  }
0xa6: {  	s4 =	sshll.u32 s26, $0x1;
	_ =	strace $0x8000004C;
	[dreg:$0x1] =	wrdreg $0xFFFFFFFF  }
0xa7: {  	s28 =	simm.s32 $_size_execute0_lowered;
	s2 =	sadd.s32 s2, s4;
	[dreg:$0x0] =	wrdreg $0x0  }
0xa8: {  	s4 =	sshll.u32 s28, $0x1;
	[dreg:$0x2] =	wrdreg s2  }
0xa9: {  	[dreg:$0x3] =	wrdreg s4  }
0xaa: {  	[dreg:$0x4] =	wrdreg $0xC0  }
0xab: {  	_ =	task [dreg:s6], $0x5FFFF  }
0xac: {  	[dreg:$0x1] =	wrdreg $0xFFFFFFFF  }
0xad: {  	[dreg:$0x0] =	wrdreg $0x60  }
0xae: {  	[dreg:$0x2] =	wrdreg s24  }
0xaf: {  	[dreg:$0x3] =	wrdreg $0x9B000  }
0xb0: {  	[dreg:$0x4] =	wrdreg $0x9  }
0xb1: {  	_ =	task.clear_ibuf [dreg:s6], $0x5FFFF;
	_ =	strace $0x9000004C  }
0xb2: {  	s29 =	simm.s32 $0x9;
	_ =	strace $0x8000004E  }
0xb3: {  	_ =	swait.ge [sflag:s29], $0x1  }
0xb4: {  	[sflag:s29] =	ssyncadd.s32 $0xFFFFFFFF  }
0xb5: {  	_ =	strace $0x9000004E  }
0xb6: {  	_ =	sfence  }
0xb7: {  	s30 =	sld [smem:$0x0];
	_ =	sdelay $0x2  }
0xb8: {  	s31 =	sshll.u32 s1, $0xD;
	s1 =	sshrl.u32 s1, $0x2  }
0xb9: {  	s3 =	sand.u32 $0x4000, s31;
	s1 =	sadd.s32 s1, s30  }
0xba: {  	s0 =	sor.u32 s3, s0;
	s1 =	sshll.u32 s1, $0x11  }
0xbb: {  	s0 =	sor.u32 s1, s0  }
0xbc: {  	s0 =	sadd.s32 $0x8F2B, s0  }
0xbd: {  	[sflag:s0] =	ssyncadd.remote.s32 $0x1  }
0xbe: {  	_ =	sfence.sel $0xFFFF  }
0xbf: {  	[dreg:$0x0] =	wrdreg $0xFFFFFFFF;
	(pc) =	sbr.abs _section_cstart, $3  }
0xc0: {  	[dreg:$0x1] =	wrdreg $0xFFFFFFFF  }
0xc1: {  	_ =	task.clear_ibuf [dreg:s6], $0x2FFFF;
	_ =	strace $0x9FFFFFFF  }
0xc2: {  	(tm) =	ssettm $0x7FFFFFFF  }
0xc3: {  	_ =	shalt  }
tec
execute0_lowered:
.L_overlay_start_1:
0x0: {  	(tag) =	ssettag $0x1  }
0x1: {  	s0 =	rddreg [dreg:$0x0]  }
0x2: {  	s1 =	rddreg [dreg:$0x1]  }
0x3: {  	s3 =	srdreg.scid;
	s2 =	simm.s32 $0x0;
	s4 =	simm.s32 $0x9B  }
0x4: {  	s13 =	stileid.u32;
	s28 =	simm.s32 $0x13B00;
	s29 =	simm.s32 $0xB  }
0x5: {  	s30 =	simm.s32 $0x80;
	s31 =	simm.s32 $0x15B00;
	s3 =	sand.u32 $0x1, s3  }
0x6: {  	[smem:$0x7FF] =	sst s2;
	s5 =	sadd.s32 $0x20800, s0;
	p0 =	seq.s32 s3, $0x0  }
0x7: {  	s11 =	smul.u32 $0x28000, s13;
	s9 =	ssub.s32 $0x2, s3;
	s4 =	simm.s32 @!p0 $0x5  }
0x8: {  	s6 =	sadd.s32 $0x16800, s0;
	s10 =	sshrl.u32 s9, $0x1;
	s7 =	smul.u32 s13, s4  }
0x9: {  	s8 =	sadd.s32 $0x2800, s0;
	s9 =	ssub.s32 s9, s10;
	s12 =	smul.u32 $0xCD, s4  }
0xa: {  	s0 =	sadd.s32 $0x34200, s0;
	s13 =	smul.u32 $0xA000, s13;
	s23 =	smax.u32 s9, $0x1  }
0xb: {  	_ =	strace $0x8000004D;
	s20 =	sshrl.u32 s12, $0xA;
	[dreg:$0xb] =	wrdreg s23  }
0xc: {  	s7 =	sshll.u32 s7, $0x4;
	s21 =	sadd.s32 s13, s1;
	[dreg:$0x9] =	wrdreg s20  }
0xd: {  	s17 =	sadd.s32 $0x9B00, s7;
	[dreg:$0xa] =	wrdreg s21;
	s21 =	simm.s32 $0x1BB00  }
0xe: {  	s19 =	smul.u32 $0xA0000, s3;
	s14 =	sadd.s32 s6, s17;
	[dreg:$0x4] =	wrdreg s21  }
0xf: {  	s18 =	sshrl.u32 s11, $0x2;
	s10 =	sadd.s32 s8, s17;
	[dreg:$0x5] =	wrdreg s14  }
0x10: {  	p0 =	sne.s32 s3, $0x0;
	s6 =	sadd.s32 s6, s7;
	[dreg:$0x6] =	wrdreg s10  }
0x11: {  	s3 =	simm.s32 $0x17B00;
	s7 =	sadd.s32 s8, s7;
	[dreg:$0x7] =	wrdreg s6  }
0x12: {  	s22 =	sadd.s32 s19, s13;
	s8 =	sadd.s32 $0x4000, s13;
	[dreg:$0x8] =	wrdreg s7  }
0x13: {  	s10 =	sadd.s32 s18, s1;
	s7 =	sadd.s32 $0x2000, s13;
	s6 =	sshrl.u32 s22, $0x3  }
0x14: {  	s14 =	sadd.s32 $0x6000, s13;
	s15 =	sadd.s32 s19, s8;
	s13 =	sadd.s32 $0x8000, s13  }
0x15: {  	s24 =	sadd.s32 s19, s7;
	s25 =	sadd.s32 $0x2000, s10;
	s6 =	sadd.s32 s0, s6  }
0x16: {  	s16 =	sadd.s32 s19, s14;
	s9 =	sshrl.u32 s15, $0x3;
	[dreg:$0xc] =	wrdreg s25  }
0x17: {  	s11 =	sadd.s32 s19, s13;
	s20 =	sadd.s32 $0x4000, s10;
	[dreg:$0xd] =	wrdreg s6  }
0x18: {  	s19 =	simm.s32 $0x19B00;
	s22 =	sadd.s32 $0x6000, s10;
	[dreg:$0x12] =	wrdreg s20  }
0x19: {  	s23 =	sadd.s32 s7, s1;
	s7 =	simm.s32 $0x3;
	[dreg:$0x3] =	wrdreg s19  }
0x1a: {  	s15 =	simm.s32 $0xA;
	s26 =	sshrl.u32 s24, $0x3;
	[dreg:$0x13] =	wrdreg s22  }
0x1b: {  	s12 =	sshrl.u32 s16, $0x3;
	s9 =	sadd.s32 s0, s9;
	[dreg:$0x14] =	wrdreg s23  }
0x1c: {  	s18 =	sshrl.u32 s11, $0x3;
	s24 =	sadd.s32 s8, s1;
	[dreg:$0xf] =	wrdreg s9  }
0x1d: {  	s25 =	sadd.s32 s14, s1;
	s8 =	simm.s32 $0x4;
	[dreg:$0x15] =	wrdreg s24  }
0x1e: {  	s11 =	simm.s32 $0x6;
	s6 =	sadd.s32 s0, s26;
	[dreg:$0x16] =	wrdreg s25  }
0x1f: {  	s14 =	simm.s32 $0x9;
	s17 =	sadd.s32 s0, s12;
	[dreg:$0xe] =	wrdreg s6  }
0x20: {  	s16 =	simm.s32 $0x0;
	s0 =	sadd.s32 s0, s18;
	[dreg:$0x10] =	wrdreg s17  }
0x21: {  	s26 =	sadd.s32 s13, s1;
	s9 =	simm.s32 $0x5;
	[dreg:$0x11] =	wrdreg s0  }
0x22: {  	s12 =	simm.s32 $0x7;
	s13 =	simm.s32 $0x8;
	[dreg:$0x17] =	wrdreg s26  }
0x23: {  	v0 =	vimm.f32 $0.0e+00;
	s26 =	sadd.s32 $0x8000, s10;
	s0 =	simm.s32 $0x1;
	s6 =	simm.s32 $0x2  }
.LBB2_1:
0x24: {  	s17 =	simm.s32 @p0 $0x0;
	s18 =	rddreg [dreg:$0x5]  }
0x25: {  	[tilespmem:s17], [sflag:$0xB] =	stream.linear.gather @p0 [hbm4b:s18+s17], $0x280, $0x38;
	[tilespmem:$0x1DB00] =	vst v63  }
0x26: {  	s18 =	simm.s32 @p0 $0xB  }
0x27: {  	_ =	swait.ge @p0 [sflag:s18], $0x280  }
0x28: {  	[sflag:s18] =	ssyncset.done @p0 $0x0  }
0x29: {  	s19 =	simm.s32 @p0 $0x4D80;
	s20 =	rddreg [dreg:$0x6];
	[sflag:s18] =	ssyncadd.s32 @p0 $0xFFFFFD80  }
0x2a: {  	[tilespmem:s19], [sflag:$0xB] =	stream.linear.gather @p0 [hbm4b:s20+s17], $0x280, $0x38;
	[tilespmem:$0x1DB00] =	vst v63  }
0x2b: {  	_ =	swait.ge @p0 [sflag:s18], $0x280  }
0x2c: {  	[sflag:s18] =	ssyncset.done @p0 $0x0  }
0x2d: {  	s17 =	simm.s32 @!p0 $0x0;
	[sflag:s18] =	ssyncadd.s32 @p0 $0xFFFFFD80;
	s18 =	rddreg [dreg:$0x7]  }
0x2e: {  	[tilespmem:s17], [sflag:$0xB] =	stream.linear.gather @!p0 [hbm4b:s18+s17], $0x4D80, $0x38;
	[tilespmem:$0x1DB00] =	vst v63  }
0x2f: {  	s18 =	simm.s32 @!p0 $0xB  }
0x30: {  	_ =	swait.ge @!p0 [sflag:s18], $0x4D80  }
0x31: {  	[sflag:s18] =	ssyncset.done @!p0 $0x0  }
0x32: {  	s19 =	simm.s32 @!p0 $0x4D80;
	s20 =	rddreg [dreg:$0x8];
	[sflag:s18] =	ssyncadd.s32 @!p0 $0xFFFFB280  }
0x33: {  	[tilespmem:s19], [sflag:$0xB] =	stream.linear.gather @!p0 [hbm4b:s20+s17], $0x4D80, $0x38;
	[tilespmem:$0x1DB00] =	vst v63  }
0x34: {  	_ =	swait.ge @!p0 [sflag:s18], $0x4D80  }
0x35: {  	[sflag:s18] =	ssyncset.done @!p0 $0x0  }
0x36: {  	s17 =	simm.s32 $0x0;
	[sflag:s18] =	ssyncadd.s32 @!p0 $0xFFFFB280;
	s18 =	simm.s32 $0x100  }
.LBB2_2:
0x37: {  	p1 =	sne.s32 s18, $0x7F00;
	[tilespmem:s17+$0x13B30] =	vst v0;
	s19 =	smov.u32 s18;
	s18 =	sadd.s32 $0x100, s18  }
.Ltmp0:
0x38: {  	[tilespmem:s17+$0x13B20] =	vst v0;
	(pc) =	sbr.rel @p1 .LBB2_2-.Ltmp0, $3  }
0x39: {  	[tilespmem:s17+$0x13B00] =	vst v0  }
0x3a: {  	[tilespmem:s17+$0x13B10] =	vst v0;
	_ =	sdelay $0x1  }
0x3b: {  	s17 =	sshra.s32 s19, $0x2  }
0x3c: {  	[tilespmem:s17+$0x13B30] =	vst v0  }
0x3d: {  	[tilespmem:s17+$0x13B20] =	vst v0  }
0x3e: {  	[tilespmem:s17+$0x13B00] =	vst v0  }
0x3f: {  	[tilespmem:s17+$0x13B10] =	vst v0  }
0x40: {  	[spmem:s10] =	stream.linear.scatter [tilespmem:s28], [sflag:$0xB], $0x2000, $0x38;
	[tilespmem:$0x1DB00] =	vst v63  }
0x41: {  	_ =	swait.ge [sflag:s29], $0x2000  }
0x42: {  	[sflag:s29] =	ssyncset.done $0x0  }
0x43: {  	s22 =	rddreg [dreg:$0xc];
	[sflag:s29] =	ssyncadd.s32 $0xFFFFE000  }
0x44: {  	[spmem:s22] =	stream.linear.scatter [tilespmem:s28], [sflag:$0xB], $0x2000, $0x38;
	[tilespmem:$0x1DB00] =	vst v63  }
0x45: {  	_ =	swait.ge [sflag:s29], $0x2000  }
0x46: {  	[sflag:s29] =	ssyncset.done $0x0  }
0x47: {  	s23 =	rddreg [dreg:$0x12];
	[sflag:s29] =	ssyncadd.s32 $0xFFFFE000  }
0x48: {  	[spmem:s23] =	stream.linear.scatter [tilespmem:s28], [sflag:$0xB], $0x2000, $0x38;
	[tilespmem:$0x1DB00] =	vst v63  }
0x49: {  	_ =	swait.ge [sflag:s29], $0x2000  }
0x4a: {  	[sflag:s29] =	ssyncset.done $0x0  }
0x4b: {  	s24 =	rddreg [dreg:$0x13];
	[sflag:s29] =	ssyncadd.s32 $0xFFFFE000  }
0x4c: {  	[spmem:s24] =	stream.linear.scatter [tilespmem:s28], [sflag:$0xB], $0x2000, $0x38;
	[tilespmem:$0x1DB00] =	vst v63  }
0x4d: {  	_ =	swait.ge [sflag:s29], $0x2000  }
0x4e: {  	[sflag:s29] =	ssyncset.done $0x0  }
0x4f: {  	[sflag:s29] =	ssyncadd.s32 $0xFFFFE000  }
0x50: {  	[spmem:s26] =	stream.linear.scatter [tilespmem:s28], [sflag:$0xB], $0x2000, $0x38;
	[tilespmem:$0x1DB00] =	vst v63  }
0x51: {  	_ =	swait.ge [sflag:s29], $0x2000  }
0x52: {  	[sflag:s29] =	ssyncset.done $0x0  }
0x53: {  	[sflag:s29] =	ssyncadd.s32 $0xFFFFE000  }
0x54: {  	s17 =	simm.s32 $0x0;
	[bflag:$0x0] =	sbarrier.arrive $0xFFFF  }
0x55: {  	[tilespmem:s28], [sflag:$0x1] =	stream.indirect.gather [hbm4b:s5+s30], $0x40, s17, s30, $0xb8;
	[tilespmem:$0x1DB00] =	vst v63  }
0x56: {  	s25 =	rddreg [dreg:$0x9]  }
0x57: {  	s19 =	sadd.s32 $0xFFFFFFFF, s25  }
0x58: {  	p2 =	sne.s32 s19, $0x0  }
.Ltmp1:
0x59: {  	_ = 	snop;
	(pc) =	sbr.rel @!p2 .LBB2_4-.Ltmp1, $4  }
0x5a: {  	[tilespmem:s31], [sflag:$0x2] =	stream.indirect.gather [hbm4b:s5+s30], $0x40, s30, s30, $0xb8;
	[tilespmem:$0x1DB00] =	vst v63  }
0x5b: {  	s18 =	simm.s32 $0x100;
	p3 =	sle.u32 s4, $0x3  }
0x5c: {  	[tilespmem:s3], [sflag:$0x3] =	stream.indirect.gather [hbm4b:s5+s30], $0x40, s18, s30, $0xb8;
	[tilespmem:$0x1DB00] =	vst v63  }
0x5d: {  	p1 =	por $0x0, $0x0;
	p4 =	por @!p3 $0x1, $0x1;
	s18 =	simm.s32 $0x3  }
0x5e: {  	p1 =	por p4, p3  }
0x5f: {  	s17 =	simm.s32 @!p1 $0x9  }
0x60: {  	_ =	swait.ge @!p1 [sflag:s17], $0x2000  }
0x61: {  	s18 =	simm.s32 @!p3 $0x180;
	s20 =	simm.s32 @!p3 $0x80;
	[sflag:s17] =	ssyncset.done @!p1 $0x0  }
0x62: {  	s21 =	simm.s32 @!p3 $0x19B00;
	[sflag:s17] =	ssyncadd.s32 @!p1 $0xFFFFE000;
	p1 =	sle.u32 s4, $0x4  }
0x63: {  	[tilespmem:s21], [sflag:$0x4] =	stream.indirect.gather @!p3 [hbm4b:s5+s20], $0x40, s18, s20, $0xb8;
	[tilespmem:$0x1DB00] =	vst v63  }
0x64: {  	p2 =	por @!p1 $0x1, $0x1;
	_ =	swait.ge [sflag:s0], $0x2000  }
0x65: {  	p2 =	por p2, p1;
	[sflag:s0] =	ssyncset.done $0x0  }
0x66: {  	s21 =	simm.s32 $0x4D80;
	s18 =	simm.s32 @!p2 $0xA;
	[sflag:s0] =	ssyncadd.s32 $0xFFFFE000  }
0x67: {  	[spmem:s1] =	stream.indirect.scatter.add.f32 [tilespmem:s28], [sflag:$0x6], $0x40, s21, s30, $0xb8;
	[tilespmem:$0x1DB00] =	vst v63  }
0x68: {  	_ =	swait.ge @!p2 [sflag:s18], $0x2000  }
0x69: {  	s17 =	simm.s32 @!p1 $0x200;
	[sflag:s18] =	ssyncset.done @!p2 $0x0  }
0x6a: {  	s20 =	simm.s32 @!p1 $0x1BB00;
	[sflag:s18] =	ssyncadd.s32 @!p2 $0xFFFFE000;
	s18 =	simm.s32 @!p1 $0x80  }
0x6b: {  	[tilespmem:s20], [sflag:$0x5] =	stream.indirect.gather @!p1 [hbm4b:s5+s18], $0x40, s17, s18, $0xb8;
	[tilespmem:$0x1DB00] =	vst v63  }
0x6c: {  	_ =	swait.ge [sflag:s6], $0x2000  }
0x6d: {  	p1 =	sle.u32 s4, $0x5;
	[sflag:s6] =	ssyncset.done $0x0  }
0x6e: {  	s22 =	simm.s32 $0x4E00;
	s17 =	simm.s32 @!p1 $0x6;
	[sflag:s6] =	ssyncadd.s32 $0xFFFFE000  }
0x6f: {  	[spmem:s1] =	stream.indirect.scatter.add.f32 [tilespmem:s31], [sflag:$0x7], $0x40, s22, s30, $0xb8;
	[tilespmem:$0x1DB00] =	vst v63  }
0x70: {  	_ =	swait.ge @!p1 [sflag:s17], $0x2000  }
0x71: {  	s18 =	simm.s32 @!p1 $0x280;
	[sflag:s17] =	ssyncset.done @!p1 $0x0  }
0x72: {  	s20 =	simm.s32 @!p1 $0x80;
	s21 =	simm.s32 @!p1 $0x13B00;
	[sflag:s17] =	ssyncadd.s32 @!p1 $0xFFFFE000  }
0x73: {  	[tilespmem:s21], [sflag:$0x1] =	stream.indirect.gather @!p1 [hbm4b:s5+s20], $0x40, s18, s20, $0xb8;
	[tilespmem:$0x1DB00] =	vst v63  }
0x74: {  	_ =	swait.ge [sflag:s7], $0x2000  }
0x75: {  	p1 =	sle.u32 s4, $0x6;
	[sflag:s7] =	ssyncset.done $0x0  }
0x76: {  	s23 =	simm.s32 $0x4E80;
	s18 =	simm.s32 @!p1 $0x7;
	[sflag:s7] =	ssyncadd.s32 $0xFFFFE000  }
0x77: {  	[spmem:s1] =	stream.indirect.scatter.add.f32 [tilespmem:s3], [sflag:$0x8], $0x40, s23, s30, $0xb8;
	[tilespmem:$0x1DB00] =	vst v63  }
0x78: {  	_ =	swait.ge @!p1 [sflag:s18], $0x2000  }
0x79: {  	s17 =	simm.s32 @!p1 $0x300;
	[sflag:s18] =	ssyncset.done @!p1 $0x0  }
0x7a: {  	s20 =	simm.s32 @!p1 $0x80;
	s21 =	simm.s32 @!p1 $0x15B00;
	[sflag:s18] =	ssyncadd.s32 @!p1 $0xFFFFE000  }
0x7b: {  	[tilespmem:s21], [sflag:$0x2] =	stream.indirect.gather @!p1 [hbm4b:s5+s20], $0x40, s17, s20, $0xb8;
	[tilespmem:$0x1DB00] =	vst v63  }
0x7c: {  	s19 =	sadd.s32 $0xFFFFFFFF, s19;
	_ =	swait.ge [sflag:s8], $0x2000  }
0x7d: {  	s25 =	simm.s32 $0x4F00;
	p1 =	sle.u32 s4, $0x7;
	[sflag:s8] =	ssyncset.done $0x0  }
0x7e: {  	s20 =	simm.s32 @!p1 $0x8;
	s24 =	rddreg [dreg:$0x3];
	[sflag:s8] =	ssyncadd.s32 $0xFFFFE000  }
0x7f: {  	[spmem:s1] =	stream.indirect.scatter.add.f32 [tilespmem:s24], [sflag:$0x9], $0x40, s25, s30, $0xb8;
	[tilespmem:$0x1DB00] =	vst v63  }
0x80: {  	p3 =	sle.u32 s4, $0x8;
	p2 =	sne.s32 s19, $0x0;
	_ =	swait.ge @!p1 [sflag:s20], $0x2000  }
.Ltmp2:
0x81: {  	s17 =	simm.s32 @!p1 $0x380;
	[sflag:s20] =	ssyncset.done @!p1 $0x0;
	(pc) =	sbr.rel @!p2 .LBB2_7-.Ltmp2, $4  }
0x82: {  	s18 =	simm.s32 @!p1 $0x80;
	s21 =	simm.s32 @!p1 $0x17B00;
	[sflag:s20] =	ssyncadd.s32 @!p1 $0xFFFFE000  }
0x83: {  	[tilespmem:s21], [sflag:$0x3] =	stream.indirect.gather @!p1 [hbm4b:s5+s18], $0x40, s17, s18, $0xb8;
	[tilespmem:$0x1DB00] =	vst v63  }
0x84: {  	p4 =	por @!p3 $0x0, $0x0;
	s20 =	simm.s32 $0x0;
	s18 =	simm.s32 $0x8  }
0x85: {  	s17 =	simm.s32 $0xA00;
	p1 =	por $0x1, $0x1;
	_ =	swait.ge [sflag:s9], $0x2000  }
.LBB2_6:
0x86: {  	p4 =	por p4, p3;
	s22 =	rddreg [dreg:$0x4];
	[sflag:s9] =	ssyncset.done $0x0  }
0x87: {  	s20 =	sadd.s32 $0x4F80, s20;
	s23 =	simm.s32 @!p4 $0x9;
	[sflag:s9] =	ssyncadd.s32 $0xFFFFE000  }
0x88: {  	[spmem:s1] =	stream.indirect.scatter.add.f32 [tilespmem:s22], [sflag:$0xA], $0x40, s20, s30, $0xb8;
	[tilespmem:$0x1DB00] =	vst v63  }
0x89: {  	s21 =	sshra.s32 @!p3 s17, $0x2;
	s24 =	simm.s32 @!p3 $0x80;
	_ =	swait.ge @!p4 [sflag:s23], $0x2000  }
0x8a: {  	s25 =	simm.s32 @!p3 $0x19B00;
	s22 =	sadd.s32 $0x1, s18;
	[sflag:s23] =	ssyncset.done @!p4 $0x0  }
0x8b: {  	s21 =	sadd.s32 @!p3 $0x180, s21;
	[sflag:s23] =	ssyncadd.s32 @!p4 $0xFFFFE000;
	p4 =	sge.u32 s22, s4  }
0x8c: {  	[tilespmem:s25], [sflag:$0x4] =	stream.indirect.gather @!p3 [hbm4b:s5+s24], $0x40, s21, s24, $0xb8;
	[tilespmem:$0x1DB00] =	vst v63  }
0x8d: {  	p3 =	seq.s32 @!p4 s18, $0x3;
	_ =	swait.ge [sflag:s0], $0x2000  }
0x8e: {  	s20 =	sshra.s32 s17, $0x2;
	p3 =	por p3, p4;
	[sflag:s0] =	ssyncset.done $0x0  }
0x8f: {  	s25 =	sadd.s32 $0x4D80, s20;
	s23 =	simm.s32 @!p3 $0xA;
	[sflag:s0] =	ssyncadd.s32 $0xFFFFE000  }
0x90: {  	[spmem:s1] =	stream.indirect.scatter.add.f32 [tilespmem:s28], [sflag:$0x6], $0x40, s25, s30, $0xb8;
	[tilespmem:$0x1DB00] =	vst v63  }
0x91: {  	_ =	swait.ge @!p3 [sflag:s23], $0x2000  }
0x92: {  	s21 =	sshra.s32 @!p4 s17, $0x2;
	s22 =	simm.s32 @!p4 $0x80;
	[sflag:s23] =	ssyncset.done @!p3 $0x0  }
0x93: {  	s21 =	sadd.s32 @!p4 $0x200, s21;
	[sflag:s23] =	ssyncadd.s32 @!p3 $0xFFFFE000;
	s23 =	simm.s32 @!p4 $0x1BB00  }
0x94: {  	[tilespmem:s23], [sflag:$0x5] =	stream.indirect.gather @!p4 [hbm4b:s5+s22], $0x40, s21, s22, $0xb8;
	[tilespmem:$0x1DB00] =	vst v63  }
0x95: {  	s22 =	sadd.s32 $0x2, s18;
	_ =	swait.ge [sflag:s6], $0x2000  }
0x96: {  	p3 =	sge.u32 s22, s4;
	[sflag:s6] =	ssyncset.done $0x0  }
0x97: {  	s23 =	sadd.s32 $0x4E00, s20;
	s21 =	simm.s32 @!p3 $0x6;
	[sflag:s6] =	ssyncadd.s32 $0xFFFFE000  }
0x98: {  	[spmem:s1] =	stream.indirect.scatter.add.f32 [tilespmem:s31], [sflag:$0x7], $0x40, s23, s30, $0xb8;
	[tilespmem:$0x1DB00] =	vst v63  }
0x99: {  	_ =	swait.ge @!p3 [sflag:s21], $0x2000  }
0x9a: {  	s22 =	sshra.s32 @!p3 s17, $0x2;
	s24 =	simm.s32 @!p3 $0x13B00;
	[sflag:s21] =	ssyncset.done @!p3 $0x0  }
0x9b: {  	s22 =	sadd.s32 @!p3 $0x280, s22;
	s23 =	simm.s32 @!p3 $0x80;
	[sflag:s21] =	ssyncadd.s32 @!p3 $0xFFFFE000  }
0x9c: {  	[tilespmem:s24], [sflag:$0x1] =	stream.indirect.gather @!p3 [hbm4b:s5+s23], $0x40, s22, s23, $0xb8;
	[tilespmem:$0x1DB00] =	vst v63  }
0x9d: {  	s24 =	sadd.s32 $0x3, s18;
	_ =	swait.ge [sflag:s7], $0x2000  }
0x9e: {  	s19 =	sadd.s32 $0xFFFFFFFF, s19;
	p3 =	sge.u32 s24, s4;
	[sflag:s7] =	ssyncset.done $0x0  }
0x9f: {  	s25 =	sadd.s32 $0x4E80, s20;
	s21 =	simm.s32 @!p3 $0x7;
	[sflag:s7] =	ssyncadd.s32 $0xFFFFE000  }
0xa0: {  	[spmem:s1] =	stream.indirect.scatter.add.f32 [tilespmem:s3], [sflag:$0x8], $0x40, s25, s30, $0xb8;
	[tilespmem:$0x1DB00] =	vst v63  }
0xa1: {  	p2 =	sne.s32 s19, $0x0;
	_ =	swait.ge @!p3 [sflag:s21], $0x2000  }
0xa2: {  	s23 =	sshra.s32 @!p3 s17, $0x2;
	s24 =	simm.s32 @!p3 $0x15B00;
	[sflag:s21] =	ssyncset.done @!p3 $0x0  }
0xa3: {  	s22 =	sadd.s32 @!p3 $0x300, s23;
	s23 =	simm.s32 @!p3 $0x80;
	[sflag:s21] =	ssyncadd.s32 @!p3 $0xFFFFE000  }
0xa4: {  	[tilespmem:s24], [sflag:$0x2] =	stream.indirect.gather @!p3 [hbm4b:s5+s23], $0x40, s22, s23, $0xb8;
	[tilespmem:$0x1DB00] =	vst v63  }
0xa5: {  	s25 =	sadd.s32 $0x4F00, s20;
	s24 =	sadd.s32 $0x4, s18;
	_ =	swait.ge [sflag:s8], $0x2000  }
0xa6: {  	s18 =	sadd.s32 $0x5, s18;
	p4 =	sge.u32 s24, s4;
	[sflag:s8] =	ssyncset.done $0x0  }
0xa7: {  	s23 =	rddreg [dreg:$0x3];
	s22 =	simm.s32 @!p4 $0x8;
	[sflag:s8] =	ssyncadd.s32 $0xFFFFE000  }
0xa8: {  	[spmem:s1] =	stream.indirect.scatter.add.f32 [tilespmem:s23], [sflag:$0x9], $0x40, s25, s30, $0xb8;
	[tilespmem:$0x1DB00] =	vst v63  }
.Ltmp3:
0xa9: {  	s24 =	sshra.s32 @!p4 s17, $0x2;
	_ =	swait.ge @!p4 [sflag:s22], $0x2000;
	(pc) =	sbr.rel @p2 .LBB2_6-.Ltmp3, $4  }
0xaa: {  	p3 =	sge.u32 s18, s4;
	s21 =	sadd.s32 @!p4 $0x380, s24;
	[sflag:s22] =	ssyncset.done @!p4 $0x0  }
0xab: {  	s24 =	simm.s32 @!p4 $0x17B00;
	s23 =	simm.s32 @!p4 $0x80;
	[sflag:s22] =	ssyncadd.s32 @!p4 $0xFFFFE000  }
0xac: {  	[tilespmem:s24], [sflag:$0x3] =	stream.indirect.gather @!p4 [hbm4b:s5+s23], $0x40, s21, s23, $0xb8;
	[tilespmem:$0x1DB00] =	vst v63  }
0xad: {  	s17 =	sadd.s32 $0xA00, s17;
	p4 =	seq.s32 @!p3 s18, $0x3;
	_ =	swait.ge [sflag:s9], $0x2000  }
.LBB2_7:
0xae: {  	s19 =	rddreg [dreg:$0x4];
	p2 =	por p4, p3;
	[sflag:s9] =	ssyncset.done @p1 $0x0  }
0xaf: {  	s20 =	sadd.s32 @p1 $0x4F80, s20;
	s22 =	simm.s32 @!p2 $0x9;
	[sflag:s9] =	ssyncadd.s32 @p1 $0xFFFFE000  }
0xb0: {  	[spmem:s1] =	stream.indirect.scatter.add.f32 @p1 [tilespmem:s19], [sflag:$0xA], $0x40, s20, s30, $0xb8;
	[tilespmem:$0x1DB00] =	vst v63  }
0xb1: {  	s21 =	sshra.s32 @!p3 s17, $0x2;
	s25 =	sadd.s32 $0x1, s18;
	_ =	swait.ge @!p2 [sflag:s22], $0x2000  }
0xb2: {  	s19 =	sadd.s32 @!p3 $0x180, s21;
	s21 =	simm.s32 @!p3 $0x80;
	[sflag:s22] =	ssyncset.done @!p2 $0x0  }
0xb3: {  	p1 =	sge.u32 s25, s4;
	[sflag:s22] =	ssyncadd.s32 @!p2 $0xFFFFE000;
	s22 =	simm.s32 @!p3 $0x19B00  }
0xb4: {  	[tilespmem:s22], [sflag:$0x4] =	stream.indirect.gather @!p3 [hbm4b:s5+s21], $0x40, s19, s21, $0xb8;
	[tilespmem:$0x1DB00] =	vst v63  }
0xb5: {  	p2 =	seq.s32 @!p1 s18, $0x3;
	_ =	swait.ge [sflag:s0], $0x2000  }
0xb6: {  	s19 =	sshra.s32 s17, $0x2;
	p2 =	por p2, p1;
	[sflag:s0] =	ssyncset.done $0x0  }
0xb7: {  	s23 =	sadd.s32 $0x4D80, s19;
	s21 =	simm.s32 @!p2 $0xA;
	[sflag:s0] =	ssyncadd.s32 $0xFFFFE000  }
0xb8: {  	[spmem:s1] =	stream.indirect.scatter.add.f32 [tilespmem:s28], [sflag:$0x6], $0x40, s23, s30, $0xb8;
	[tilespmem:$0x1DB00] =	vst v63  }
0xb9: {  	s20 =	sshra.s32 @!p1 s17, $0x2;
	_ =	swait.ge @!p2 [sflag:s21], $0x2000  }
0xba: {  	s20 =	sadd.s32 @!p1 $0x200, s20;
	[sflag:s21] =	ssyncset.done @!p2 $0x0  }
0xbb: {  	s22 =	simm.s32 @!p1 $0x1BB00;
	[sflag:s21] =	ssyncadd.s32 @!p2 $0xFFFFE000;
	s21 =	simm.s32 @!p1 $0x80  }
0xbc: {  	[tilespmem:s22], [sflag:$0x5] =	stream.indirect.gather @!p1 [hbm4b:s5+s21], $0x40, s20, s21, $0xb8;
	[tilespmem:$0x1DB00] =	vst v63  }
0xbd: {  	s24 =	sadd.s32 $0x2, s18;
	_ =	swait.ge [sflag:s6], $0x2000  }
0xbe: {  	p1 =	sge.u32 s24, s4;
	[sflag:s6] =	ssyncset.done $0x0  }
0xbf: {  	s25 =	sadd.s32 $0x4E00, s19;
	s20 =	simm.s32 @!p1 $0x6;
	[sflag:s6] =	ssyncadd.s32 $0xFFFFE000  }
0xc0: {  	[spmem:s1] =	stream.indirect.scatter.add.f32 [tilespmem:s31], [sflag:$0x7], $0x40, s25, s30, $0xb8;
	[tilespmem:$0x1DB00] =	vst v63  }
0xc1: {  	_ =	swait.ge @!p1 [sflag:s20], $0x2000  }
0xc2: {  	s21 =	sshra.s32 @!p1 s17, $0x2;
	s22 =	simm.s32 @!p1 $0x80;
	[sflag:s20] =	ssyncset.done @!p1 $0x0  }
0xc3: {  	s21 =	sadd.s32 @!p1 $0x280, s21;
	[sflag:s20] =	ssyncadd.s32 @!p1 $0xFFFFE000;
	s20 =	simm.s32 @!p1 $0x13B00  }
0xc4: {  	[tilespmem:s20], [sflag:$0x1] =	stream.indirect.gather @!p1 [hbm4b:s5+s22], $0x40, s21, s22, $0xb8;
	[tilespmem:$0x1DB00] =	vst v63  }
0xc5: {  	s21 =	sadd.s32 $0x3, s18;
	_ =	swait.ge [sflag:s7], $0x2000  }
0xc6: {  	p1 =	sge.u32 s21, s4;
	[sflag:s7] =	ssyncset.done $0x0  }
0xc7: {  	s22 =	sadd.s32 $0x4E80, s19;
	s21 =	simm.s32 @!p1 $0x7;
	[sflag:s7] =	ssyncadd.s32 $0xFFFFE000  }
0xc8: {  	[spmem:s1] =	stream.indirect.scatter.add.f32 [tilespmem:s3], [sflag:$0x8], $0x40, s22, s30, $0xb8;
	[tilespmem:$0x1DB00] =	vst v63  }
0xc9: {  	s20 =	sshra.s32 @!p1 s17, $0x2;
	_ =	swait.ge @!p1 [sflag:s21], $0x2000  }
0xca: {  	s20 =	sadd.s32 @!p1 $0x300, s20;
	[sflag:s21] =	ssyncset.done @!p1 $0x0  }
0xcb: {  	s22 =	simm.s32 @!p1 $0x80;
	[sflag:s21] =	ssyncadd.s32 @!p1 $0xFFFFE000;
	s21 =	simm.s32 @!p1 $0x15B00  }
0xcc: {  	[tilespmem:s21], [sflag:$0x2] =	stream.indirect.gather @!p1 [hbm4b:s5+s22], $0x40, s20, s22, $0xb8;
	[tilespmem:$0x1DB00] =	vst v63  }
0xcd: {  	s24 =	sadd.s32 $0x4, s18;
	_ =	swait.ge [sflag:s8], $0x2000  }
0xce: {  	s25 =	sadd.s32 $0x4F00, s19;
	p1 =	sge.u32 s24, s4;
	[sflag:s8] =	ssyncset.done $0x0  }
0xcf: {  	s18 =	simm.s32 @!p1 $0x8;
	s23 =	rddreg [dreg:$0x3];
	[sflag:s8] =	ssyncadd.s32 $0xFFFFE000  }
0xd0: {  	[spmem:s1] =	stream.indirect.scatter.add.f32 [tilespmem:s23], [sflag:$0x9], $0x40, s25, s30, $0xb8;
	[tilespmem:$0x1DB00] =	vst v63  }
0xd1: {  	_ =	swait.ge @!p1 [sflag:s18], $0x2000  }
0xd2: {  	s17 =	sshra.s32 @!p1 s17, $0x2;
	s20 =	simm.s32 @!p1 $0x80;
	[sflag:s18] =	ssyncset.done @!p1 $0x0  }
0xd3: {  	s17 =	sadd.s32 @!p1 $0x380, s17;
	[sflag:s18] =	ssyncadd.s32 @!p1 $0xFFFFE000;
	s18 =	simm.s32 @!p1 $0x17B00  }
0xd4: {  	[tilespmem:s18], [sflag:$0x3] =	stream.indirect.gather @!p1 [hbm4b:s5+s20], $0x40, s17, s20, $0xb8;
	[tilespmem:$0x1DB00] =	vst v63  }
0xd5: {  	_ =	swait.ge [sflag:s9], $0x2000  }
0xd6: {  	[sflag:s9] =	ssyncset.done $0x0  }
0xd7: {  	s22 =	sadd.s32 $0x4F80, s19;
	s21 =	rddreg [dreg:$0x4];
	[sflag:s9] =	ssyncadd.s32 $0xFFFFE000  }
0xd8: {  	[spmem:s1] =	stream.indirect.scatter.add.f32 [tilespmem:s21], [sflag:$0xA], $0x40, s22, s30, $0xb8;
	[tilespmem:$0x1DB00] =	vst v63  }
0xd9: {  	_ =	swait.ge [sflag:s11], $0x2000  }
0xda: {  	[sflag:s11] =	ssyncset.done $0x0  }
0xdb: {  	[sflag:s11] =	ssyncadd.s32 $0xFFFFE000  }
0xdc: {  	_ =	swait.ge [sflag:s12], $0x2000  }
0xdd: {  	[sflag:s12] =	ssyncset.done $0x0  }
0xde: {  	[sflag:s12] =	ssyncadd.s32 $0xFFFFE000  }
0xdf: {  	_ =	swait.ge [sflag:s13], $0x2000  }
0xe0: {  	[sflag:s13] =	ssyncset.done $0x0  }
0xe1: {  	[sflag:s13] =	ssyncadd.s32 $0xFFFFE000  }
0xe2: {  	_ =	swait.ge [sflag:s14], $0x2000  }
0xe3: {  	[sflag:s14] =	ssyncset.done $0x0  }
0xe4: {  	[sflag:s14] =	ssyncadd.s32 $0xFFFFE000  }
0xe5: {  	_ =	swait.ge [sflag:s15], $0x2000  }
0xe6: {  	[sflag:s15] =	ssyncset.done $0x0  }
0xe7: {  	[sflag:s15] =	ssyncadd.s32 $0xFFFFE000  }
0xe8: {  	[bflag:$0x0] =	sbarrier.arrive $0xFFFF  }
0xe9: {  	s23 =	rddreg [dreg:$0xa]  }
0xea: {  	[tilespmem:s28], [sflag:$0xB] =	stream.linear.gather [spmem:s23], $0x2000, $0x38;
	[tilespmem:$0x1DB00] =	vst v63  }
0xeb: {  	_ =	swait.ge [sflag:s29], $0x2000  }
0xec: {  	[sflag:s29] =	ssyncset.done $0x0  }
0xed: {  	s24 =	rddreg [dreg:$0xd];
	[sflag:s29] =	ssyncadd.s32 $0xFFFFE000  }
0xee: {  	[hbm4b:s24+s2] =	stream.linear.scatter [tilespmem:s28], [sflag:$0xB], $0x2000, $0x38;
	[tilespmem:$0x1DB00] =	vst v63  }
0xef: {  	_ =	swait.ge [sflag:s29], $0x2000  }
0xf0: {  	[sflag:s29] =	ssyncset.done $0x0  }
0xf1: {  	s25 =	rddreg [dreg:$0x14];
	[sflag:s29] =	ssyncadd.s32 $0xFFFFE000  }
0xf2: {  	[tilespmem:s28], [sflag:$0xB] =	stream.linear.gather [spmem:s25], $0x2000, $0x38;
	[tilespmem:$0x1DB00] =	vst v63  }
0xf3: {  	_ =	swait.ge [sflag:s29], $0x2000  }
0xf4: {  	[sflag:s29] =	ssyncset.done $0x0  }
0xf5: {  	s18 =	rddreg [dreg:$0xe];
	[sflag:s29] =	ssyncadd.s32 $0xFFFFE000  }
0xf6: {  	[hbm4b:s18+s2] =	stream.linear.scatter [tilespmem:s28], [sflag:$0xB], $0x2000, $0x38;
	[tilespmem:$0x1DB00] =	vst v63  }
0xf7: {  	_ =	swait.ge [sflag:s29], $0x2000  }
0xf8: {  	[sflag:s29] =	ssyncset.done $0x0  }
0xf9: {  	s19 =	rddreg [dreg:$0x15];
	[sflag:s29] =	ssyncadd.s32 $0xFFFFE000  }
0xfa: {  	[tilespmem:s28], [sflag:$0xB] =	stream.linear.gather [spmem:s19], $0x2000, $0x38;
	[tilespmem:$0x1DB00] =	vst v63  }
0xfb: {  	_ =	swait.ge [sflag:s29], $0x2000  }
0xfc: {  	[sflag:s29] =	ssyncset.done $0x0  }
0xfd: {  	s20 =	rddreg [dreg:$0xf];
	[sflag:s29] =	ssyncadd.s32 $0xFFFFE000  }
0xfe: {  	[hbm4b:s20+s2] =	stream.linear.scatter [tilespmem:s28], [sflag:$0xB], $0x2000, $0x38;
	[tilespmem:$0x1DB00] =	vst v63  }
0xff: {  	_ =	swait.ge [sflag:s29], $0x2000  }
0x100: {  	[sflag:s29] =	ssyncset.done $0x0  }
0x101: {  	s21 =	rddreg [dreg:$0x16];
	[sflag:s29] =	ssyncadd.s32 $0xFFFFE000  }
0x102: {  	[tilespmem:s28], [sflag:$0xB] =	stream.linear.gather [spmem:s21], $0x2000, $0x38;
	[tilespmem:$0x1DB00] =	vst v63  }
0x103: {  	_ =	swait.ge [sflag:s29], $0x2000  }
0x104: {  	[sflag:s29] =	ssyncset.done $0x0  }
0x105: {  	s22 =	rddreg [dreg:$0x10];
	[sflag:s29] =	ssyncadd.s32 $0xFFFFE000  }
0x106: {  	[hbm4b:s22+s2] =	stream.linear.scatter [tilespmem:s28], [sflag:$0xB], $0x2000, $0x38;
	[tilespmem:$0x1DB00] =	vst v63  }
0x107: {  	_ =	swait.ge [sflag:s29], $0x2000  }
0x108: {  	[sflag:s29] =	ssyncset.done $0x0  }
0x109: {  	s23 =	rddreg [dreg:$0x17];
	[sflag:s29] =	ssyncadd.s32 $0xFFFFE000  }
0x10a: {  	[tilespmem:s28], [sflag:$0xB] =	stream.linear.gather [spmem:s23], $0x2000, $0x38;
	[tilespmem:$0x1DB00] =	vst v63  }
0x10b: {  	_ =	swait.ge [sflag:s29], $0x2000  }
0x10c: {  	[sflag:s29] =	ssyncset.done $0x0  }
0x10d: {  	s24 =	rddreg [dreg:$0x11];
	[sflag:s29] =	ssyncadd.s32 $0xFFFFE000  }
0x10e: {  	[hbm4b:s24+s2] =	stream.linear.scatter [tilespmem:s28], [sflag:$0xB], $0x2000, $0x38;
	[tilespmem:$0x1DB00] =	vst v63  }
0x10f: {  	_ =	swait.ge [sflag:s29], $0x2000  }
0x110: {  	s16 =	sadd.s32 $0x1, s16;
	s25 =	rddreg [dreg:$0xb]  }
0x111: {  	p1 =	sne.s32 s16, s25  }
.Ltmp4:
0x112: {  	_ = 	snop;
	(pc) =	sbr.rel @p1 .LBB2_1-.Ltmp4, $4  }
.Ltmp5:
0x113: {  	_ = 	snop;
	(pc) =	sbr.rel @!p1 .LBB2_8-.Ltmp5, $4  }
0x114: {  	_ = 	snop  }
0x115: {  	[sflag:s29] =	ssyncset.done $0x0  }
0x116: {  	[sflag:s29] =	ssyncadd.s32 $0xFFFFE000  }
0x117: {  	_ = 	snop  }
.LBB2_4:
.Ltmp6:
0x118: {  	(pc) =	sbr.rel .LBB2_7-.Ltmp6, $2  }
0x119: {  	_ =	sdelay $0x2  }
0x11a: {  	_ = 	snop  }
.LBB2_8:
0x11b: {  	_ =	sfence.sel $0x180000  }
0x11c: {  	[bflag:$0x0] =	sbarrier.arrive $0xFFFF  }
0x11d: {  	_ =	strace $0x9000004D  }
0x11e: {  	s0 =	stileid.u32;
	[bflag:$0x2] =	sbarrier.arrive $0xFFFF  }
0x11f: {  	p0 =	sne.s32 s0, $0x0;
	s0 =	rddreg [dreg:$0x2]  }
0x120: {  	s0 =	sadd.s32 @!p0 $0x100000, s0  }
0x121: {  	[sflag:s0] =	ssyncadd.tile.s32 @!p0 $0x1;
	_ =	shalt  }
.Lfunc_end2:
_tile_overlayer_lowered:
.L_overlay_start_2:
0x122: {  	(tag) =	ssettag $0x2  }
0x123: {  	s0 =	rddreg [dreg:$0x0];
	s2 =	stileid.u32  }
0x124: {  	s1 =	rddreg [dreg:$0x1];
	p0 =	sne.s32 s2, $0x0  }
0x125: {  	s3 =	rddreg [dreg:$0x2];
	[bflag:$0x3] =	sbarrier.arrive $0xFFFF;
	s2 =	simm.s32 @!p0 $0x1C0B  }
0x126: {  	[timem:s3], [sflag:s2] =	dma.local @!p0 [hbm:s0], s1  }
0x127: {  	s0 =	simm.s32 @!p0 $0xB  }
0x128: {  	_ =	swait.ge @!p0 [sflag:s0], s1  }
0x129: {  	s1 =	ssub.s32 @!p0 $0x0, s1;
	[sflag:s0] =	ssyncset.done @!p0 $0x0  }
0x12a: {  	[sflag:s0] =	ssyncadd.s32 @!p0 s1  }
0x12b: {  	[bflag:$0x3] =	sbarrier.arrive $0xFFFF  }
0x12c: {  	_ =	shalt  }

// kernel: kernel.8.cloned.1.call-start
scs
__scs_entry_jumppad:
0x0: {  	(pc) =	sbr.rel $0x88, $3  }
0x1: {  	(tag) =	ssettag $0x0;
	lr =	simm.s32 $0x1  }
0x2: {  	[smem:$0x3F92] =	sst lr;
	_ =	strace $0xD0000000  }
0x3: {  	_ = 	snop  }
0x4: {  	_ = 	snop  }
0x5: {  	_ = 	snop  }
0x6: {  	_ = 	snop  }
0x7: {  	_ = 	snop  }
__scs_overlays_trampoline_lowered:
0x8: {  	[smem:$0x3FA1] =	sst s0  }
0x9: {  	[smem:$0x3FA2] =	sst s1  }
0xa: {  	[smem:$0x3FA3] =	sst s2  }
0xb: {  	[smem:$0x3FA4] =	sst s3  }
0xc: {  	[smem:$0x3FA5] =	sst s4  }
0xd: {  	[smem:$0x3FA6] =	sst s5  }
0xe: {  	[smem:$0x3FA7] =	sst s6  }
0xf: {  	[smem:$0x3FA8] =	sst s7  }
0x10: {  	[smem:$0x3FA9] =	sst s8  }
0x11: {  	[smem:$0x3FAA] =	sst s9;
	s0 =	simm.s32 @!p0 $0x0  }
0x12: {  	s1 =	sld [smem:$0x3F90];
	s0 =	simm.s32 @p0 $0x1  }
0x13: {  	[smem:$0x3FAB] =	sst s0;
	s0 =	simm.s32 @!p1 $0x0  }
0x14: {  	s2 =	sld [smem:$0x3F8F];
	s0 =	simm.s32 @p1 $0x1  }
0x15: {  	[smem:$0x3FAC] =	sst s0;
	s0 =	simm.s32 @!p2 $0x0  }
0x16: {  	s3 =	sld [smem:$0x3FDB];
	s0 =	simm.s32 @p2 $0x1  }
0x17: {  	s4 =	simm.s32 $0x1BF5;
	[smem:$0x3FAE] =	sst s0  }
0x18: {  	s0 =	sld [smem:$0x3F91];
	_ =	swait.ge [sflag:s4], $0x0  }
0x19: {  	s7 =	sld [smem:$0x3F92]  }
0x1a: {  	s8 =	sadd.s32 $0xFFFFE003, lr  }
0x1b: {  	s9 =	sadd.s32 $0xFFFFFEF7, lr;
	s5 =	simm.s32 $0xFFFFFFFF;
	p2 =	slt.u32 s8, $0xFFFFF086  }
0x1c: {  	p1 =	slt.u32 s9, $0xF7A;
	s5 =	simm.s32 @!p2 $0x0  }
0x1d: {  	s5 =	simm.s32 @p1 $0x1;
	p0 =	seq.s32 s7, s2  }
0x1e: {  	s7 =	smul.u32 @!p0 $0xF7A, s2;
	p2 =	seq.s32 @!p0 s5, $0x0  }
0x1f: {  	s9 =	smul.u32 $0xF7A, s1;
	s8 =	simm.s32 @!p0 $0x1BF5;
	p2 =	por !p2, p0  }
0x20: {  	[sflag:s8] =	ssyncset.s32 @!p0 $0xFFFFF086;
	s6 =	sadd.s32 @!p0 s3, s7;
	s7 =	simm.s32 @!p0 $0x108  }
0x21: {  	s3 =	sadd.s32 s3, s9;
	s6 =	sadd.s32 @!p0 $0x88, s6;
	s7 =	simm.s32 @p2 $0x1082  }
0x22: {  	[simem:s7], [sflag:s8] =	dma.local @!p0 [hbm:s6], $0xF7A  }
0x23: {  	s9 =	sor.u32 $0xD0000000, s2;
	s6 =	simm.s32 $0x108;
	_ =	swait.ge @!p0 [sflag:s8], $0x0  }
0x24: {  	s3 =	sadd.s32 $0x88, s3;
	s6 =	simm.s32 @!p1 $0x1082;
	[sflag:s4] =	ssyncset.s32 $0xFFFFF086  }
0x25: {  	[simem:s6], [sflag:s4] =	dma.local [hbm:s3], $0xF7A  }
0x26: {  	[smem:$0x3F92] =	sst s1;
	(tag) =	ssettag s2;
	_ =	strace s9  }
0x27: {  	s1 =	sld [smem:$0x3FA2]  }
0x28: {  	s2 =	sld [smem:$0x3FA3]  }
0x29: {  	s4 =	sld [smem:$0x3FA5]  }
0x2a: {  	p0 =	seq.s32 s5, $0x0;
	s5 =	sld [smem:$0x3FA6]  }
0x2b: {  	s6 =	sld [smem:$0x3FA7]  }
0x2c: {  	s7 =	sld [smem:$0x3FA8]  }
0x2d: {  	s3 =	simm.s32 $0x108;
	s8 =	sld [smem:$0x3FA9]  }
0x2e: {  	s3 =	simm.s32 @!p0 $0x1082;
	s9 =	sld [smem:$0x3FAA]  }
0x2f: {  	lr =	sadd.s32 s0, s3;
	s0 =	sld [smem:$0x3FA1]  }
0x30: {  	s3 =	sld [smem:$0x3FA4]  }
0x31: {  	[smem:$0x3FAD] =	sst s10  }
0x32: {  	s10 =	sld [smem:$0x3FAB];
	_ =	sdelay $0x3  }
0x33: {  	p0 =	seq.s32 s10, $0x1;
	s10 =	sld [smem:$0x3FAD];
	_ =	sdelay $0x3  }
0x34: {  	[smem:$0x3FAD] =	sst s10  }
0x35: {  	s10 =	sld [smem:$0x3FAC];
	_ =	sdelay $0x3  }
0x36: {  	p1 =	seq.s32 s10, $0x1;
	s10 =	sld [smem:$0x3FAD];
	_ =	sdelay $0x3  }
0x37: {  	[smem:$0x3FAD] =	sst s10  }
0x38: {  	s10 =	sld [smem:$0x3FAE]  }
0x39: {  	_ = 	snop;
	(pc) =	sbr.ind lr, $3  }
0x3a: {  	_ = 	snop  }
0x3b: {  	_ = 	snop  }
0x3c: {  	p2 =	seq.s32 s10, $0x1;
	s10 =	sld [smem:$0x3FAD]  }
0x3d: {  	_ =	shalt  }
0x3e: {  	_ =	shalt  }
0x3f: {  	_ =	shalt  }
0x40: {  	_ =	shalt  }
0x41: {  	_ =	shalt  }
0x42: {  	_ =	shalt  }
0x43: {  	_ =	shalt  }
0x44: {  	_ =	shalt  }
0x45: {  	_ =	shalt  }
0x46: {  	_ =	shalt  }
0x47: {  	_ =	shalt  }
0x48: {  	_ =	shalt  }
0x49: {  	_ =	shalt  }
0x4a: {  	_ =	shalt  }
0x4b: {  	_ =	shalt  }
0x4c: {  	_ =	shalt  }
0x4d: {  	_ =	shalt  }
0x4e: {  	_ =	shalt  }
0x4f: {  	_ =	shalt  }
0x50: {  	_ =	shalt  }
0x51: {  	_ =	shalt  }
0x52: {  	_ =	shalt  }
0x53: {  	_ =	shalt  }
0x54: {  	_ =	shalt  }
0x55: {  	_ =	shalt  }
0x56: {  	_ =	shalt  }
0x57: {  	_ =	shalt  }
0x58: {  	_ =	shalt  }
0x59: {  	_ =	shalt  }
0x5a: {  	_ =	shalt  }
0x5b: {  	_ =	shalt  }
0x5c: {  	_ =	shalt  }
0x5d: {  	_ =	shalt  }
0x5e: {  	_ =	shalt  }
0x5f: {  	_ =	shalt  }
0x60: {  	_ =	shalt  }
0x61: {  	_ =	shalt  }
0x62: {  	_ =	shalt  }
0x63: {  	_ =	shalt  }
0x64: {  	_ =	shalt  }
0x65: {  	_ =	shalt  }
0x66: {  	_ =	shalt  }
0x67: {  	_ =	shalt  }
0x68: {  	_ =	shalt  }
0x69: {  	_ =	shalt  }
0x6a: {  	_ =	shalt  }
0x6b: {  	_ =	shalt  }
0x6c: {  	_ =	shalt  }
0x6d: {  	_ =	shalt  }
0x6e: {  	_ =	shalt  }
0x6f: {  	_ =	shalt  }
0x70: {  	_ =	shalt  }
0x71: {  	_ =	shalt  }
0x72: {  	_ =	shalt  }
0x73: {  	_ =	shalt  }
0x74: {  	_ =	shalt  }
0x75: {  	_ =	shalt  }
0x76: {  	_ =	shalt  }
0x77: {  	_ =	shalt  }
0x78: {  	_ =	shalt  }
0x79: {  	_ =	shalt  }
0x7a: {  	_ =	shalt  }
0x7b: {  	_ =	shalt  }
0x7c: {  	_ =	shalt  }
0x7d: {  	_ =	shalt  }
0x7e: {  	_ =	shalt  }
0x7f: {  	_ =	shalt  }
0x80: {  	_ =	shalt  }
0x81: {  	_ =	shalt  }
0x82: {  	_ =	shalt  }
0x83: {  	_ =	shalt  }
0x84: {  	_ =	shalt  }
0x85: {  	_ =	shalt  }
0x86: {  	_ =	shalt  }
0x87: {  	_ =	shalt  }
.Lfunc_end0:
.L_simem_size_0:
called_computation_lowered:
.L_overlay_start_0:
0x88: {  	s2 =	sld [smem:$0x3FD9]  }
0x89: {  	s3 =	sld [smem:$0x3FFE];
	_ =	sdelay $0x1  }
0x8a: {  	s1 =	srdreg.scid  }
0x8b: {  	s0 =	sand.u32 $0x1, s1  }
0x8c: {  	s16 =	sshll.u32 s0, $0xA;
	s2 =	sadd.s32 s3, s2  }
0x8d: {  	s2 =	sadd.s32 s2, s16  }
0x8e: {  	[smem:$0x3FB9] =	sst s2  }
0x8f: {  	_ = 	snop  }
0x90: {  	(tm) =	ssettm $0x1  }
0x91: {  	s17 =	sld [smem:$0x3FFB];
	_ =	sdelay $0x3  }
0x92: {  	_ =	strace s17  }
0x93: {  	s2 =	sld [smem:$0x3FFC];
	_ =	sdelay $0x3  }
0x94: {  	_ =	strace s2  }
0x95: {  	s2 =	sld [smem:$0x3FFD];
	_ =	sdelay $0x3  }
0x96: {  	_ =	strace s2  }
0x97: {  	_ =	strace $0x8FFFFFFF  }
0x98: {  	s18 =	sld [smem:$0x3FDB];
	_ =	sdelay $0x1  }
0x99: {  	s19 =	simm.s32 $_scs_section_size  }
0x9a: {  	s4 =	simm.s32 $_size__tile_overlayer_lowered;
	s5 =	simm.s32 $_tile_overlayer_lowered  }
0x9b: {  	s22 =	simm.s32 $0x1BFF;
	s21 =	sshll.u32 s5, $0x1;
	s2 =	sadd.s32 s19, s18  }
0x9c: {  	s6 =	simm.s32 $0x0;
	s20 =	sshll.u32 s4, $0x1;
	s4 =	sadd.s32 s21, s2  }
0x9d: {  	[timem:s6], [sflag:s22] =	dma.local [hbm:s4], s20  }
0x9e: {  	_ =	swait.ge [sflag:s22], s20  }
0x9f: {  	s3 =	ssub.s32 $0x0, s20;
	[sflag:s22] =	ssyncset.done $0x0  }
0xa0: {  	[sflag:s22] =	ssyncadd.s32 s3;
	_ =	sdelay $0x1  }
0xa1: {  	s23 =	simm.s32 $0x1B8B  }
0xa2: {  	_ =	swait.ge [sflag:s23], $0x1  }
0xa3: {  	[sflag:s23] =	ssyncset.done $0x0  }
0xa4: {  	s25 =	simm.s32 $0x1B8E;
	s24 =	sld [smem:$0x3FFE];
	[sflag:s23] =	ssyncadd.s32 $0xFFFFFFFF  }
0xa5: {  	s26 =	simm.s32 $execute0_lowered;
	[smem:$0x3FD2] =	sst s25  }
0xa6: {  	s4 =	sshll.u32 s26, $0x1;
	_ =	strace $0x80000046;
	[dreg:$0x1] =	wrdreg $0xFFFFFFFF  }
0xa7: {  	s28 =	simm.s32 $_size_execute0_lowered;
	s2 =	sadd.s32 s2, s4;
	[dreg:$0x0] =	wrdreg $0x0  }
0xa8: {  	s4 =	sshll.u32 s28, $0x1;
	[dreg:$0x2] =	wrdreg s2  }
0xa9: {  	[dreg:$0x3] =	wrdreg s4  }
0xaa: {  	[dreg:$0x4] =	wrdreg $0xC0  }
0xab: {  	_ =	task [dreg:s6], $0x5FFFF  }
0xac: {  	[dreg:$0x1] =	wrdreg $0xFFFFFFFF  }
0xad: {  	[dreg:$0x0] =	wrdreg $0x60  }
0xae: {  	[dreg:$0x2] =	wrdreg s24  }
0xaf: {  	[dreg:$0x3] =	wrdreg $0x30000  }
0xb0: {  	[dreg:$0x4] =	wrdreg $0x9  }
0xb1: {  	_ =	task.clear_ibuf [dreg:s6], $0x5FFFF;
	_ =	strace $0x90000046  }
0xb2: {  	s29 =	simm.s32 $0x9;
	_ =	strace $0x80000048  }
0xb3: {  	_ =	swait.ge [sflag:s29], $0x1  }
0xb4: {  	[sflag:s29] =	ssyncadd.s32 $0xFFFFFFFF  }
0xb5: {  	_ =	strace $0x90000048  }
0xb6: {  	_ =	sfence  }
0xb7: {  	s30 =	sld [smem:$0x0];
	_ =	sdelay $0x2  }
0xb8: {  	s31 =	sshll.u32 s1, $0xD;
	s1 =	sshrl.u32 s1, $0x2  }
0xb9: {  	s3 =	sand.u32 $0x4000, s31;
	s1 =	sadd.s32 s1, s30  }
0xba: {  	s0 =	sor.u32 s3, s0;
	s1 =	sshll.u32 s1, $0x11  }
0xbb: {  	s0 =	sor.u32 s1, s0  }
0xbc: {  	s0 =	sadd.s32 $0x8F2B, s0  }
0xbd: {  	[sflag:s0] =	ssyncadd.remote.s32 $0x1  }
0xbe: {  	_ =	sfence.sel $0xFFFF  }
0xbf: {  	[dreg:$0x0] =	wrdreg $0xFFFFFFFF;
	(pc) =	sbr.abs _section_cstart, $3  }
0xc0: {  	[dreg:$0x1] =	wrdreg $0xFFFFFFFF  }
0xc1: {  	_ =	task.clear_ibuf [dreg:s6], $0x2FFFF;
	_ =	strace $0x9FFFFFFF  }
0xc2: {  	(tm) =	ssettm $0x7FFFFFFF  }
0xc3: {  	_ =	shalt  }
tec
execute0_lowered:
.L_overlay_start_1:
0x0: {  	(tag) =	ssettag $0x1  }
0x1: {  	s0 =	srdreg.scid;
	s4 =	rddreg [dreg:$0x0]  }
0x2: {  	s2 =	rddreg [dreg:$0x1];
	s1 =	stileid.u32;
	s3 =	simm.s32 $0x0  }
0x3: {  	s23 =	simm.s32 $0x80;
	s6 =	sand.u32 $0x1, s0;
	s0 =	rddreg [dreg:$0x2]  }
0x4: {  	s24 =	simm.s32 $0x0;
	[smem:$0x7FF] =	sst s3;
	s8 =	smul.u32 $0xA000, s1  }
0x5: {  	s20 =	sadd.s32 $0xC800, s4;
	s16 =	smul.u32 $0x2800, s1;
	s5 =	sshll.u32 s6, $0x4  }
0x6: {  	_ =	strace $0x80000047;
	s7 =	ssub.s32 $0x2, s6;
	s17 =	smul.u32 $0x28000, s6  }
0x7: {  	s5 =	sor.u32 s1, s5;
	s29 =	sshrl.u32 s7, $0x1;
	s8 =	sshrl.u32 s8, $0x2  }
0x8: {  	s6 =	sadd.s32 s16, s2;
	s13 =	sadd.s32 $0x800, s16;
	s18 =	sadd.s32 $0x1000, s16  }
0x9: {  	s19 =	sadd.s32 $0x1800, s16;
	s22 =	sadd.s32 $0x2000, s16;
	s5 =	smul.u32 $0x500, s5  }
0xa: {  	s7 =	ssub.s32 s7, s29;
	s11 =	sadd.s32 s17, s16;
	s14 =	sadd.s32 s17, s13  }
0xb: {  	s13 =	sadd.s32 s13, s2;
	s15 =	sadd.s32 s18, s2;
	s18 =	sadd.s32 s17, s18  }
0xc: {  	s21 =	sadd.s32 s17, s19;
	s31 =	sadd.s32 s17, s22;
	s17 =	sadd.s32 s19, s2  }
0xd: {  	s19 =	sadd.s32 s22, s2;
	s22 =	simm.s32 $0x2800;
	s7 =	smax.u32 s7, $0x1  }
0xe: {  	s12 =	sshrl.u32 s11, $0x3;
	s14 =	sshrl.u32 s14, $0x3;
	s18 =	sshrl.u32 s18, $0x3  }
0xf: {  	s30 =	sshrl.u32 s21, $0x3;
	s21 =	sshrl.u32 s31, $0x3;
	s5 =	sadd.s32 s5, s4  }
0x10: {  	s12 =	sadd.s32 s20, s12;
	s14 =	sadd.s32 s20, s14;
	s16 =	sadd.s32 s20, s18  }
0x11: {  	s18 =	sadd.s32 s20, s30;
	s4 =	sadd.s32 $0x2800, s5;
	s5 =	sadd.s32 s8, s2  }
0x12: {  	s20 =	sadd.s32 s20, s21;
	s21 =	simm.s32 $0x1;
	s8 =	sadd.s32 $0x800, s5  }
0x13: {  	v0 =	vimm.f32 $0.0e+00;
	v1 =	vimm.f32 $1.000000000e+00;
	s9 =	sadd.s32 $0x1000, s5;
	s10 =	sadd.s32 $0x1800, s5;
	s11 =	sadd.s32 $0x2000, s5  }
.LBB2_1:
0x14: {  	[tilespmem:s3], [sflag:$0x1] =	stream.linear.gather [hbm4b:s4+s3], $0x2800, $0x38;
	[tilespmem:$0x5800] =	vst v63  }
0x15: {  	_ =	swait.ge [sflag:s21], $0x2800  }
0x16: {  	[sflag:s21] =	ssyncset.done $0x0  }
0x17: {  	s25 =	simm.s32 $0x40;
	s26 =	simm.s32 $0x0;
	[sflag:s21] =	ssyncadd.s32 $0xFFFFD800  }
.LBB2_2:
0x18: {  	p0 =	sne.s32 s25, $0x1FC0;
	[tilespmem:s26+$0x2800] =	vst v0;
	s26 =	smov.u32 s25;
	s25 =	sadd.s32 $0x40, s25  }
.Ltmp0:
0x19: {  	(pc) =	sbr.rel @p0 .LBB2_2-.Ltmp0, $2  }
0x1a: {  	_ =	sdelay $0x2  }
0x1b: {  	s26 =	sshra.s32 s26, $0x2  }
0x1c: {  	[tilespmem:s26+$0x2800] =	vst v0  }
0x1d: {  	[spmem:s5] =	stream.linear.scatter [tilespmem:s22], [sflag:$0x1], $0x800, $0x38;
	[tilespmem:$0x5800] =	vst v63  }
0x1e: {  	_ =	swait.ge [sflag:s21], $0x800  }
0x1f: {  	[sflag:s21] =	ssyncset.done $0x0  }
0x20: {  	[sflag:s21] =	ssyncadd.s32 $0xFFFFF800  }
0x21: {  	[spmem:s8] =	stream.linear.scatter [tilespmem:s22], [sflag:$0x1], $0x800, $0x38;
	[tilespmem:$0x5800] =	vst v63  }
0x22: {  	_ =	swait.ge [sflag:s21], $0x800  }
0x23: {  	[sflag:s21] =	ssyncset.done $0x0  }
0x24: {  	[sflag:s21] =	ssyncadd.s32 $0xFFFFF800  }
0x25: {  	[spmem:s9] =	stream.linear.scatter [tilespmem:s22], [sflag:$0x1], $0x800, $0x38;
	[tilespmem:$0x5800] =	vst v63  }
0x26: {  	_ =	swait.ge [sflag:s21], $0x800  }
0x27: {  	[sflag:s21] =	ssyncset.done $0x0  }
0x28: {  	[sflag:s21] =	ssyncadd.s32 $0xFFFFF800  }
0x29: {  	[spmem:s10] =	stream.linear.scatter [tilespmem:s22], [sflag:$0x1], $0x800, $0x38;
	[tilespmem:$0x5800] =	vst v63  }
0x2a: {  	_ =	swait.ge [sflag:s21], $0x800  }
0x2b: {  	[sflag:s21] =	ssyncset.done $0x0  }
0x2c: {  	[sflag:s21] =	ssyncadd.s32 $0xFFFFF800  }
0x2d: {  	[spmem:s11] =	stream.linear.scatter [tilespmem:s22], [sflag:$0x1], $0x800, $0x38;
	[tilespmem:$0x5800] =	vst v63  }
0x2e: {  	_ =	swait.ge [sflag:s21], $0x800  }
0x2f: {  	[sflag:s21] =	ssyncset.done $0x0  }
0x30: {  	s25 =	simm.s32 $0x40;
	s26 =	simm.s32 $0x0;
	[sflag:s21] =	ssyncadd.s32 $0xFFFFF800  }
.LBB2_4:
0x31: {  	p0 =	sne.s32 s25, $0x1FC0;
	[tilespmem:s26+$0x2800] =	vst v1;
	s26 =	smov.u32 s25;
	s25 =	sadd.s32 $0x40, s25  }
.Ltmp1:
0x32: {  	(pc) =	sbr.rel @p0 .LBB2_4-.Ltmp1, $2  }
0x33: {  	_ =	sdelay $0x2  }
0x34: {  	s26 =	sshra.s32 s26, $0x2  }
0x35: {  	[tilespmem:s26+$0x2800] =	vst v1  }
0x36: {  	s25 =	simm.s32 $0x0;
	[bflag:$0x0] =	sbarrier.arrive $0xFFFF  }
0x37: {  	[spmem:s2] =	stream.indirect.scatter.add.f32 [tilespmem:s22], [sflag:$0x1], $0x10, s25, s23, $0xb8;
	[tilespmem:$0x5800] =	vst v63  }
0x38: {  	_ =	swait.ge [sflag:s21], $0x800  }
0x39: {  	s25 =	simm.s32 $0x200;
	[sflag:s21] =	ssyncset.done $0x0  }
.LBB2_6:
0x3a: {  	s26 =	sshra.s32 s25, $0x2;
	[sflag:s21] =	ssyncadd.s32 $0xFFFFF800;
	p0 =	sne.s32 s25, $0x9E00  }
0x3b: {  	[spmem:s2] =	stream.indirect.scatter.add.f32 [tilespmem:s22], [sflag:$0x1], $0x10, s26, s23, $0xb8;
	[tilespmem:$0x5800] =	vst v63  }
.Ltmp2:
0x3c: {  	_ = 	snop;
	(pc) =	sbr.rel @p0 .LBB2_6-.Ltmp2, $4  }
0x3d: {  	_ = 	snop  }
0x3e: {  	s25 =	sadd.s32 $0x200, s25  }
0x3f: {  	_ =	swait.ge [sflag:s21], $0x800  }
0x40: {  	[sflag:s21] =	ssyncset.done $0x0  }
0x41: {  	[sflag:s21] =	ssyncadd.s32 $0xFFFFF800  }
0x42: {  	[bflag:$0x0] =	sbarrier.arrive $0xFFFF  }
0x43: {  	[tilespmem:s22], [sflag:$0x1] =	stream.linear.gather [spmem:s6], $0x800, $0x38;
	[tilespmem:$0x5800] =	vst v63  }
0x44: {  	_ =	swait.ge [sflag:s21], $0x800  }
0x45: {  	[sflag:s21] =	ssyncset.done $0x0  }
0x46: {  	[sflag:s21] =	ssyncadd.s32 $0xFFFFF800  }
0x47: {  	[hbm4b:s12+s3] =	stream.linear.scatter [tilespmem:s22], [sflag:$0x1], $0x800, $0x38;
	[tilespmem:$0x5800] =	vst v63  }
0x48: {  	_ =	swait.ge [sflag:s21], $0x800  }
0x49: {  	[sflag:s21] =	ssyncset.done $0x0  }
0x4a: {  	[sflag:s21] =	ssyncadd.s32 $0xFFFFF800  }
0x4b: {  	[tilespmem:s22], [sflag:$0x1] =	stream.linear.gather [spmem:s13], $0x800, $0x38;
	[tilespmem:$0x5800] =	vst v63  }
0x4c: {  	_ =	swait.ge [sflag:s21], $0x800  }
0x4d: {  	[sflag:s21] =	ssyncset.done $0x0  }
0x4e: {  	[sflag:s21] =	ssyncadd.s32 $0xFFFFF800  }
0x4f: {  	[hbm4b:s14+s3] =	stream.linear.scatter [tilespmem:s22], [sflag:$0x1], $0x800, $0x38;
	[tilespmem:$0x5800] =	vst v63  }
0x50: {  	_ =	swait.ge [sflag:s21], $0x800  }
0x51: {  	[sflag:s21] =	ssyncset.done $0x0  }
0x52: {  	[sflag:s21] =	ssyncadd.s32 $0xFFFFF800  }
0x53: {  	[tilespmem:s22], [sflag:$0x1] =	stream.linear.gather [spmem:s15], $0x800, $0x38;
	[tilespmem:$0x5800] =	vst v63  }
0x54: {  	_ =	swait.ge [sflag:s21], $0x800  }
0x55: {  	[sflag:s21] =	ssyncset.done $0x0  }
0x56: {  	[sflag:s21] =	ssyncadd.s32 $0xFFFFF800  }
0x57: {  	[hbm4b:s16+s3] =	stream.linear.scatter [tilespmem:s22], [sflag:$0x1], $0x800, $0x38;
	[tilespmem:$0x5800] =	vst v63  }
0x58: {  	_ =	swait.ge [sflag:s21], $0x800  }
0x59: {  	[sflag:s21] =	ssyncset.done $0x0  }
0x5a: {  	[sflag:s21] =	ssyncadd.s32 $0xFFFFF800  }
0x5b: {  	[tilespmem:s22], [sflag:$0x1] =	stream.linear.gather [spmem:s17], $0x800, $0x38;
	[tilespmem:$0x5800] =	vst v63  }
0x5c: {  	_ =	swait.ge [sflag:s21], $0x800  }
0x5d: {  	[sflag:s21] =	ssyncset.done $0x0  }
0x5e: {  	[sflag:s21] =	ssyncadd.s32 $0xFFFFF800  }
0x5f: {  	[hbm4b:s18+s3] =	stream.linear.scatter [tilespmem:s22], [sflag:$0x1], $0x800, $0x38;
	[tilespmem:$0x5800] =	vst v63  }
0x60: {  	_ =	swait.ge [sflag:s21], $0x800  }
0x61: {  	[sflag:s21] =	ssyncset.done $0x0  }
0x62: {  	[sflag:s21] =	ssyncadd.s32 $0xFFFFF800  }
0x63: {  	[tilespmem:s22], [sflag:$0x1] =	stream.linear.gather [spmem:s19], $0x800, $0x38;
	[tilespmem:$0x5800] =	vst v63  }
0x64: {  	s24 =	sadd.s32 $0x1, s24;
	_ =	swait.ge [sflag:s21], $0x800  }
0x65: {  	p0 =	sne.s32 s24, s7;
	[sflag:s21] =	ssyncset.done $0x0  }
.Ltmp3:
0x66: {  	[sflag:s21] =	ssyncadd.s32 $0xFFFFF800;
	(pc) =	sbr.rel @p0 .LBB2_1-.Ltmp3, $4  }
0x67: {  	[hbm4b:s20+s3] =	stream.linear.scatter [tilespmem:s22], [sflag:$0x1], $0x800, $0x38;
	[tilespmem:$0x5800] =	vst v63  }
0x68: {  	_ =	swait.ge [sflag:s21], $0x800  }
0x69: {  	[sflag:s21] =	ssyncset.done $0x0  }
0x6a: {  	[sflag:s21] =	ssyncadd.s32 $0xFFFFF800  }
0x6b: {  	_ =	sfence.sel $0x180000  }
0x6c: {  	[bflag:$0x0] =	sbarrier.arrive $0xFFFF  }
0x6d: {  	p0 =	sne.s32 s1, $0x0;
	_ =	strace $0x90000047  }
0x6e: {  	s0 =	sadd.s32 @!p0 $0x100000, s0;
	[bflag:$0x2] =	sbarrier.arrive $0xFFFF  }
0x6f: {  	[sflag:s0] =	ssyncadd.tile.s32 @!p0 $0x1;
	_ =	shalt  }
.Lfunc_end2:
_tile_overlayer_lowered:
.L_overlay_start_2:
0x70: {  	(tag) =	ssettag $0x2  }
0x71: {  	s0 =	rddreg [dreg:$0x0];
	s2 =	stileid.u32  }
0x72: {  	s1 =	rddreg [dreg:$0x1];
	p0 =	sne.s32 s2, $0x0  }
0x73: {  	s3 =	rddreg [dreg:$0x2];
	[bflag:$0x3] =	sbarrier.arrive $0xFFFF;
	s2 =	simm.s32 @!p0 $0x1C01  }
0x74: {  	[timem:s3], [sflag:s2] =	dma.local @!p0 [hbm:s0], s1  }
0x75: {  	s0 =	simm.s32 @!p0 $0x1  }
0x76: {  	_ =	swait.ge @!p0 [sflag:s0], s1  }
0x77: {  	s1 =	ssub.s32 @!p0 $0x0, s1;
	[sflag:s0] =	ssyncset.done @!p0 $0x0  }
0x78: {  	[sflag:s0] =	ssyncadd.s32 @!p0 s1  }
0x79: {  	[bflag:$0x3] =	sbarrier.arrive $0xFFFF  }
0x7a: {  	_ =	shalt  }

</sc_bundles>
